<compile_context>
chip_gen: v7x
topology: tpu7x:2x2x1
jax: 0.10.2.dev20260603
libtpu: 0.0.44.dev20260713+nightly
codegen_flags: <defaults>
</compile_context>

<pallas_src>
import dataclasses

import numpy as np

import jax
import jax.numpy as jnp
from jax import lax
from jax.experimental import pallas as pl
from jax.experimental.pallas import tpu as pltpu
from jax.experimental.pallas import tpu_sc as plsc

B, T, FX = 256, 64, 128
INFO = 256
EM_IN = 128
OH_OUT = 64
N_LAYER = 1024
NUM_LAYERS = 4
K = 512

NR = NUM_LAYERS * B
NW = 32
RPW = NR // NW
GRP = 8
NCH = N_LAYER // 16
INT_MIN32 = np.int32(-2147483648)


def _tc_body(xT_ref, e_ref, Wih_ref, Whh_ref, b_ref,
             m1_ref, mb1_ref, m2_ref, mb2_ref,
             g1e_ref, g1t_ref, gb1_ref, g2_ref, gb2_ref, g3_ref, gb3_ref,
             G_ref, out_ref, h_ref, c_ref):
    h_ref[...] = jnp.zeros((B, INFO), jnp.float32)
    c_ref[...] = jnp.zeros((B, INFO), jnp.float32)

    def step(t, carry):
        xt = xT_ref[t]
        gates = (jnp.dot(xt, Wih_ref[...], preferred_element_type=jnp.float32)
                 + jnp.dot(h_ref[...], Whh_ref[...], preferred_element_type=jnp.float32)
                 + b_ref[...])
        i = jax.nn.sigmoid(gates[:, :INFO])
        f = jax.nn.sigmoid(gates[:, INFO:2 * INFO])
        g = jnp.tanh(gates[:, 2 * INFO:3 * INFO])
        o = jax.nn.sigmoid(gates[:, 3 * INFO:])
        c = f * c_ref[...] + i * g
        c_ref[...] = c
        h_ref[...] = o * jnp.tanh(c)
        return carry

    lax.fori_loop(0, T, step, 0)
    traj = h_ref[...]

    emb = (jnp.dot(
        jax.nn.relu(jnp.dot(e_ref[...], m1_ref[...],
                            preferred_element_type=jnp.float32) + mb1_ref[...]),
        m2_ref[...], preferred_element_type=jnp.float32) + mb2_ref[...])

    h1 = jax.nn.relu(
        jnp.dot(emb, g1e_ref[...], preferred_element_type=jnp.float32)
        + jnp.dot(traj, g1t_ref[...], preferred_element_type=jnp.float32)
        + gb1_ref[...])
    h2 = jax.nn.relu(
        jnp.dot(h1, g2_ref[...], preferred_element_type=jnp.float32) + gb2_ref[...])
    mv = jnp.dot(h2, g3_ref[...], preferred_element_type=jnp.float32) + gb3_ref[...]

    for li in range(NUM_LAYERS):
        out_ref[li] = mv[:, li * N_LAYER:(li + 1) * N_LAYER] + G_ref[li]


def _sc_topk_body(z_ref, out_ref, zbuf, ukeys, hist, obuf):
    wid = lax.axis_index("s") * 2 + lax.axis_index("c")
    lanes = lax.iota(jnp.int32, 16)
    ones16 = jnp.ones((16,), jnp.int32)
    zeros16 = jnp.zeros((16,), jnp.int32)
    kvec = jnp.full((16,), K, jnp.int32)

    @pl.loop(0, 2)
    def _task(ti):
        row0 = (wid + ti * NW) * 16
        pltpu.sync_copy(z_ref.at[pl.ds(row0, 16)], zbuf.at[:, pl.ds(0, N_LAYER)])

        def _zero_hist():
            @plsc.parallel_loop(0, 2048, unroll=8)
            def _z(i):
                hist[pl.ds(i * 16, 16)] = zeros16

        _zero_hist()
        @plsc.parallel_loop(0, N_LAYER, unroll=8)
        def _k(j):
            jv = jnp.full((16,), j, jnp.int32)
            v = plsc.load_gather(zbuf, [lanes, jv])
            bts = plsc.bitcast(v, jnp.int32)
            key = bts ^ (lax.shift_right_arithmetic(bts, 31)
                         & jnp.int32(0x7FFFFFFF))
            uk = key ^ INT_MIN32
            ukeys[pl.ds(j * 16, 16)] = uk
            dig = lax.shift_right_logical(uk, 24)
            plsc.addupdate_scatter(
                hist, [(j & 7) * 4096 + dig * 16 + lanes], ones16)

        def _scan(kneed_v):
            @plsc.parallel_loop(
                0, 256, unroll=8,
                carry=(zeros16, zeros16, zeros16,
                       jnp.zeros((16,), jnp.bool_)))
            def _s(i, carry):
                acc, bstar, cgtl, found = carry
                b = 255 - i
                h = hist[pl.ds(b * 16, 16)]
                hist[pl.ds(b * 16, 16)] = zeros16
                for c in range(1, 8):
                    h = h + hist[pl.ds(c * 4096 + b * 16, 16)]
                    hist[pl.ds(c * 4096 + b * 16, 16)] = zeros16
                acc2 = acc + h
                hit = jnp.logical_and(jnp.logical_not(found),
                                      acc2 >= kneed_v)
                bstar = jnp.where(hit, b, bstar)
                cgtl = jnp.where(hit, acc, cgtl)
                found = jnp.logical_or(found, acc2 >= kneed_v)
                return acc2, bstar, cgtl, found

            _, bstar, cgtl, _ = _s
            return bstar, cgtl

        bstar, cgtl = _scan(kvec)
        prefix_v = bstar
        kneed_v = kvec - cgtl

        for sbits in (16, 8, 0):
            @plsc.parallel_loop(0, N_LAYER, unroll=8)
            def _l(j, _s_=sbits, _pv_=prefix_v):
                uk = ukeys[pl.ds(j * 16, 16)]
                act = lax.shift_right_logical(uk, _s_ + 8) == _pv_
                dig = (lax.shift_right_logical(uk, _s_)
                       & jnp.int32(0xFF))
                plsc.addupdate_scatter(
                    hist, [(j & 7) * 4096 + dig * 16 + lanes], ones16,
                    mask=act)

            bstar, cgtl = _scan(kneed_v)
            prefix_v = (prefix_v << 8) | bstar
            kneed_v = kneed_v - cgtl

        thr_x = prefix_v ^ INT_MIN32

        @plsc.parallel_loop(0, N_LAYER, unroll=8, carry=zeros16)
        def _f(j, rank):
            uk = ukeys[pl.ds(j * 16, 16)]
            kx = uk ^ INT_MIN32
            gt = kx > thr_x
            eq = uk == prefix_v
            rank = rank + jnp.where(eq, 1, 0)
            sel = jnp.logical_or(gt, jnp.logical_and(eq, rank <= kneed_v))
            val = jnp.where(sel, jnp.float32(1.0), jnp.float32(0.0))
            jv = jnp.full((16,), j, jnp.int32)
            plsc.store_scatter(obuf, [lanes, jv], val)
            return rank
        pltpu.sync_copy(obuf.at[:, pl.ds(0, N_LAYER)], out_ref.at[pl.ds(row0, 16)])


def _sc_topk(z2):
    mesh = plsc.VectorSubcoreMesh(core_axis_name="c", subcore_axis_name="s")
    cp = pltpu.CompilerParams()
    if "needs_layout_passes" in pltpu.CompilerParams.__dataclass_fields__:
        cp = dataclasses.replace(cp, needs_layout_passes=False)
    kern = pl.kernel(
        _sc_topk_body,
        out_type=jax.ShapeDtypeStruct((NR, N_LAYER), jnp.float32),
        mesh=mesh,
        compiler_params=cp,
        scratch_types=[
            pltpu.VMEM((16, N_LAYER + 1), jnp.float32),
            pltpu.VMEM((N_LAYER * 16,), jnp.int32),
            pltpu.VMEM((8 * 4096,), jnp.int32),
            pltpu.VMEM((16, N_LAYER + 1), jnp.float32),
        ],
    )
    return kern(z2)


def kernel(x, embedding_input, W_ih, W_hh, b_ih, b_hh,
           mlp_w1, mlp_b1, mlp_w2, mlp_b2,
           g_w1, g_b1, g_w2, g_b2, g_w3, g_b3):
    xT = jnp.swapaxes(x, 0, 1)
    e = jnp.squeeze(embedding_input, axis=1)
    b = (b_ih + b_hh).reshape(1, 4 * INFO)
    g1e = g_w1[:OH_OUT]
    g1t = g_w1[OH_OUT:]

    gkey = jax.random.key(42)
    G = jnp.stack([
        jax.random.gumbel(jax.random.fold_in(gkey, li), (B, N_LAYER), jnp.float32)
        for li in range(NUM_LAYERS)
    ], axis=0)

    z = pl.pallas_call(
        _tc_body,
        out_shape=jax.ShapeDtypeStruct((NUM_LAYERS, B, N_LAYER), jnp.float32),
        scratch_shapes=[
            pltpu.VMEM((B, INFO), jnp.float32),
            pltpu.VMEM((B, INFO), jnp.float32),
        ],
    )(xT, e, W_ih, W_hh, b,
      mlp_w1, mlp_b1.reshape(1, -1), mlp_w2, mlp_b2.reshape(1, -1),
      g1e, g1t, g_b1.reshape(1, -1), g_w2, g_b2.reshape(1, -1), g_w3,
      g_b3.reshape(1, -1), G)

    masks2 = _sc_topk(z.reshape(NR, N_LAYER))
    return masks2.reshape(NUM_LAYERS, B, N_LAYER)

# --- scband reference (transcript-rebuilt; emitter-appended) ---
"""Pipeline reference for scband-mask-generator-net-78194174591011 (READ-ONLY COPY).

The authoritative reference and input builder live on the scoring server;
editing this copy changes nothing except your own understanding.
"""

import jax, jax.numpy as jnp
import numpy as np

B, T, FX = 256, 64, 128
INFO = 256
EM_IN = 128
OH_HID = 256
OH_OUT = 64
NEURONS = [1024, 1024, 1024, 1024]
TOTAL = sum(NEURONS)
PRUNE = 0.5


def _lstm_encode(x, W_ih, W_hh, b_ih, b_hh):
    Bb = x.shape[0]
    H = W_hh.shape[0]

    def step(carry, xt):
        h, c = carry
        gates = xt @ W_ih + b_ih + h @ W_hh + b_hh
        i, f, g, o = jnp.split(gates, 4, axis=-1)
        i = jax.nn.sigmoid(i)
        f = jax.nn.sigmoid(f)
        g = jnp.tanh(g)
        o = jax.nn.sigmoid(o)
        c = f * c + i * g
        h = o * jnp.tanh(c)
        return (h, c), None

    h0 = jnp.zeros((Bb, H), x.dtype)
    c0 = jnp.zeros((Bb, H), x.dtype)
    (h, c), _ = jax.lax.scan(step, (h0, c0), jnp.swapaxes(x, 0, 1))
    return h


def _gumbel_hard(logits, k, gkey, tau=1.0):
    g = jax.random.gumbel(gkey, logits.shape, logits.dtype)
    y_soft = jax.nn.softmax((logits + g) / tau, axis=-1)
    _, idx = jax.lax.top_k(y_soft, k)
    Bb = logits.shape[0]
    y_hard = jnp.zeros_like(logits).at[jnp.arange(Bb)[:, None], idx].set(1.0)
    return y_hard - jax.lax.stop_gradient(y_soft) + y_soft


def setup_inputs(seed: int = 0) -> dict:
    key = jax.random.key(seed)
    ks = jax.random.split(key, 20)
    s = 0.05
    inp = {}
    inp['x'] = jax.random.normal(ks[0], (B, T, FX), dtype=jnp.float32)
    inp['embedding_input'] = jax.random.normal(ks[1], (B, 1, EM_IN), dtype=jnp.float32)
    # LSTM trajectory encoder params
    inp['W_ih'] = jax.random.normal(ks[2], (FX, 4 * INFO), dtype=jnp.float32) * s
    inp['W_hh'] = jax.random.normal(ks[3], (INFO, 4 * INFO), dtype=jnp.float32) * s
    inp['b_ih'] = jnp.zeros((4 * INFO,), dtype=jnp.float32)
    inp['b_hh'] = jnp.zeros((4 * INFO,), dtype=jnp.float32)
    # one-hot MLP params
    inp['mlp_w1'] = jax.random.normal(ks[4], (EM_IN, OH_HID), dtype=jnp.float32) * s
    inp['mlp_b1'] = jnp.zeros((OH_HID,), dtype=jnp.float32)
    inp['mlp_w2'] = jax.random.normal(ks[5], (OH_HID, OH_OUT), dtype=jnp.float32) * s
    inp['mlp_b2'] = jnp.zeros((OH_OUT,), dtype=jnp.float32)
    # generator body params
    inp['g_w1'] = jax.random.normal(ks[6], (INFO + OH_OUT, 256), dtype=jnp.float32) * s
    inp['g_b1'] = jnp.zeros((256,), dtype=jnp.float32)
    inp['g_w2'] = jax.random.normal(ks[7], (256, 512), dtype=jnp.float32) * s
    inp['g_b2'] = jnp.zeros((512,), dtype=jnp.float32)
    inp['g_w3'] = jax.random.normal(ks[8], (512, TOTAL), dtype=jnp.float32) * s
    inp['g_b3'] = jnp.zeros((TOTAL,), dtype=jnp.float32)
    return inp


def reference(x, embedding_input, W_ih, W_hh, b_ih, b_hh, mlp_w1, mlp_b1, mlp_w2, mlp_b2, g_w1, g_b1, g_w2, g_b2, g_w3, g_b3):
    traj = _lstm_encode(x, W_ih, W_hh, b_ih, b_hh)  # [B, INFO]
    emb = jax.nn.relu(embedding_input @ mlp_w1 + mlp_b1) @ mlp_w2 + mlp_b2  # [B,1,OH_OUT]
    emb = jnp.squeeze(emb, axis=1)  # [B, OH_OUT]
    task_info = jnp.concatenate([emb, traj], axis=1)
    h = jax.nn.relu(task_info @ g_w1 + g_b1)
    h = jax.nn.relu(h @ g_w2 + g_b2)
    mask_vector = h @ g_w3 + g_b3  # [B, TOTAL]
    masks = []
    idx = 0
    gkey = jax.random.key(42)
    for li, n in enumerate(NEURONS):
        k = int(n - n * PRUNE)
        selected = mask_vector[:, idx:idx + n]
        masks.append(_gumbel_hard(selected, k, jax.random.fold_in(gkey, li)))
        idx += n
    return jnp.stack(masks, axis=0)  # [num_layers, B, n]

if __name__ == "__main__":
    import jax
    _d = setup_inputs()
    print(jax.jit(kernel)(*tuple(_d.values())))

</pallas_src>

<mosaic_0001>
#map = affine_map<(d0, d1) -> (0, 0)>
module attributes {stable_mosaic.version = 14 : i64} {
  func.func @_sc_topk_body(%arg0: i32, %arg1: i32, %arg2: memref<1024x1024xf32, #tpu.memory_space<hbm>>, %arg3: memref<1024x1024xf32, #tpu.memory_space<hbm>>, %arg4: memref<16x1025xf32, #tpu.memory_space<vmem>>, %arg5: memref<16384xi32, #tpu.memory_space<vmem>>, %arg6: memref<32768xi32, #tpu.memory_space<vmem>>, %arg7: memref<16x1025xf32, #tpu.memory_space<vmem>>) attributes {dimension_semantics = [#tpu.dimension_semantics<core_parallel>, #tpu.dimension_semantics<subcore_parallel>], iteration_bounds = array<i64: 2, 16>, scalar_prefetch = 0 : i64, scratch_operands = 4 : i64, tpu.core_type = #tpu.core_type<sc_vector_subcore>, window_params = [{transform_indices = #map}, {transform_indices = #map}]} {
    %mul3A = arith.constant 2 : i32
    %mul3A_0 = arith.muli %arg1, %mul3A : i32
    %add3A = arith.addi %mul3A_0, %arg0 : i32
    %iota3A = tpu.iota {dimensions = array<i32: 0>} : vector<16xi32>
    %broadcast_in_dim3A = arith.constant 1 : i32
    %broadcast_in_dim3A_1 = vector.broadcast %broadcast_in_dim3A : i32 to vector<16xi32>
    %broadcast_in_dim3A_2 = arith.constant 0 : i32
    %broadcast_in_dim3A_3 = vector.broadcast %broadcast_in_dim3A_2 : i32 to vector<16xi32>
    %broadcast_in_dim3A_4 = arith.constant 512 : i32
    %broadcast_in_dim3A_5 = vector.broadcast %broadcast_in_dim3A_4 : i32 to vector<16xi32>
    %scan3A = arith.constant 0 : i32
    %scan3A_6 = arith.constant 2 : i32
    %scan3A_7 = arith.addi %scan3A, %scan3A_6 : i32
    %scan3A_8 = arith.constant 1 : i32
    scf.for %scan3A_10 = %scan3A to %scan3A_7 step %scan3A_8  : i32 {
      %mul3A_11 = arith.constant 1 : i32
      %mul3A_12 = arith.muli %scan3A_10, %mul3A_11 : i32
      %add3A_13 = arith.constant 0 : i32
      %add3A_14 = arith.addi %add3A_13, %mul3A_12 : i32
      %mul3A_15 = arith.constant 32 : i32
      %mul3A_16 = arith.muli %add3A_14, %mul3A_15 : i32
      %add3A_17 = arith.addi %add3A, %mul3A_16 : i32
      %mul3A_18 = arith.constant 16 : i32
      %mul3A_19 = arith.muli %add3A_17, %mul3A_18 : i32
      "tpu.region"() ({
        %run_scoped3A = tpu.sem_alloc : memref<!tpu.dma_semaphore, #tpu.memory_space<semaphore_mem>>
        %dma_start3A = arith.constant 0 : i32
        %dma_start3A_77 = arith.constant 0 : i32
        %dma_start3A_78 = tpu.memref_slice %arg4[%dma_start3A, %dma_start3A_77] : memref<16x1025xf32, #tpu.memory_space<vmem>> -> memref<16x1024xf32, #tpu.memory_space<vmem>>
        %dma_start3A_79 = arith.constant 0 : i32
        %dma_start3A_80 = tpu.memref_slice %arg2[%mul3A_19, %dma_start3A_79] : memref<1024x1024xf32, #tpu.memory_space<hbm>> -> memref<16x1024xf32, #tpu.memory_space<hbm>>
        %dma_start3A_81 = arith.constant 0 : i32
        %dma_start3A_82 = arith.constant 0 : i32
        %dma_start3A_83 = tpu.memref_slice %arg4[%dma_start3A_81, %dma_start3A_82] : memref<16x1025xf32, #tpu.memory_space<vmem>> -> memref<16x1024xf32, #tpu.memory_space<vmem>>
        %dma_start3A_84 = arith.constant 0 : i32
        %dma_start3A_85 = tpu.memref_slice %arg2[%mul3A_19, %dma_start3A_84] : memref<1024x1024xf32, #tpu.memory_space<hbm>> -> memref<16x1024xf32, #tpu.memory_space<hbm>>
        tpu.enqueue_dma source(%dma_start3A_85 : memref<16x1024xf32, #tpu.memory_space<hbm>>) target(%dma_start3A_83 : memref<16x1024xf32, #tpu.memory_space<vmem>>) target_semaphore(%run_scoped3A : memref<!tpu.dma_semaphore, #tpu.memory_space<semaphore_mem>>)
        %dma_wait3A = arith.constant 0 : i32
        %dma_wait3A_86 = arith.constant 0 : i32
        %dma_wait3A_87 = tpu.memref_slice %arg4[%dma_wait3A, %dma_wait3A_86] : memref<16x1025xf32, #tpu.memory_space<vmem>> -> memref<16x1024xf32, #tpu.memory_space<vmem>>
        %dma_wait3A_88 = arith.constant 0 : i32
        %dma_wait3A_89 = tpu.memref_slice %arg2[%mul3A_19, %dma_wait3A_88] : memref<1024x1024xf32, #tpu.memory_space<hbm>> -> memref<16x1024xf32, #tpu.memory_space<hbm>>
        %dma_wait3A_90 = arith.constant 0 : i32
        %dma_wait3A_91 = arith.constant 0 : i32
        %dma_wait3A_92 = tpu.memref_slice %arg4[%dma_wait3A_90, %dma_wait3A_91] : memref<16x1025xf32, #tpu.memory_space<vmem>> -> memref<16x1024xf32, #tpu.memory_space<vmem>>
        %dma_wait3A_93 = arith.constant 0 : i32
        %dma_wait3A_94 = tpu.memref_slice %arg2[%mul3A_19, %dma_wait3A_93] : memref<1024x1024xf32, #tpu.memory_space<hbm>> -> memref<16x1024xf32, #tpu.memory_space<hbm>>
        tpu.wait_dma2 semaphore(%run_scoped3A : memref<!tpu.dma_semaphore, #tpu.memory_space<semaphore_mem>>) src(%dma_wait3A_94 : memref<16x1024xf32, #tpu.memory_space<hbm>>) dst(%dma_wait3A_92 : memref<16x1024xf32, #tpu.memory_space<vmem>>)
        tpu.yield
      }) : () -> ()
      %parallel_loop3A = arith.constant 0 : i32
      %parallel_loop3A_20 = arith.constant 2048 : i32
      %parallel_loop3A_21 = arith.constant 1 : i32
      scf.for %parallel_loop3A_77 = %parallel_loop3A to %parallel_loop3A_20 step %parallel_loop3A_21  : i32 {
        %parallel_loop3A_78 = arith.constant 16 : i32
        %parallel_loop3A_79 = arith.muli %parallel_loop3A_77, %parallel_loop3A_78 : i32
        %parallel_loop3A_80 = arith.index_cast %parallel_loop3A_79 : i32 to index
        %parallel_loop3A_81 = tpu.vector_load %arg6[%parallel_loop3A_80] {strides = array<i32>} : memref<32768xi32, #tpu.memory_space<vmem>>, vector<16xi32>,
        tpu.vector_store %arg6[%parallel_loop3A_80], %broadcast_in_dim3A_3 {strides = array<i32>} : memref<32768xi32, #tpu.memory_space<vmem>>, vector<16xi32>,
      } {sc.loop_unroll_factor = 8 : i64, sc.parallel_access}
      %parallel_loop3A_22 = arith.constant 0 : i32
      %parallel_loop3A_23 = arith.constant 1024 : i32
      %parallel_loop3A_24 = arith.constant 1 : i32
      scf.for %parallel_loop3A_77 = %parallel_loop3A_22 to %parallel_loop3A_23 step %parallel_loop3A_24  : i32 {
        %parallel_loop3A_78 = vector.broadcast %parallel_loop3A_77 : i32 to vector<16xi32>
        %parallel_loop3A_79 = tpu.vector_load_idx %arg4[%iota3A, %parallel_loop3A_78] : memref<16x1025xf32, #tpu.memory_space<vmem>>[vector<16xi32>, vector<16xi32>], vector<16xf32>,
        %parallel_loop3A_80 = vector.bitcast %parallel_loop3A_79 : vector<16xf32> to vector<16xi32>
        %parallel_loop3A_81 = arith.constant 31 : i32
        %parallel_loop3A_82 = vector.broadcast %parallel_loop3A_81 : i32 to vector<16xi32>
        %parallel_loop3A_83 = arith.shrsi %parallel_loop3A_80, %parallel_loop3A_82 : vector<16xi32>
        %parallel_loop3A_84 = arith.constant 2147483647 : i32
        %parallel_loop3A_85 = vector.broadcast %parallel_loop3A_84 : i32 to vector<16xi32>
        %parallel_loop3A_86 = arith.andi %parallel_loop3A_83, %parallel_loop3A_85 : vector<16xi32>
        %parallel_loop3A_87 = arith.xori %parallel_loop3A_80, %parallel_loop3A_86 : vector<16xi32>
        %parallel_loop3A_88 = arith.constant -2147483648 : i32
        %parallel_loop3A_89 = vector.broadcast %parallel_loop3A_88 : i32 to vector<16xi32>
        %parallel_loop3A_90 = arith.xori %parallel_loop3A_87, %parallel_loop3A_89 : vector<16xi32>
        %parallel_loop3A_91 = arith.constant 16 : i32
        %parallel_loop3A_92 = arith.muli %parallel_loop3A_77, %parallel_loop3A_91 : i32
        %parallel_loop3A_93 = arith.index_cast %parallel_loop3A_92 : i32 to index
        %parallel_loop3A_94 = tpu.vector_load %arg5[%parallel_loop3A_93] {strides = array<i32>} : memref<16384xi32, #tpu.memory_space<vmem>>, vector<16xi32>,
        tpu.vector_store %arg5[%parallel_loop3A_93], %parallel_loop3A_90 {strides = array<i32>} : memref<16384xi32, #tpu.memory_space<vmem>>, vector<16xi32>,
        %parallel_loop3A_95 = arith.constant 24 : i32
        %parallel_loop3A_96 = vector.broadcast %parallel_loop3A_95 : i32 to vector<16xi32>
        %parallel_loop3A_97 = arith.shrui %parallel_loop3A_90, %parallel_loop3A_96 : vector<16xi32>
        %parallel_loop3A_98 = arith.constant 7 : i32
        %parallel_loop3A_99 = arith.andi %parallel_loop3A_77, %parallel_loop3A_98 : i32
        %parallel_loop3A_100 = arith.constant 4096 : i32
        %parallel_loop3A_101 = arith.muli %parallel_loop3A_99, %parallel_loop3A_100 : i32
        %parallel_loop3A_102 = arith.constant 16 : i32
        %parallel_loop3A_103 = vector.broadcast %parallel_loop3A_102 : i32 to vector<16xi32>
        %parallel_loop3A_104 = arith.muli %parallel_loop3A_97, %parallel_loop3A_103 : vector<16xi32>
        %parallel_loop3A_105 = vector.broadcast %parallel_loop3A_101 : i32 to vector<16xi32>
        %parallel_loop3A_106 = arith.addi %parallel_loop3A_105, %parallel_loop3A_104 : vector<16xi32>
        %parallel_loop3A_107 = arith.addi %parallel_loop3A_106, %iota3A : vector<16xi32>
        tpu.vector_store_idx %arg6[%parallel_loop3A_107], %broadcast_in_dim3A_1 {add = true} : memref<32768xi32, #tpu.memory_space<vmem>>[vector<16xi32>], vector<16xi32>,
      } {sc.loop_unroll_factor = 8 : i64, sc.parallel_access}
      %broadcast_in_dim3A_25 = arith.constant false
      %broadcast_in_dim3A_26 = vector.broadcast %broadcast_in_dim3A_25 : i1 to vector<16xi1>
      %parallel_loop3A_27 = arith.constant 0 : i32
      %parallel_loop3A_28 = arith.constant 256 : i32
      %parallel_loop3A_29 = arith.constant 1 : i32
      %parallel_loop3A_30:4 = scf.for %parallel_loop3A_77 = %parallel_loop3A_27 to %parallel_loop3A_28 step %parallel_loop3A_29 iter_args(%parallel_loop3A_78 = %broadcast_in_dim3A_3, %parallel_loop3A_79 = %broadcast_in_dim3A_3, %parallel_loop3A_80 = %broadcast_in_dim3A_3, %parallel_loop3A_81 = %broadcast_in_dim3A_26) -> (vector<16xi32>, vector<16xi32>, vector<16xi32>, vector<16xi1>)  : i32 {
        %parallel_loop3A_82 = arith.constant 255 : i32
        %parallel_loop3A_83 = arith.subi %parallel_loop3A_82, %parallel_loop3A_77 : i32
        %parallel_loop3A_84 = arith.constant 16 : i32
        %parallel_loop3A_85 = arith.muli %parallel_loop3A_83, %parallel_loop3A_84 : i32
        %parallel_loop3A_86 = arith.index_cast %parallel_loop3A_85 : i32 to index
        %parallel_loop3A_87 = tpu.vector_load %arg6[%parallel_loop3A_86] {strides = array<i32>} : memref<32768xi32, #tpu.memory_space<vmem>>, vector<16xi32>,
        %parallel_loop3A_88 = arith.constant 16 : i32
        %parallel_loop3A_89 = arith.muli %parallel_loop3A_83, %parallel_loop3A_88 : i32
        %parallel_loop3A_90 = arith.index_cast %parallel_loop3A_89 : i32 to index
        %parallel_loop3A_91 = tpu.vector_load %arg6[%parallel_loop3A_90] {strides = array<i32>} : memref<32768xi32, #tpu.memory_space<vmem>>, vector<16xi32>,
        tpu.vector_store %arg6[%parallel_loop3A_90], %broadcast_in_dim3A_3 {strides = array<i32>} : memref<32768xi32, #tpu.memory_space<vmem>>, vector<16xi32>,
        %parallel_loop3A_92 = arith.constant 16 : i32
        %parallel_loop3A_93 = arith.muli %parallel_loop3A_83, %parallel_loop3A_92 : i32
        %parallel_loop3A_94 = arith.constant 4096 : i32
        %parallel_loop3A_95 = arith.addi %parallel_loop3A_94, %parallel_loop3A_93 : i32
        %parallel_loop3A_96 = arith.index_cast %parallel_loop3A_95 : i32 to index
        %parallel_loop3A_97 = tpu.vector_load %arg6[%parallel_loop3A_96] {strides = array<i32>} : memref<32768xi32, #tpu.memory_space<vmem>>, vector<16xi32>,
        %parallel_loop3A_98 = arith.addi %parallel_loop3A_87, %parallel_loop3A_97 : vector<16xi32>
        %parallel_loop3A_99 = arith.constant 16 : i32
        %parallel_loop3A_100 = arith.muli %parallel_loop3A_83, %parallel_loop3A_99 : i32
        %parallel_loop3A_101 = arith.constant 4096 : i32
        %parallel_loop3A_102 = arith.addi %parallel_loop3A_101, %parallel_loop3A_100 : i32
        %parallel_loop3A_103 = arith.index_cast %parallel_loop3A_102 : i32 to index
        %parallel_loop3A_104 = tpu.vector_load %arg6[%parallel_loop3A_103] {strides = array<i32>} : memref<32768xi32, #tpu.memory_space<vmem>>, vector<16xi32>,
        tpu.vector_store %arg6[%parallel_loop3A_103], %broadcast_in_dim3A_3 {strides = array<i32>} : memref<32768xi32, #tpu.memory_space<vmem>>, vector<16xi32>,
        %parallel_loop3A_105 = arith.constant 16 : i32
        %parallel_loop3A_106 = arith.muli %parallel_loop3A_83, %parallel_loop3A_105 : i32
        %parallel_loop3A_107 = arith.constant 8192 : i32
        %parallel_loop3A_108 = arith.addi %parallel_loop3A_107, %parallel_loop3A_106 : i32
        %parallel_loop3A_109 = arith.index_cast %parallel_loop3A_108 : i32 to index
        %parallel_loop3A_110 = tpu.vector_load %arg6[%parallel_loop3A_109] {strides = array<i32>} : memref<32768xi32, #tpu.memory_space<vmem>>, vector<16xi32>,
        %parallel_loop3A_111 = arith.addi %parallel_loop3A_98, %parallel_loop3A_110 : vector<16xi32>
        %parallel_loop3A_112 = arith.constant 16 : i32
        %parallel_loop3A_113 = arith.muli %parallel_loop3A_83, %parallel_loop3A_112 : i32
        %parallel_loop3A_114 = arith.constant 8192 : i32
        %parallel_loop3A_115 = arith.addi %parallel_loop3A_114, %parallel_loop3A_113 : i32
        %parallel_loop3A_116 = arith.index_cast %parallel_loop3A_115 : i32 to index
        %parallel_loop3A_117 = tpu.vector_load %arg6[%parallel_loop3A_116] {strides = array<i32>} : memref<32768xi32, #tpu.memory_space<vmem>>, vector<16xi32>,
        tpu.vector_store %arg6[%parallel_loop3A_116], %broadcast_in_dim3A_3 {strides = array<i32>} : memref<32768xi32, #tpu.memory_space<vmem>>, vector<16xi32>,
        %parallel_loop3A_118 = arith.constant 16 : i32
        %parallel_loop3A_119 = arith.muli %parallel_loop3A_83, %parallel_loop3A_118 : i32
        %parallel_loop3A_120 = arith.constant 12288 : i32
        %parallel_loop3A_121 = arith.addi %parallel_loop3A_120, %parallel_loop3A_119 : i32
        %parallel_loop3A_122 = arith.index_cast %parallel_loop3A_121 : i32 to index
        %parallel_loop3A_123 = tpu.vector_load %arg6[%parallel_loop3A_122] {strides = array<i32>} : memref<32768xi32, #tpu.memory_space<vmem>>, vector<16xi32>,
        %parallel_loop3A_124 = arith.addi %parallel_loop3A_111, %parallel_loop3A_123 : vector<16xi32>
        %parallel_loop3A_125 = arith.constant 16 : i32
        %parallel_loop3A_126 = arith.muli %parallel_loop3A_83, %parallel_loop3A_125 : i32
        %parallel_loop3A_127 = arith.constant 12288 : i32
        %parallel_loop3A_128 = arith.addi %parallel_loop3A_127, %parallel_loop3A_126 : i32
        %parallel_loop3A_129 = arith.index_cast %parallel_loop3A_128 : i32 to index
        %parallel_loop3A_130 = tpu.vector_load %arg6[%parallel_loop3A_129] {strides = array<i32>} : memref<32768xi32, #tpu.memory_space<vmem>>, vector<16xi32>,
        tpu.vector_store %arg6[%parallel_loop3A_129], %broadcast_in_dim3A_3 {strides = array<i32>} : memref<32768xi32, #tpu.memory_space<vmem>>, vector<16xi32>,
        %parallel_loop3A_131 = arith.constant 16 : i32
        %parallel_loop3A_132 = arith.muli %parallel_loop3A_83, %parallel_loop3A_131 : i32
        %parallel_loop3A_133 = arith.constant 16384 : i32
        %parallel_loop3A_134 = arith.addi %parallel_loop3A_133, %parallel_loop3A_132 : i32
        %parallel_loop3A_135 = arith.index_cast %parallel_loop3A_134 : i32 to index
        %parallel_loop3A_136 = tpu.vector_load %arg6[%parallel_loop3A_135] {strides = array<i32>} : memref<32768xi32, #tpu.memory_space<vmem>>, vector<16xi32>,
        %parallel_loop3A_137 = arith.addi %parallel_loop3A_124, %parallel_loop3A_136 : vector<16xi32>
        %parallel_loop3A_138 = arith.constant 16 : i32
        %parallel_loop3A_139 = arith.muli %parallel_loop3A_83, %parallel_loop3A_138 : i32
        %parallel_loop3A_140 = arith.constant 16384 : i32
        %parallel_loop3A_141 = arith.addi %parallel_loop3A_140, %parallel_loop3A_139 : i32
        %parallel_loop3A_142 = arith.index_cast %parallel_loop3A_141 : i32 to index
        %parallel_loop3A_143 = tpu.vector_load %arg6[%parallel_loop3A_142] {strides = array<i32>} : memref<32768xi32, #tpu.memory_space<vmem>>, vector<16xi32>,
        tpu.vector_store %arg6[%parallel_loop3A_142], %broadcast_in_dim3A_3 {strides = array<i32>} : memref<32768xi32, #tpu.memory_space<vmem>>, vector<16xi32>,
        %parallel_loop3A_144 = arith.constant 16 : i32
        %parallel_loop3A_145 = arith.muli %parallel_loop3A_83, %parallel_loop3A_144 : i32
        %parallel_loop3A_146 = arith.constant 20480 : i32
        %parallel_loop3A_147 = arith.addi %parallel_loop3A_146, %parallel_loop3A_145 : i32
        %parallel_loop3A_148 = arith.index_cast %parallel_loop3A_147 : i32 to index
        %parallel_loop3A_149 = tpu.vector_load %arg6[%parallel_loop3A_148] {strides = array<i32>} : memref<32768xi32, #tpu.memory_space<vmem>>, vector<16xi32>,
        %parallel_loop3A_150 = arith.addi %parallel_loop3A_137, %parallel_loop3A_149 : vector<16xi32>
        %parallel_loop3A_151 = arith.constant 16 : i32
        %parallel_loop3A_152 = arith.muli %parallel_loop3A_83, %parallel_loop3A_151 : i32
        %parallel_loop3A_153 = arith.constant 20480 : i32
        %parallel_loop3A_154 = arith.addi %parallel_loop3A_153, %parallel_loop3A_152 : i32
        %parallel_loop3A_155 = arith.index_cast %parallel_loop3A_154 : i32 to index
        %parallel_loop3A_156 = tpu.vector_load %arg6[%parallel_loop3A_155] {strides = array<i32>} : memref<32768xi32, #tpu.memory_space<vmem>>, vector<16xi32>,
        tpu.vector_store %arg6[%parallel_loop3A_155], %broadcast_in_dim3A_3 {strides = array<i32>} : memref<32768xi32, #tpu.memory_space<vmem>>, vector<16xi32>,
        %parallel_loop3A_157 = arith.constant 16 : i32
        %parallel_loop3A_158 = arith.muli %parallel_loop3A_83, %parallel_loop3A_157 : i32
        %parallel_loop3A_159 = arith.constant 24576 : i32
        %parallel_loop3A_160 = arith.addi %parallel_loop3A_159, %parallel_loop3A_158 : i32
        %parallel_loop3A_161 = arith.index_cast %parallel_loop3A_160 : i32 to index
        %parallel_loop3A_162 = tpu.vector_load %arg6[%parallel_loop3A_161] {strides = array<i32>} : memref<32768xi32, #tpu.memory_space<vmem>>, vector<16xi32>,
        %parallel_loop3A_163 = arith.addi %parallel_loop3A_150, %parallel_loop3A_162 : vector<16xi32>
        %parallel_loop3A_164 = arith.constant 16 : i32
        %parallel_loop3A_165 = arith.muli %parallel_loop3A_83, %parallel_loop3A_164 : i32
        %parallel_loop3A_166 = arith.constant 24576 : i32
        %parallel_loop3A_167 = arith.addi %parallel_loop3A_166, %parallel_loop3A_165 : i32
        %parallel_loop3A_168 = arith.index_cast %parallel_loop3A_167 : i32 to index
        %parallel_loop3A_169 = tpu.vector_load %arg6[%parallel_loop3A_168] {strides = array<i32>} : memref<32768xi32, #tpu.memory_space<vmem>>, vector<16xi32>,
        tpu.vector_store %arg6[%parallel_loop3A_168], %broadcast_in_dim3A_3 {strides = array<i32>} : memref<32768xi32, #tpu.memory_space<vmem>>, vector<16xi32>,
        %parallel_loop3A_170 = arith.constant 16 : i32
        %parallel_loop3A_171 = arith.muli %parallel_loop3A_83, %parallel_loop3A_170 : i32
        %parallel_loop3A_172 = arith.constant 28672 : i32
        %parallel_loop3A_173 = arith.addi %parallel_loop3A_172, %parallel_loop3A_171 : i32
        %parallel_loop3A_174 = arith.index_cast %parallel_loop3A_173 : i32 to index
        %parallel_loop3A_175 = tpu.vector_load %arg6[%parallel_loop3A_174] {strides = array<i32>} : memref<32768xi32, #tpu.memory_space<vmem>>, vector<16xi32>,
        %parallel_loop3A_176 = arith.addi %parallel_loop3A_163, %parallel_loop3A_175 : vector<16xi32>
        %parallel_loop3A_177 = arith.constant 16 : i32
        %parallel_loop3A_178 = arith.muli %parallel_loop3A_83, %parallel_loop3A_177 : i32
        %parallel_loop3A_179 = arith.constant 28672 : i32
        %parallel_loop3A_180 = arith.addi %parallel_loop3A_179, %parallel_loop3A_178 : i32
        %parallel_loop3A_181 = arith.index_cast %parallel_loop3A_180 : i32 to index
        %parallel_loop3A_182 = tpu.vector_load %arg6[%parallel_loop3A_181] {strides = array<i32>} : memref<32768xi32, #tpu.memory_space<vmem>>, vector<16xi32>,
        tpu.vector_store %arg6[%parallel_loop3A_181], %broadcast_in_dim3A_3 {strides = array<i32>} : memref<32768xi32, #tpu.memory_space<vmem>>, vector<16xi32>,
        %parallel_loop3A_183 = arith.addi %parallel_loop3A_78, %parallel_loop3A_176 : vector<16xi32>
        %parallel_loop3A_184 = arith.constant dense<true> : vector<16xi1>
        %parallel_loop3A_185 = arith.xori %parallel_loop3A_81, %parallel_loop3A_184 : vector<16xi1>
        %parallel_loop3A_186 = arith.cmpi sge, %parallel_loop3A_183, %broadcast_in_dim3A_5 : vector<16xi32>
        %parallel_loop3A_187 = arith.andi %parallel_loop3A_185, %parallel_loop3A_186 : vector<16xi1>
        %parallel_loop3A_188 = vector.broadcast %parallel_loop3A_83 : i32 to vector<16xi32>
        %parallel_loop3A_189 = arith.select %parallel_loop3A_187, %parallel_loop3A_188, %parallel_loop3A_79 : vector<16xi1>, vector<16xi32>
        %parallel_loop3A_190 = arith.select %parallel_loop3A_187, %parallel_loop3A_78, %parallel_loop3A_80 : vector<16xi1>, vector<16xi32>
        %parallel_loop3A_191 = arith.cmpi sge, %parallel_loop3A_183, %broadcast_in_dim3A_5 : vector<16xi32>
        %parallel_loop3A_192 = arith.ori %parallel_loop3A_81, %parallel_loop3A_191 : vector<16xi1>
        scf.yield %parallel_loop3A_183, %parallel_loop3A_189, %parallel_loop3A_190, %parallel_loop3A_192 : vector<16xi32>, vector<16xi32>, vector<16xi32>, vector<16xi1>
      } {sc.loop_unroll_factor = 8 : i64, sc.parallel_access}
      %sub3A = arith.subi %broadcast_in_dim3A_5, %parallel_loop3A_30#2 : vector<16xi32>
      %parallel_loop3A_31 = arith.constant 0 : i32
      %parallel_loop3A_32 = arith.constant 1024 : i32
      %parallel_loop3A_33 = arith.constant 1 : i32
      scf.for %parallel_loop3A_77 = %parallel_loop3A_31 to %parallel_loop3A_32 step %parallel_loop3A_33  : i32 {
        %parallel_loop3A_78 = arith.constant 16 : i32
        %parallel_loop3A_79 = arith.muli %parallel_loop3A_77, %parallel_loop3A_78 : i32
        %parallel_loop3A_80 = arith.index_cast %parallel_loop3A_79 : i32 to index
        %parallel_loop3A_81 = tpu.vector_load %arg5[%parallel_loop3A_80] {strides = array<i32>} : memref<16384xi32, #tpu.memory_space<vmem>>, vector<16xi32>,
        %parallel_loop3A_82 = arith.constant 24 : i32
        %parallel_loop3A_83 = vector.broadcast %parallel_loop3A_82 : i32 to vector<16xi32>
        %parallel_loop3A_84 = arith.shrui %parallel_loop3A_81, %parallel_loop3A_83 : vector<16xi32>
        %parallel_loop3A_85 = arith.cmpi eq, %parallel_loop3A_84, %parallel_loop3A_30#1 : vector<16xi32>
        %parallel_loop3A_86 = arith.constant 16 : i32
        %parallel_loop3A_87 = vector.broadcast %parallel_loop3A_86 : i32 to vector<16xi32>
        %parallel_loop3A_88 = arith.shrui %parallel_loop3A_81, %parallel_loop3A_87 : vector<16xi32>
        %parallel_loop3A_89 = arith.constant 255 : i32
        %parallel_loop3A_90 = vector.broadcast %parallel_loop3A_89 : i32 to vector<16xi32>
        %parallel_loop3A_91 = arith.andi %parallel_loop3A_88, %parallel_loop3A_90 : vector<16xi32>
        %parallel_loop3A_92 = arith.constant 7 : i32
        %parallel_loop3A_93 = arith.andi %parallel_loop3A_77, %parallel_loop3A_92 : i32
        %parallel_loop3A_94 = arith.constant 4096 : i32
        %parallel_loop3A_95 = arith.muli %parallel_loop3A_93, %parallel_loop3A_94 : i32
        %parallel_loop3A_96 = arith.constant 16 : i32
        %parallel_loop3A_97 = vector.broadcast %parallel_loop3A_96 : i32 to vector<16xi32>
        %parallel_loop3A_98 = arith.muli %parallel_loop3A_91, %parallel_loop3A_97 : vector<16xi32>
        %parallel_loop3A_99 = vector.broadcast %parallel_loop3A_95 : i32 to vector<16xi32>
        %parallel_loop3A_100 = arith.addi %parallel_loop3A_99, %parallel_loop3A_98 : vector<16xi32>
        %parallel_loop3A_101 = arith.addi %parallel_loop3A_100, %iota3A : vector<16xi32>
        tpu.vector_store_idx %arg6[%parallel_loop3A_101], %broadcast_in_dim3A_1 masked %parallel_loop3A_85 {add = true} : memref<32768xi32, #tpu.memory_space<vmem>>[vector<16xi32>], vector<16xi32>, vector<16xi1>
      } {sc.loop_unroll_factor = 8 : i64, sc.parallel_access}
      %broadcast_in_dim3A_34 = arith.constant false
      %broadcast_in_dim3A_35 = vector.broadcast %broadcast_in_dim3A_34 : i1 to vector<16xi1>
      %parallel_loop3A_36 = arith.constant 0 : i32
      %parallel_loop3A_37 = arith.constant 256 : i32
      %parallel_loop3A_38 = arith.constant 1 : i32
      %parallel_loop3A_39:4 = scf.for %parallel_loop3A_77 = %parallel_loop3A_36 to %parallel_loop3A_37 step %parallel_loop3A_38 iter_args(%parallel_loop3A_78 = %broadcast_in_dim3A_3, %parallel_loop3A_79 = %broadcast_in_dim3A_3, %parallel_loop3A_80 = %broadcast_in_dim3A_3, %parallel_loop3A_81 = %broadcast_in_dim3A_35) -> (vector<16xi32>, vector<16xi32>, vector<16xi32>, vector<16xi1>)  : i32 {
        %parallel_loop3A_82 = arith.constant 255 : i32
        %parallel_loop3A_83 = arith.subi %parallel_loop3A_82, %parallel_loop3A_77 : i32
        %parallel_loop3A_84 = arith.constant 16 : i32
        %parallel_loop3A_85 = arith.muli %parallel_loop3A_83, %parallel_loop3A_84 : i32
        %parallel_loop3A_86 = arith.index_cast %parallel_loop3A_85 : i32 to index
        %parallel_loop3A_87 = tpu.vector_load %arg6[%parallel_loop3A_86] {strides = array<i32>} : memref<32768xi32, #tpu.memory_space<vmem>>, vector<16xi32>,
        %parallel_loop3A_88 = arith.constant 16 : i32
        %parallel_loop3A_89 = arith.muli %parallel_loop3A_83, %parallel_loop3A_88 : i32
        %parallel_loop3A_90 = arith.index_cast %parallel_loop3A_89 : i32 to index
        %parallel_loop3A_91 = tpu.vector_load %arg6[%parallel_loop3A_90] {strides = array<i32>} : memref<32768xi32, #tpu.memory_space<vmem>>, vector<16xi32>,
        tpu.vector_store %arg6[%parallel_loop3A_90], %broadcast_in_dim3A_3 {strides = array<i32>} : memref<32768xi32, #tpu.memory_space<vmem>>, vector<16xi32>,
        %parallel_loop3A_92 = arith.constant 16 : i32
        %parallel_loop3A_93 = arith.muli %parallel_loop3A_83, %parallel_loop3A_92 : i32
        %parallel_loop3A_94 = arith.constant 4096 : i32
        %parallel_loop3A_95 = arith.addi %parallel_loop3A_94, %parallel_loop3A_93 : i32
        %parallel_loop3A_96 = arith.index_cast %parallel_loop3A_95 : i32 to index
        %parallel_loop3A_97 = tpu.vector_load %arg6[%parallel_loop3A_96] {strides = array<i32>} : memref<32768xi32, #tpu.memory_space<vmem>>, vector<16xi32>,
        %parallel_loop3A_98 = arith.addi %parallel_loop3A_87, %parallel_loop3A_97 : vector<16xi32>
        %parallel_loop3A_99 = arith.constant 16 : i32
        %parallel_loop3A_100 = arith.muli %parallel_loop3A_83, %parallel_loop3A_99 : i32
        %parallel_loop3A_101 = arith.constant 4096 : i32
        %parallel_loop3A_102 = arith.addi %parallel_loop3A_101, %parallel_loop3A_100 : i32
        %parallel_loop3A_103 = arith.index_cast %parallel_loop3A_102 : i32 to index
        %parallel_loop3A_104 = tpu.vector_load %arg6[%parallel_loop3A_103] {strides = array<i32>} : memref<32768xi32, #tpu.memory_space<vmem>>, vector<16xi32>,
        tpu.vector_store %arg6[%parallel_loop3A_103], %broadcast_in_dim3A_3 {strides = array<i32>} : memref<32768xi32, #tpu.memory_space<vmem>>, vector<16xi32>,
        %parallel_loop3A_105 = arith.constant 16 : i32
        %parallel_loop3A_106 = arith.muli %parallel_loop3A_83, %parallel_loop3A_105 : i32
        %parallel_loop3A_107 = arith.constant 8192 : i32
        %parallel_loop3A_108 = arith.addi %parallel_loop3A_107, %parallel_loop3A_106 : i32
        %parallel_loop3A_109 = arith.index_cast %parallel_loop3A_108 : i32 to index
        %parallel_loop3A_110 = tpu.vector_load %arg6[%parallel_loop3A_109] {strides = array<i32>} : memref<32768xi32, #tpu.memory_space<vmem>>, vector<16xi32>,
        %parallel_loop3A_111 = arith.addi %parallel_loop3A_98, %parallel_loop3A_110 : vector<16xi32>
        %parallel_loop3A_112 = arith.constant 16 : i32
        %parallel_loop3A_113 = arith.muli %parallel_loop3A_83, %parallel_loop3A_112 : i32
        %parallel_loop3A_114 = arith.constant 8192 : i32
        %parallel_loop3A_115 = arith.addi %parallel_loop3A_114, %parallel_loop3A_113 : i32
        %parallel_loop3A_116 = arith.index_cast %parallel_loop3A_115 : i32 to index
        %parallel_loop3A_117 = tpu.vector_load %arg6[%parallel_loop3A_116] {strides = array<i32>} : memref<32768xi32, #tpu.memory_space<vmem>>, vector<16xi32>,
        tpu.vector_store %arg6[%parallel_loop3A_116], %broadcast_in_dim3A_3 {strides = array<i32>} : memref<32768xi32, #tpu.memory_space<vmem>>, vector<16xi32>,
        %parallel_loop3A_118 = arith.constant 16 : i32
        %parallel_loop3A_119 = arith.muli %parallel_loop3A_83, %parallel_loop3A_118 : i32
        %parallel_loop3A_120 = arith.constant 12288 : i32
        %parallel_loop3A_121 = arith.addi %parallel_loop3A_120, %parallel_loop3A_119 : i32
        %parallel_loop3A_122 = arith.index_cast %parallel_loop3A_121 : i32 to index
        %parallel_loop3A_123 = tpu.vector_load %arg6[%parallel_loop3A_122] {strides = array<i32>} : memref<32768xi32, #tpu.memory_space<vmem>>, vector<16xi32>,
        %parallel_loop3A_124 = arith.addi %parallel_loop3A_111, %parallel_loop3A_123 : vector<16xi32>
        %parallel_loop3A_125 = arith.constant 16 : i32
        %parallel_loop3A_126 = arith.muli %parallel_loop3A_83, %parallel_loop3A_125 : i32
        %parallel_loop3A_127 = arith.constant 12288 : i32
        %parallel_loop3A_128 = arith.addi %parallel_loop3A_127, %parallel_loop3A_126 : i32
        %parallel_loop3A_129 = arith.index_cast %parallel_loop3A_128 : i32 to index
        %parallel_loop3A_130 = tpu.vector_load %arg6[%parallel_loop3A_129] {strides = array<i32>} : memref<32768xi32, #tpu.memory_space<vmem>>, vector<16xi32>,
        tpu.vector_store %arg6[%parallel_loop3A_129], %broadcast_in_dim3A_3 {strides = array<i32>} : memref<32768xi32, #tpu.memory_space<vmem>>, vector<16xi32>,
        %parallel_loop3A_131 = arith.constant 16 : i32
        %parallel_loop3A_132 = arith.muli %parallel_loop3A_83, %parallel_loop3A_131 : i32
        %parallel_loop3A_133 = arith.constant 16384 : i32
        %parallel_loop3A_134 = arith.addi %parallel_loop3A_133, %parallel_loop3A_132 : i32
        %parallel_loop3A_135 = arith.index_cast %parallel_loop3A_134 : i32 to index
        %parallel_loop3A_136 = tpu.vector_load %arg6[%parallel_loop3A_135] {strides = array<i32>} : memref<32768xi32, #tpu.memory_space<vmem>>, vector<16xi32>,
        %parallel_loop3A_137 = arith.addi %parallel_loop3A_124, %parallel_loop3A_136 : vector<16xi32>
        %parallel_loop3A_138 = arith.constant 16 : i32
        %parallel_loop3A_139 = arith.muli %parallel_loop3A_83, %parallel_loop3A_138 : i32
        %parallel_loop3A_140 = arith.constant 16384 : i32
        %parallel_loop3A_141 = arith.addi %parallel_loop3A_140, %parallel_loop3A_139 : i32
        %parallel_loop3A_142 = arith.index_cast %parallel_loop3A_141 : i32 to index
        %parallel_loop3A_143 = tpu.vector_load %arg6[%parallel_loop3A_142] {strides = array<i32>} : memref<32768xi32, #tpu.memory_space<vmem>>, vector<16xi32>,
        tpu.vector_store %arg6[%parallel_loop3A_142], %broadcast_in_dim3A_3 {strides = array<i32>} : memref<32768xi32, #tpu.memory_space<vmem>>, vector<16xi32>,
        %parallel_loop3A_144 = arith.constant 16 : i32
        %parallel_loop3A_145 = arith.muli %parallel_loop3A_83, %parallel_loop3A_144 : i32
        %parallel_loop3A_146 = arith.constant 20480 : i32
        %parallel_loop3A_147 = arith.addi %parallel_loop3A_146, %parallel_loop3A_145 : i32
        %parallel_loop3A_148 = arith.index_cast %parallel_loop3A_147 : i32 to index
        %parallel_loop3A_149 = tpu.vector_load %arg6[%parallel_loop3A_148] {strides = array<i32>} : memref<32768xi32, #tpu.memory_space<vmem>>, vector<16xi32>,
        %parallel_loop3A_150 = arith.addi %parallel_loop3A_137, %parallel_loop3A_149 : vector<16xi32>
        %parallel_loop3A_151 = arith.constant 16 : i32
        %parallel_loop3A_152 = arith.muli %parallel_loop3A_83, %parallel_loop3A_151 : i32
        %parallel_loop3A_153 = arith.constant 20480 : i32
        %parallel_loop3A_154 = arith.addi %parallel_loop3A_153, %parallel_loop3A_152 : i32
        %parallel_loop3A_155 = arith.index_cast %parallel_loop3A_154 : i32 to index
        %parallel_loop3A_156 = tpu.vector_load %arg6[%parallel_loop3A_155] {strides = array<i32>} : memref<32768xi32, #tpu.memory_space<vmem>>, vector<16xi32>,
        tpu.vector_store %arg6[%parallel_loop3A_155], %broadcast_in_dim3A_3 {strides = array<i32>} : memref<32768xi32, #tpu.memory_space<vmem>>, vector<16xi32>,
        %parallel_loop3A_157 = arith.constant 16 : i32
        %parallel_loop3A_158 = arith.muli %parallel_loop3A_83, %parallel_loop3A_157 : i32
        %parallel_loop3A_159 = arith.constant 24576 : i32
        %parallel_loop3A_160 = arith.addi %parallel_loop3A_159, %parallel_loop3A_158 : i32
        %parallel_loop3A_161 = arith.index_cast %parallel_loop3A_160 : i32 to index
        %parallel_loop3A_162 = tpu.vector_load %arg6[%parallel_loop3A_161] {strides = array<i32>} : memref<32768xi32, #tpu.memory_space<vmem>>, vector<16xi32>,
        %parallel_loop3A_163 = arith.addi %parallel_loop3A_150, %parallel_loop3A_162 : vector<16xi32>
        %parallel_loop3A_164 = arith.constant 16 : i32
        %parallel_loop3A_165 = arith.muli %parallel_loop3A_83, %parallel_loop3A_164 : i32
        %parallel_loop3A_166 = arith.constant 24576 : i32
        %parallel_loop3A_167 = arith.addi %parallel_loop3A_166, %parallel_loop3A_165 : i32
        %parallel_loop3A_168 = arith.index_cast %parallel_loop3A_167 : i32 to index
        %parallel_loop3A_169 = tpu.vector_load %arg6[%parallel_loop3A_168] {strides = array<i32>} : memref<32768xi32, #tpu.memory_space<vmem>>, vector<16xi32>,
        tpu.vector_store %arg6[%parallel_loop3A_168], %broadcast_in_dim3A_3 {strides = array<i32>} : memref<32768xi32, #tpu.memory_space<vmem>>, vector<16xi32>,
        %parallel_loop3A_170 = arith.constant 16 : i32
        %parallel_loop3A_171 = arith.muli %parallel_loop3A_83, %parallel_loop3A_170 : i32
        %parallel_loop3A_172 = arith.constant 28672 : i32
        %parallel_loop3A_173 = arith.addi %parallel_loop3A_172, %parallel_loop3A_171 : i32
        %parallel_loop3A_174 = arith.index_cast %parallel_loop3A_173 : i32 to index
        %parallel_loop3A_175 = tpu.vector_load %arg6[%parallel_loop3A_174] {strides = array<i32>} : memref<32768xi32, #tpu.memory_space<vmem>>, vector<16xi32>,
        %parallel_loop3A_176 = arith.addi %parallel_loop3A_163, %parallel_loop3A_175 : vector<16xi32>
        %parallel_loop3A_177 = arith.constant 16 : i32
        %parallel_loop3A_178 = arith.muli %parallel_loop3A_83, %parallel_loop3A_177 : i32
        %parallel_loop3A_179 = arith.constant 28672 : i32
        %parallel_loop3A_180 = arith.addi %parallel_loop3A_179, %parallel_loop3A_178 : i32
        %parallel_loop3A_181 = arith.index_cast %parallel_loop3A_180 : i32 to index
        %parallel_loop3A_182 = tpu.vector_load %arg6[%parallel_loop3A_181] {strides = array<i32>} : memref<32768xi32, #tpu.memory_space<vmem>>, vector<16xi32>,
        tpu.vector_store %arg6[%parallel_loop3A_181], %broadcast_in_dim3A_3 {strides = array<i32>} : memref<32768xi32, #tpu.memory_space<vmem>>, vector<16xi32>,
        %parallel_loop3A_183 = arith.addi %parallel_loop3A_78, %parallel_loop3A_176 : vector<16xi32>
        %parallel_loop3A_184 = arith.constant dense<true> : vector<16xi1>
        %parallel_loop3A_185 = arith.xori %parallel_loop3A_81, %parallel_loop3A_184 : vector<16xi1>
        %parallel_loop3A_186 = arith.cmpi sge, %parallel_loop3A_183, %sub3A : vector<16xi32>
        %parallel_loop3A_187 = arith.andi %parallel_loop3A_185, %parallel_loop3A_186 : vector<16xi1>
        %parallel_loop3A_188 = vector.broadcast %parallel_loop3A_83 : i32 to vector<16xi32>
        %parallel_loop3A_189 = arith.select %parallel_loop3A_187, %parallel_loop3A_188, %parallel_loop3A_79 : vector<16xi1>, vector<16xi32>
        %parallel_loop3A_190 = arith.select %parallel_loop3A_187, %parallel_loop3A_78, %parallel_loop3A_80 : vector<16xi1>, vector<16xi32>
        %parallel_loop3A_191 = arith.cmpi sge, %parallel_loop3A_183, %sub3A : vector<16xi32>
        %parallel_loop3A_192 = arith.ori %parallel_loop3A_81, %parallel_loop3A_191 : vector<16xi1>
        scf.yield %parallel_loop3A_183, %parallel_loop3A_189, %parallel_loop3A_190, %parallel_loop3A_192 : vector<16xi32>, vector<16xi32>, vector<16xi32>, vector<16xi1>
      } {sc.loop_unroll_factor = 8 : i64, sc.parallel_access}
      %shift_left3A = arith.constant 8 : i32
      %shift_left3A_40 = vector.broadcast %shift_left3A : i32 to vector<16xi32>
      %shift_left3A_41 = arith.shli %parallel_loop3A_30#1, %shift_left3A_40 : vector<16xi32>
      %or3A = arith.ori %shift_left3A_41, %parallel_loop3A_39#1 : vector<16xi32>
      %sub3A_42 = arith.subi %sub3A, %parallel_loop3A_39#2 : vector<16xi32>
      %parallel_loop3A_43 = arith.constant 0 : i32
      %parallel_loop3A_44 = arith.constant 1024 : i32
      %parallel_loop3A_45 = arith.constant 1 : i32
      scf.for %parallel_loop3A_77 = %parallel_loop3A_43 to %parallel_loop3A_44 step %parallel_loop3A_45  : i32 {
        %parallel_loop3A_78 = arith.constant 16 : i32
        %parallel_loop3A_79 = arith.muli %parallel_loop3A_77, %parallel_loop3A_78 : i32
        %parallel_loop3A_80 = arith.index_cast %parallel_loop3A_79 : i32 to index
        %parallel_loop3A_81 = tpu.vector_load %arg5[%parallel_loop3A_80] {strides = array<i32>} : memref<16384xi32, #tpu.memory_space<vmem>>, vector<16xi32>,
        %parallel_loop3A_82 = arith.constant 16 : i32
        %parallel_loop3A_83 = vector.broadcast %parallel_loop3A_82 : i32 to vector<16xi32>
        %parallel_loop3A_84 = arith.shrui %parallel_loop3A_81, %parallel_loop3A_83 : vector<16xi32>
        %parallel_loop3A_85 = arith.cmpi eq, %parallel_loop3A_84, %or3A : vector<16xi32>
        %parallel_loop3A_86 = arith.constant 8 : i32
        %parallel_loop3A_87 = vector.broadcast %parallel_loop3A_86 : i32 to vector<16xi32>
        %parallel_loop3A_88 = arith.shrui %parallel_loop3A_81, %parallel_loop3A_87 : vector<16xi32>
        %parallel_loop3A_89 = arith.constant 255 : i32
        %parallel_loop3A_90 = vector.broadcast %parallel_loop3A_89 : i32 to vector<16xi32>
        %parallel_loop3A_91 = arith.andi %parallel_loop3A_88, %parallel_loop3A_90 : vector<16xi32>
        %parallel_loop3A_92 = arith.constant 7 : i32
        %parallel_loop3A_93 = arith.andi %parallel_loop3A_77, %parallel_loop3A_92 : i32
        %parallel_loop3A_94 = arith.constant 4096 : i32
        %parallel_loop3A_95 = arith.muli %parallel_loop3A_93, %parallel_loop3A_94 : i32
        %parallel_loop3A_96 = arith.constant 16 : i32
        %parallel_loop3A_97 = vector.broadcast %parallel_loop3A_96 : i32 to vector<16xi32>
        %parallel_loop3A_98 = arith.muli %parallel_loop3A_91, %parallel_loop3A_97 : vector<16xi32>
        %parallel_loop3A_99 = vector.broadcast %parallel_loop3A_95 : i32 to vector<16xi32>
        %parallel_loop3A_100 = arith.addi %parallel_loop3A_99, %parallel_loop3A_98 : vector<16xi32>
        %parallel_loop3A_101 = arith.addi %parallel_loop3A_100, %iota3A : vector<16xi32>
        tpu.vector_store_idx %arg6[%parallel_loop3A_101], %broadcast_in_dim3A_1 masked %parallel_loop3A_85 {add = true} : memref<32768xi32, #tpu.memory_space<vmem>>[vector<16xi32>], vector<16xi32>, vector<16xi1>
      } {sc.loop_unroll_factor = 8 : i64, sc.parallel_access}
      %broadcast_in_dim3A_46 = arith.constant false
      %broadcast_in_dim3A_47 = vector.broadcast %broadcast_in_dim3A_46 : i1 to vector<16xi1>
      %parallel_loop3A_48 = arith.constant 0 : i32
      %parallel_loop3A_49 = arith.constant 256 : i32
      %parallel_loop3A_50 = arith.constant 1 : i32
      %parallel_loop3A_51:4 = scf.for %parallel_loop3A_77 = %parallel_loop3A_48 to %parallel_loop3A_49 step %parallel_loop3A_50 iter_args(%parallel_loop3A_78 = %broadcast_in_dim3A_3, %parallel_loop3A_79 = %broadcast_in_dim3A_3, %parallel_loop3A_80 = %broadcast_in_dim3A_3, %parallel_loop3A_81 = %broadcast_in_dim3A_47) -> (vector<16xi32>, vector<16xi32>, vector<16xi32>, vector<16xi1>)  : i32 {
        %parallel_loop3A_82 = arith.constant 255 : i32
        %parallel_loop3A_83 = arith.subi %parallel_loop3A_82, %parallel_loop3A_77 : i32
        %parallel_loop3A_84 = arith.constant 16 : i32
        %parallel_loop3A_85 = arith.muli %parallel_loop3A_83, %parallel_loop3A_84 : i32
        %parallel_loop3A_86 = arith.index_cast %parallel_loop3A_85 : i32 to index
        %parallel_loop3A_87 = tpu.vector_load %arg6[%parallel_loop3A_86] {strides = array<i32>} : memref<32768xi32, #tpu.memory_space<vmem>>, vector<16xi32>,
        %parallel_loop3A_88 = arith.constant 16 : i32
        %parallel_loop3A_89 = arith.muli %parallel_loop3A_83, %parallel_loop3A_88 : i32
        %parallel_loop3A_90 = arith.index_cast %parallel_loop3A_89 : i32 to index
        %parallel_loop3A_91 = tpu.vector_load %arg6[%parallel_loop3A_90] {strides = array<i32>} : memref<32768xi32, #tpu.memory_space<vmem>>, vector<16xi32>,
        tpu.vector_store %arg6[%parallel_loop3A_90], %broadcast_in_dim3A_3 {strides = array<i32>} : memref<32768xi32, #tpu.memory_space<vmem>>, vector<16xi32>,
        %parallel_loop3A_92 = arith.constant 16 : i32
        %parallel_loop3A_93 = arith.muli %parallel_loop3A_83, %parallel_loop3A_92 : i32
        %parallel_loop3A_94 = arith.constant 4096 : i32
        %parallel_loop3A_95 = arith.addi %parallel_loop3A_94, %parallel_loop3A_93 : i32
        %parallel_loop3A_96 = arith.index_cast %parallel_loop3A_95 : i32 to index
        %parallel_loop3A_97 = tpu.vector_load %arg6[%parallel_loop3A_96] {strides = array<i32>} : memref<32768xi32, #tpu.memory_space<vmem>>, vector<16xi32>,
        %parallel_loop3A_98 = arith.addi %parallel_loop3A_87, %parallel_loop3A_97 : vector<16xi32>
        %parallel_loop3A_99 = arith.constant 16 : i32
        %parallel_loop3A_100 = arith.muli %parallel_loop3A_83, %parallel_loop3A_99 : i32
        %parallel_loop3A_101 = arith.constant 4096 : i32
        %parallel_loop3A_102 = arith.addi %parallel_loop3A_101, %parallel_loop3A_100 : i32
        %parallel_loop3A_103 = arith.index_cast %parallel_loop3A_102 : i32 to index
        %parallel_loop3A_104 = tpu.vector_load %arg6[%parallel_loop3A_103] {strides = array<i32>} : memref<32768xi32, #tpu.memory_space<vmem>>, vector<16xi32>,
        tpu.vector_store %arg6[%parallel_loop3A_103], %broadcast_in_dim3A_3 {strides = array<i32>} : memref<32768xi32, #tpu.memory_space<vmem>>, vector<16xi32>,
        %parallel_loop3A_105 = arith.constant 16 : i32
        %parallel_loop3A_106 = arith.muli %parallel_loop3A_83, %parallel_loop3A_105 : i32
        %parallel_loop3A_107 = arith.constant 8192 : i32
        %parallel_loop3A_108 = arith.addi %parallel_loop3A_107, %parallel_loop3A_106 : i32
        %parallel_loop3A_109 = arith.index_cast %parallel_loop3A_108 : i32 to index
        %parallel_loop3A_110 = tpu.vector_load %arg6[%parallel_loop3A_109] {strides = array<i32>} : memref<32768xi32, #tpu.memory_space<vmem>>, vector<16xi32>,
        %parallel_loop3A_111 = arith.addi %parallel_loop3A_98, %parallel_loop3A_110 : vector<16xi32>
        %parallel_loop3A_112 = arith.constant 16 : i32
        %parallel_loop3A_113 = arith.muli %parallel_loop3A_83, %parallel_loop3A_112 : i32
        %parallel_loop3A_114 = arith.constant 8192 : i32
        %parallel_loop3A_115 = arith.addi %parallel_loop3A_114, %parallel_loop3A_113 : i32
        %parallel_loop3A_116 = arith.index_cast %parallel_loop3A_115 : i32 to index
        %parallel_loop3A_117 = tpu.vector_load %arg6[%parallel_loop3A_116] {strides = array<i32>} : memref<32768xi32, #tpu.memory_space<vmem>>, vector<16xi32>,
        tpu.vector_store %arg6[%parallel_loop3A_116], %broadcast_in_dim3A_3 {strides = array<i32>} : memref<32768xi32, #tpu.memory_space<vmem>>, vector<16xi32>,
        %parallel_loop3A_118 = arith.constant 16 : i32
        %parallel_loop3A_119 = arith.muli %parallel_loop3A_83, %parallel_loop3A_118 : i32
        %parallel_loop3A_120 = arith.constant 12288 : i32
        %parallel_loop3A_121 = arith.addi %parallel_loop3A_120, %parallel_loop3A_119 : i32
        %parallel_loop3A_122 = arith.index_cast %parallel_loop3A_121 : i32 to index
        %parallel_loop3A_123 = tpu.vector_load %arg6[%parallel_loop3A_122] {strides = array<i32>} : memref<32768xi32, #tpu.memory_space<vmem>>, vector<16xi32>,
        %parallel_loop3A_124 = arith.addi %parallel_loop3A_111, %parallel_loop3A_123 : vector<16xi32>
        %parallel_loop3A_125 = arith.constant 16 : i32
        %parallel_loop3A_126 = arith.muli %parallel_loop3A_83, %parallel_loop3A_125 : i32
        %parallel_loop3A_127 = arith.constant 12288 : i32
        %parallel_loop3A_128 = arith.addi %parallel_loop3A_127, %parallel_loop3A_126 : i32
        %parallel_loop3A_129 = arith.index_cast %parallel_loop3A_128 : i32 to index
        %parallel_loop3A_130 = tpu.vector_load %arg6[%parallel_loop3A_129] {strides = array<i32>} : memref<32768xi32, #tpu.memory_space<vmem>>, vector<16xi32>,
        tpu.vector_store %arg6[%parallel_loop3A_129], %broadcast_in_dim3A_3 {strides = array<i32>} : memref<32768xi32, #tpu.memory_space<vmem>>, vector<16xi32>,
        %parallel_loop3A_131 = arith.constant 16 : i32
        %parallel_loop3A_132 = arith.muli %parallel_loop3A_83, %parallel_loop3A_131 : i32
        %parallel_loop3A_133 = arith.constant 16384 : i32
        %parallel_loop3A_134 = arith.addi %parallel_loop3A_133, %parallel_loop3A_132 : i32
        %parallel_loop3A_135 = arith.index_cast %parallel_loop3A_134 : i32 to index
        %parallel_loop3A_136 = tpu.vector_load %arg6[%parallel_loop3A_135] {strides = array<i32>} : memref<32768xi32, #tpu.memory_space<vmem>>, vector<16xi32>,
        %parallel_loop3A_137 = arith.addi %parallel_loop3A_124, %parallel_loop3A_136 : vector<16xi32>
        %parallel_loop3A_138 = arith.constant 16 : i32
        %parallel_loop3A_139 = arith.muli %parallel_loop3A_83, %parallel_loop3A_138 : i32
        %parallel_loop3A_140 = arith.constant 16384 : i32
        %parallel_loop3A_141 = arith.addi %parallel_loop3A_140, %parallel_loop3A_139 : i32
        %parallel_loop3A_142 = arith.index_cast %parallel_loop3A_141 : i32 to index
        %parallel_loop3A_143 = tpu.vector_load %arg6[%parallel_loop3A_142] {strides = array<i32>} : memref<32768xi32, #tpu.memory_space<vmem>>, vector<16xi32>,
        tpu.vector_store %arg6[%parallel_loop3A_142], %broadcast_in_dim3A_3 {strides = array<i32>} : memref<32768xi32, #tpu.memory_space<vmem>>, vector<16xi32>,
        %parallel_loop3A_144 = arith.constant 16 : i32
        %parallel_loop3A_145 = arith.muli %parallel_loop3A_83, %parallel_loop3A_144 : i32
        %parallel_loop3A_146 = arith.constant 20480 : i32
        %parallel_loop3A_147 = arith.addi %parallel_loop3A_146, %parallel_loop3A_145 : i32
        %parallel_loop3A_148 = arith.index_cast %parallel_loop3A_147 : i32 to index
        %parallel_loop3A_149 = tpu.vector_load %arg6[%parallel_loop3A_148] {strides = array<i32>} : memref<32768xi32, #tpu.memory_space<vmem>>, vector<16xi32>,
        %parallel_loop3A_150 = arith.addi %parallel_loop3A_137, %parallel_loop3A_149 : vector<16xi32>
        %parallel_loop3A_151 = arith.constant 16 : i32
        %parallel_loop3A_152 = arith.muli %parallel_loop3A_83, %parallel_loop3A_151 : i32
        %parallel_loop3A_153 = arith.constant 20480 : i32
        %parallel_loop3A_154 = arith.addi %parallel_loop3A_153, %parallel_loop3A_152 : i32
        %parallel_loop3A_155 = arith.index_cast %parallel_loop3A_154 : i32 to index
        %parallel_loop3A_156 = tpu.vector_load %arg6[%parallel_loop3A_155] {strides = array<i32>} : memref<32768xi32, #tpu.memory_space<vmem>>, vector<16xi32>,
        tpu.vector_store %arg6[%parallel_loop3A_155], %broadcast_in_dim3A_3 {strides = array<i32>} : memref<32768xi32, #tpu.memory_space<vmem>>, vector<16xi32>,
        %parallel_loop3A_157 = arith.constant 16 : i32
        %parallel_loop3A_158 = arith.muli %parallel_loop3A_83, %parallel_loop3A_157 : i32
        %parallel_loop3A_159 = arith.constant 24576 : i32
        %parallel_loop3A_160 = arith.addi %parallel_loop3A_159, %parallel_loop3A_158 : i32
        %parallel_loop3A_161 = arith.index_cast %parallel_loop3A_160 : i32 to index
        %parallel_loop3A_162 = tpu.vector_load %arg6[%parallel_loop3A_161] {strides = array<i32>} : memref<32768xi32, #tpu.memory_space<vmem>>, vector<16xi32>,
        %parallel_loop3A_163 = arith.addi %parallel_loop3A_150, %parallel_loop3A_162 : vector<16xi32>
        %parallel_loop3A_164 = arith.constant 16 : i32
        %parallel_loop3A_165 = arith.muli %parallel_loop3A_83, %parallel_loop3A_164 : i32
        %parallel_loop3A_166 = arith.constant 24576 : i32
        %parallel_loop3A_167 = arith.addi %parallel_loop3A_166, %parallel_loop3A_165 : i32
        %parallel_loop3A_168 = arith.index_cast %parallel_loop3A_167 : i32 to index
        %parallel_loop3A_169 = tpu.vector_load %arg6[%parallel_loop3A_168] {strides = array<i32>} : memref<32768xi32, #tpu.memory_space<vmem>>, vector<16xi32>,
        tpu.vector_store %arg6[%parallel_loop3A_168], %broadcast_in_dim3A_3 {strides = array<i32>} : memref<32768xi32, #tpu.memory_space<vmem>>, vector<16xi32>,
        %parallel_loop3A_170 = arith.constant 16 : i32
        %parallel_loop3A_171 = arith.muli %parallel_loop3A_83, %parallel_loop3A_170 : i32
        %parallel_loop3A_172 = arith.constant 28672 : i32
        %parallel_loop3A_173 = arith.addi %parallel_loop3A_172, %parallel_loop3A_171 : i32
        %parallel_loop3A_174 = arith.index_cast %parallel_loop3A_173 : i32 to index
        %parallel_loop3A_175 = tpu.vector_load %arg6[%parallel_loop3A_174] {strides = array<i32>} : memref<32768xi32, #tpu.memory_space<vmem>>, vector<16xi32>,
        %parallel_loop3A_176 = arith.addi %parallel_loop3A_163, %parallel_loop3A_175 : vector<16xi32>
        %parallel_loop3A_177 = arith.constant 16 : i32
        %parallel_loop3A_178 = arith.muli %parallel_loop3A_83, %parallel_loop3A_177 : i32
        %parallel_loop3A_179 = arith.constant 28672 : i32
        %parallel_loop3A_180 = arith.addi %parallel_loop3A_179, %parallel_loop3A_178 : i32
        %parallel_loop3A_181 = arith.index_cast %parallel_loop3A_180 : i32 to index
        %parallel_loop3A_182 = tpu.vector_load %arg6[%parallel_loop3A_181] {strides = array<i32>} : memref<32768xi32, #tpu.memory_space<vmem>>, vector<16xi32>,
        tpu.vector_store %arg6[%parallel_loop3A_181], %broadcast_in_dim3A_3 {strides = array<i32>} : memref<32768xi32, #tpu.memory_space<vmem>>, vector<16xi32>,
        %parallel_loop3A_183 = arith.addi %parallel_loop3A_78, %parallel_loop3A_176 : vector<16xi32>
        %parallel_loop3A_184 = arith.constant dense<true> : vector<16xi1>
        %parallel_loop3A_185 = arith.xori %parallel_loop3A_81, %parallel_loop3A_184 : vector<16xi1>
        %parallel_loop3A_186 = arith.cmpi sge, %parallel_loop3A_183, %sub3A_42 : vector<16xi32>
        %parallel_loop3A_187 = arith.andi %parallel_loop3A_185, %parallel_loop3A_186 : vector<16xi1>
        %parallel_loop3A_188 = vector.broadcast %parallel_loop3A_83 : i32 to vector<16xi32>
        %parallel_loop3A_189 = arith.select %parallel_loop3A_187, %parallel_loop3A_188, %parallel_loop3A_79 : vector<16xi1>, vector<16xi32>
        %parallel_loop3A_190 = arith.select %parallel_loop3A_187, %parallel_loop3A_78, %parallel_loop3A_80 : vector<16xi1>, vector<16xi32>
        %parallel_loop3A_191 = arith.cmpi sge, %parallel_loop3A_183, %sub3A_42 : vector<16xi32>
        %parallel_loop3A_192 = arith.ori %parallel_loop3A_81, %parallel_loop3A_191 : vector<16xi1>
        scf.yield %parallel_loop3A_183, %parallel_loop3A_189, %parallel_loop3A_190, %parallel_loop3A_192 : vector<16xi32>, vector<16xi32>, vector<16xi32>, vector<16xi1>
      } {sc.loop_unroll_factor = 8 : i64, sc.parallel_access}
      %shift_left3A_52 = arith.constant 8 : i32
      %shift_left3A_53 = vector.broadcast %shift_left3A_52 : i32 to vector<16xi32>
      %shift_left3A_54 = arith.shli %or3A, %shift_left3A_53 : vector<16xi32>
      %or3A_55 = arith.ori %shift_left3A_54, %parallel_loop3A_51#1 : vector<16xi32>
      %sub3A_56 = arith.subi %sub3A_42, %parallel_loop3A_51#2 : vector<16xi32>
      %parallel_loop3A_57 = arith.constant 0 : i32
      %parallel_loop3A_58 = arith.constant 1024 : i32
      %parallel_loop3A_59 = arith.constant 1 : i32
      scf.for %parallel_loop3A_77 = %parallel_loop3A_57 to %parallel_loop3A_58 step %parallel_loop3A_59  : i32 {
        %parallel_loop3A_78 = arith.constant 16 : i32
        %parallel_loop3A_79 = arith.muli %parallel_loop3A_77, %parallel_loop3A_78 : i32
        %parallel_loop3A_80 = arith.index_cast %parallel_loop3A_79 : i32 to index
        %parallel_loop3A_81 = tpu.vector_load %arg5[%parallel_loop3A_80] {strides = array<i32>} : memref<16384xi32, #tpu.memory_space<vmem>>, vector<16xi32>,
        %parallel_loop3A_82 = arith.constant 8 : i32
        %parallel_loop3A_83 = vector.broadcast %parallel_loop3A_82 : i32 to vector<16xi32>
        %parallel_loop3A_84 = arith.shrui %parallel_loop3A_81, %parallel_loop3A_83 : vector<16xi32>
        %parallel_loop3A_85 = arith.cmpi eq, %parallel_loop3A_84, %or3A_55 : vector<16xi32>
        %parallel_loop3A_86 = arith.constant 0 : i32
        %parallel_loop3A_87 = vector.broadcast %parallel_loop3A_86 : i32 to vector<16xi32>
        %parallel_loop3A_88 = arith.shrui %parallel_loop3A_81, %parallel_loop3A_87 : vector<16xi32>
        %parallel_loop3A_89 = arith.constant 255 : i32
        %parallel_loop3A_90 = vector.broadcast %parallel_loop3A_89 : i32 to vector<16xi32>
        %parallel_loop3A_91 = arith.andi %parallel_loop3A_88, %parallel_loop3A_90 : vector<16xi32>
        %parallel_loop3A_92 = arith.constant 7 : i32
        %parallel_loop3A_93 = arith.andi %parallel_loop3A_77, %parallel_loop3A_92 : i32
        %parallel_loop3A_94 = arith.constant 4096 : i32
        %parallel_loop3A_95 = arith.muli %parallel_loop3A_93, %parallel_loop3A_94 : i32
        %parallel_loop3A_96 = arith.constant 16 : i32
        %parallel_loop3A_97 = vector.broadcast %parallel_loop3A_96 : i32 to vector<16xi32>
        %parallel_loop3A_98 = arith.muli %parallel_loop3A_91, %parallel_loop3A_97 : vector<16xi32>
        %parallel_loop3A_99 = vector.broadcast %parallel_loop3A_95 : i32 to vector<16xi32>
        %parallel_loop3A_100 = arith.addi %parallel_loop3A_99, %parallel_loop3A_98 : vector<16xi32>
        %parallel_loop3A_101 = arith.addi %parallel_loop3A_100, %iota3A : vector<16xi32>
        tpu.vector_store_idx %arg6[%parallel_loop3A_101], %broadcast_in_dim3A_1 masked %parallel_loop3A_85 {add = true} : memref<32768xi32, #tpu.memory_space<vmem>>[vector<16xi32>], vector<16xi32>, vector<16xi1>
      } {sc.loop_unroll_factor = 8 : i64, sc.parallel_access}
      %broadcast_in_dim3A_60 = arith.constant false
      %broadcast_in_dim3A_61 = vector.broadcast %broadcast_in_dim3A_60 : i1 to vector<16xi1>
      %parallel_loop3A_62 = arith.constant 0 : i32
      %parallel_loop3A_63 = arith.constant 256 : i32
      %parallel_loop3A_64 = arith.constant 1 : i32
      %parallel_loop3A_65:4 = scf.for %parallel_loop3A_77 = %parallel_loop3A_62 to %parallel_loop3A_63 step %parallel_loop3A_64 iter_args(%parallel_loop3A_78 = %broadcast_in_dim3A_3, %parallel_loop3A_79 = %broadcast_in_dim3A_3, %parallel_loop3A_80 = %broadcast_in_dim3A_3, %parallel_loop3A_81 = %broadcast_in_dim3A_61) -> (vector<16xi32>, vector<16xi32>, vector<16xi32>, vector<16xi1>)  : i32 {
        %parallel_loop3A_82 = arith.constant 255 : i32
        %parallel_loop3A_83 = arith.subi %parallel_loop3A_82, %parallel_loop3A_77 : i32
        %parallel_loop3A_84 = arith.constant 16 : i32
        %parallel_loop3A_85 = arith.muli %parallel_loop3A_83, %parallel_loop3A_84 : i32
        %parallel_loop3A_86 = arith.index_cast %parallel_loop3A_85 : i32 to index
        %parallel_loop3A_87 = tpu.vector_load %arg6[%parallel_loop3A_86] {strides = array<i32>} : memref<32768xi32, #tpu.memory_space<vmem>>, vector<16xi32>,
        %parallel_loop3A_88 = arith.constant 16 : i32
        %parallel_loop3A_89 = arith.muli %parallel_loop3A_83, %parallel_loop3A_88 : i32
        %parallel_loop3A_90 = arith.index_cast %parallel_loop3A_89 : i32 to index
        %parallel_loop3A_91 = tpu.vector_load %arg6[%parallel_loop3A_90] {strides = array<i32>} : memref<32768xi32, #tpu.memory_space<vmem>>, vector<16xi32>,
        tpu.vector_store %arg6[%parallel_loop3A_90], %broadcast_in_dim3A_3 {strides = array<i32>} : memref<32768xi32, #tpu.memory_space<vmem>>, vector<16xi32>,
        %parallel_loop3A_92 = arith.constant 16 : i32
        %parallel_loop3A_93 = arith.muli %parallel_loop3A_83, %parallel_loop3A_92 : i32
        %parallel_loop3A_94 = arith.constant 4096 : i32
        %parallel_loop3A_95 = arith.addi %parallel_loop3A_94, %parallel_loop3A_93 : i32
        %parallel_loop3A_96 = arith.index_cast %parallel_loop3A_95 : i32 to index
        %parallel_loop3A_97 = tpu.vector_load %arg6[%parallel_loop3A_96] {strides = array<i32>} : memref<32768xi32, #tpu.memory_space<vmem>>, vector<16xi32>,
        %parallel_loop3A_98 = arith.addi %parallel_loop3A_87, %parallel_loop3A_97 : vector<16xi32>
        %parallel_loop3A_99 = arith.constant 16 : i32
        %parallel_loop3A_100 = arith.muli %parallel_loop3A_83, %parallel_loop3A_99 : i32
        %parallel_loop3A_101 = arith.constant 4096 : i32
        %parallel_loop3A_102 = arith.addi %parallel_loop3A_101, %parallel_loop3A_100 : i32
        %parallel_loop3A_103 = arith.index_cast %parallel_loop3A_102 : i32 to index
        %parallel_loop3A_104 = tpu.vector_load %arg6[%parallel_loop3A_103] {strides = array<i32>} : memref<32768xi32, #tpu.memory_space<vmem>>, vector<16xi32>,
        tpu.vector_store %arg6[%parallel_loop3A_103], %broadcast_in_dim3A_3 {strides = array<i32>} : memref<32768xi32, #tpu.memory_space<vmem>>, vector<16xi32>,
        %parallel_loop3A_105 = arith.constant 16 : i32
        %parallel_loop3A_106 = arith.muli %parallel_loop3A_83, %parallel_loop3A_105 : i32
        %parallel_loop3A_107 = arith.constant 8192 : i32
        %parallel_loop3A_108 = arith.addi %parallel_loop3A_107, %parallel_loop3A_106 : i32
        %parallel_loop3A_109 = arith.index_cast %parallel_loop3A_108 : i32 to index
        %parallel_loop3A_110 = tpu.vector_load %arg6[%parallel_loop3A_109] {strides = array<i32>} : memref<32768xi32, #tpu.memory_space<vmem>>, vector<16xi32>,
        %parallel_loop3A_111 = arith.addi %parallel_loop3A_98, %parallel_loop3A_110 : vector<16xi32>
        %parallel_loop3A_112 = arith.constant 16 : i32
        %parallel_loop3A_113 = arith.muli %parallel_loop3A_83, %parallel_loop3A_112 : i32
        %parallel_loop3A_114 = arith.constant 8192 : i32
        %parallel_loop3A_115 = arith.addi %parallel_loop3A_114, %parallel_loop3A_113 : i32
        %parallel_loop3A_116 = arith.index_cast %parallel_loop3A_115 : i32 to index
        %parallel_loop3A_117 = tpu.vector_load %arg6[%parallel_loop3A_116] {strides = array<i32>} : memref<32768xi32, #tpu.memory_space<vmem>>, vector<16xi32>,
        tpu.vector_store %arg6[%parallel_loop3A_116], %broadcast_in_dim3A_3 {strides = array<i32>} : memref<32768xi32, #tpu.memory_space<vmem>>, vector<16xi32>,
        %parallel_loop3A_118 = arith.constant 16 : i32
        %parallel_loop3A_119 = arith.muli %parallel_loop3A_83, %parallel_loop3A_118 : i32
        %parallel_loop3A_120 = arith.constant 12288 : i32
        %parallel_loop3A_121 = arith.addi %parallel_loop3A_120, %parallel_loop3A_119 : i32
        %parallel_loop3A_122 = arith.index_cast %parallel_loop3A_121 : i32 to index
        %parallel_loop3A_123 = tpu.vector_load %arg6[%parallel_loop3A_122] {strides = array<i32>} : memref<32768xi32, #tpu.memory_space<vmem>>, vector<16xi32>,
        %parallel_loop3A_124 = arith.addi %parallel_loop3A_111, %parallel_loop3A_123 : vector<16xi32>
        %parallel_loop3A_125 = arith.constant 16 : i32
        %parallel_loop3A_126 = arith.muli %parallel_loop3A_83, %parallel_loop3A_125 : i32
        %parallel_loop3A_127 = arith.constant 12288 : i32
        %parallel_loop3A_128 = arith.addi %parallel_loop3A_127, %parallel_loop3A_126 : i32
        %parallel_loop3A_129 = arith.index_cast %parallel_loop3A_128 : i32 to index
        %parallel_loop3A_130 = tpu.vector_load %arg6[%parallel_loop3A_129] {strides = array<i32>} : memref<32768xi32, #tpu.memory_space<vmem>>, vector<16xi32>,
        tpu.vector_store %arg6[%parallel_loop3A_129], %broadcast_in_dim3A_3 {strides = array<i32>} : memref<32768xi32, #tpu.memory_space<vmem>>, vector<16xi32>,
        %parallel_loop3A_131 = arith.constant 16 : i32
        %parallel_loop3A_132 = arith.muli %parallel_loop3A_83, %parallel_loop3A_131 : i32
        %parallel_loop3A_133 = arith.constant 16384 : i32
        %parallel_loop3A_134 = arith.addi %parallel_loop3A_133, %parallel_loop3A_132 : i32
        %parallel_loop3A_135 = arith.index_cast %parallel_loop3A_134 : i32 to index
        %parallel_loop3A_136 = tpu.vector_load %arg6[%parallel_loop3A_135] {strides = array<i32>} : memref<32768xi32, #tpu.memory_space<vmem>>, vector<16xi32>,
        %parallel_loop3A_137 = arith.addi %parallel_loop3A_124, %parallel_loop3A_136 : vector<16xi32>
        %parallel_loop3A_138 = arith.constant 16 : i32
        %parallel_loop3A_139 = arith.muli %parallel_loop3A_83, %parallel_loop3A_138 : i32
        %parallel_loop3A_140 = arith.constant 16384 : i32
        %parallel_loop3A_141 = arith.addi %parallel_loop3A_140, %parallel_loop3A_139 : i32
        %parallel_loop3A_142 = arith.index_cast %parallel_loop3A_141 : i32 to index
        %parallel_loop3A_143 = tpu.vector_load %arg6[%parallel_loop3A_142] {strides = array<i32>} : memref<32768xi32, #tpu.memory_space<vmem>>, vector<16xi32>,
        tpu.vector_store %arg6[%parallel_loop3A_142], %broadcast_in_dim3A_3 {strides = array<i32>} : memref<32768xi32, #tpu.memory_space<vmem>>, vector<16xi32>,
        %parallel_loop3A_144 = arith.constant 16 : i32
        %parallel_loop3A_145 = arith.muli %parallel_loop3A_83, %parallel_loop3A_144 : i32
        %parallel_loop3A_146 = arith.constant 20480 : i32
        %parallel_loop3A_147 = arith.addi %parallel_loop3A_146, %parallel_loop3A_145 : i32
        %parallel_loop3A_148 = arith.index_cast %parallel_loop3A_147 : i32 to index
        %parallel_loop3A_149 = tpu.vector_load %arg6[%parallel_loop3A_148] {strides = array<i32>} : memref<32768xi32, #tpu.memory_space<vmem>>, vector<16xi32>,
        %parallel_loop3A_150 = arith.addi %parallel_loop3A_137, %parallel_loop3A_149 : vector<16xi32>
        %parallel_loop3A_151 = arith.constant 16 : i32
        %parallel_loop3A_152 = arith.muli %parallel_loop3A_83, %parallel_loop3A_151 : i32
        %parallel_loop3A_153 = arith.constant 20480 : i32
        %parallel_loop3A_154 = arith.addi %parallel_loop3A_153, %parallel_loop3A_152 : i32
        %parallel_loop3A_155 = arith.index_cast %parallel_loop3A_154 : i32 to index
        %parallel_loop3A_156 = tpu.vector_load %arg6[%parallel_loop3A_155] {strides = array<i32>} : memref<32768xi32, #tpu.memory_space<vmem>>, vector<16xi32>,
        tpu.vector_store %arg6[%parallel_loop3A_155], %broadcast_in_dim3A_3 {strides = array<i32>} : memref<32768xi32, #tpu.memory_space<vmem>>, vector<16xi32>,
        %parallel_loop3A_157 = arith.constant 16 : i32
        %parallel_loop3A_158 = arith.muli %parallel_loop3A_83, %parallel_loop3A_157 : i32
        %parallel_loop3A_159 = arith.constant 24576 : i32
        %parallel_loop3A_160 = arith.addi %parallel_loop3A_159, %parallel_loop3A_158 : i32
        %parallel_loop3A_161 = arith.index_cast %parallel_loop3A_160 : i32 to index
        %parallel_loop3A_162 = tpu.vector_load %arg6[%parallel_loop3A_161] {strides = array<i32>} : memref<32768xi32, #tpu.memory_space<vmem>>, vector<16xi32>,
        %parallel_loop3A_163 = arith.addi %parallel_loop3A_150, %parallel_loop3A_162 : vector<16xi32>
        %parallel_loop3A_164 = arith.constant 16 : i32
        %parallel_loop3A_165 = arith.muli %parallel_loop3A_83, %parallel_loop3A_164 : i32
        %parallel_loop3A_166 = arith.constant 24576 : i32
        %parallel_loop3A_167 = arith.addi %parallel_loop3A_166, %parallel_loop3A_165 : i32
        %parallel_loop3A_168 = arith.index_cast %parallel_loop3A_167 : i32 to index
        %parallel_loop3A_169 = tpu.vector_load %arg6[%parallel_loop3A_168] {strides = array<i32>} : memref<32768xi32, #tpu.memory_space<vmem>>, vector<16xi32>,
        tpu.vector_store %arg6[%parallel_loop3A_168], %broadcast_in_dim3A_3 {strides = array<i32>} : memref<32768xi32, #tpu.memory_space<vmem>>, vector<16xi32>,
        %parallel_loop3A_170 = arith.constant 16 : i32
        %parallel_loop3A_171 = arith.muli %parallel_loop3A_83, %parallel_loop3A_170 : i32
        %parallel_loop3A_172 = arith.constant 28672 : i32
        %parallel_loop3A_173 = arith.addi %parallel_loop3A_172, %parallel_loop3A_171 : i32
        %parallel_loop3A_174 = arith.index_cast %parallel_loop3A_173 : i32 to index
        %parallel_loop3A_175 = tpu.vector_load %arg6[%parallel_loop3A_174] {strides = array<i32>} : memref<32768xi32, #tpu.memory_space<vmem>>, vector<16xi32>,
        %parallel_loop3A_176 = arith.addi %parallel_loop3A_163, %parallel_loop3A_175 : vector<16xi32>
        %parallel_loop3A_177 = arith.constant 16 : i32
        %parallel_loop3A_178 = arith.muli %parallel_loop3A_83, %parallel_loop3A_177 : i32
        %parallel_loop3A_179 = arith.constant 28672 : i32
        %parallel_loop3A_180 = arith.addi %parallel_loop3A_179, %parallel_loop3A_178 : i32
        %parallel_loop3A_181 = arith.index_cast %parallel_loop3A_180 : i32 to index
        %parallel_loop3A_182 = tpu.vector_load %arg6[%parallel_loop3A_181] {strides = array<i32>} : memref<32768xi32, #tpu.memory_space<vmem>>, vector<16xi32>,
        tpu.vector_store %arg6[%parallel_loop3A_181], %broadcast_in_dim3A_3 {strides = array<i32>} : memref<32768xi32, #tpu.memory_space<vmem>>, vector<16xi32>,
        %parallel_loop3A_183 = arith.addi %parallel_loop3A_78, %parallel_loop3A_176 : vector<16xi32>
        %parallel_loop3A_184 = arith.constant dense<true> : vector<16xi1>
        %parallel_loop3A_185 = arith.xori %parallel_loop3A_81, %parallel_loop3A_184 : vector<16xi1>
        %parallel_loop3A_186 = arith.cmpi sge, %parallel_loop3A_183, %sub3A_56 : vector<16xi32>
        %parallel_loop3A_187 = arith.andi %parallel_loop3A_185, %parallel_loop3A_186 : vector<16xi1>
        %parallel_loop3A_188 = vector.broadcast %parallel_loop3A_83 : i32 to vector<16xi32>
        %parallel_loop3A_189 = arith.select %parallel_loop3A_187, %parallel_loop3A_188, %parallel_loop3A_79 : vector<16xi1>, vector<16xi32>
        %parallel_loop3A_190 = arith.select %parallel_loop3A_187, %parallel_loop3A_78, %parallel_loop3A_80 : vector<16xi1>, vector<16xi32>
        %parallel_loop3A_191 = arith.cmpi sge, %parallel_loop3A_183, %sub3A_56 : vector<16xi32>
        %parallel_loop3A_192 = arith.ori %parallel_loop3A_81, %parallel_loop3A_191 : vector<16xi1>
        scf.yield %parallel_loop3A_183, %parallel_loop3A_189, %parallel_loop3A_190, %parallel_loop3A_192 : vector<16xi32>, vector<16xi32>, vector<16xi32>, vector<16xi1>
      } {sc.loop_unroll_factor = 8 : i64, sc.parallel_access}
      %shift_left3A_66 = arith.constant 8 : i32
      %shift_left3A_67 = vector.broadcast %shift_left3A_66 : i32 to vector<16xi32>
      %shift_left3A_68 = arith.shli %or3A_55, %shift_left3A_67 : vector<16xi32>
      %or3A_69 = arith.ori %shift_left3A_68, %parallel_loop3A_65#1 : vector<16xi32>
      %sub3A_70 = arith.subi %sub3A_56, %parallel_loop3A_65#2 : vector<16xi32>
      %xor3A = arith.constant -2147483648 : i32
      %xor3A_71 = vector.broadcast %xor3A : i32 to vector<16xi32>
      %xor3A_72 = arith.xori %or3A_69, %xor3A_71 : vector<16xi32>
      %parallel_loop3A_73 = arith.constant 0 : i32
      %parallel_loop3A_74 = arith.constant 1024 : i32
      %parallel_loop3A_75 = arith.constant 1 : i32
      %parallel_loop3A_76 = scf.for %parallel_loop3A_77 = %parallel_loop3A_73 to %parallel_loop3A_74 step %parallel_loop3A_75 iter_args(%parallel_loop3A_78 = %broadcast_in_dim3A_3) -> (vector<16xi32>)  : i32 {
        %parallel_loop3A_79 = arith.constant 16 : i32
        %parallel_loop3A_80 = arith.muli %parallel_loop3A_77, %parallel_loop3A_79 : i32
        %parallel_loop3A_81 = arith.index_cast %parallel_loop3A_80 : i32 to index
        %parallel_loop3A_82 = tpu.vector_load %arg5[%parallel_loop3A_81] {strides = array<i32>} : memref<16384xi32, #tpu.memory_space<vmem>>, vector<16xi32>,
        %parallel_loop3A_83 = arith.constant -2147483648 : i32
        %parallel_loop3A_84 = vector.broadcast %parallel_loop3A_83 : i32 to vector<16xi32>
        %parallel_loop3A_85 = arith.xori %parallel_loop3A_82, %parallel_loop3A_84 : vector<16xi32>
        %parallel_loop3A_86 = arith.cmpi sgt, %parallel_loop3A_85, %xor3A_72 : vector<16xi32>
        %parallel_loop3A_87 = arith.cmpi eq, %parallel_loop3A_82, %or3A_69 : vector<16xi32>
        %parallel_loop3A_88 = arith.constant 1 : i32
        %parallel_loop3A_89 = arith.constant 0 : i32
        %parallel_loop3A_90 = vector.broadcast %parallel_loop3A_88 : i32 to vector<16xi32>
        %parallel_loop3A_91 = vector.broadcast %parallel_loop3A_89 : i32 to vector<16xi32>
        %parallel_loop3A_92 = arith.select %parallel_loop3A_87, %parallel_loop3A_90, %parallel_loop3A_91 : vector<16xi1>, vector<16xi32>
        %parallel_loop3A_93 = arith.addi %parallel_loop3A_78, %parallel_loop3A_92 : vector<16xi32>
        %parallel_loop3A_94 = arith.cmpi sle, %parallel_loop3A_93, %sub3A_70 : vector<16xi32>
        %parallel_loop3A_95 = arith.andi %parallel_loop3A_87, %parallel_loop3A_94 : vector<16xi1>
        %parallel_loop3A_96 = arith.ori %parallel_loop3A_86, %parallel_loop3A_95 : vector<16xi1>
        %parallel_loop3A_97 = arith.constant 1.000000e+00 : f32
        %parallel_loop3A_98 = arith.constant 0.000000e+00 : f32
        %parallel_loop3A_99 = vector.broadcast %parallel_loop3A_97 : f32 to vector<16xf32>
        %parallel_loop3A_100 = vector.broadcast %parallel_loop3A_98 : f32 to vector<16xf32>
        %parallel_loop3A_101 = arith.select %parallel_loop3A_96, %parallel_loop3A_99, %parallel_loop3A_100 : vector<16xi1>, vector<16xf32>
        %parallel_loop3A_102 = vector.broadcast %parallel_loop3A_77 : i32 to vector<16xi32>
        tpu.vector_store_idx %arg7[%iota3A, %parallel_loop3A_102], %parallel_loop3A_101 : memref<16x1025xf32, #tpu.memory_space<vmem>>[vector<16xi32>, vector<16xi32>], vector<16xf32>,
        scf.yield %parallel_loop3A_93 : vector<16xi32>
      } {sc.loop_unroll_factor = 8 : i64, sc.parallel_access}
      "tpu.region"() ({
        %run_scoped3A = tpu.sem_alloc : memref<!tpu.dma_semaphore, #tpu.memory_space<semaphore_mem>>
        %dma_start3A = arith.constant 0 : i32
        %dma_start3A_77 = arith.constant 0 : i32
        %dma_start3A_78 = tpu.memref_slice %arg7[%dma_start3A, %dma_start3A_77] : memref<16x1025xf32, #tpu.memory_space<vmem>> -> memref<16x1024xf32, #tpu.memory_space<vmem>>
        %dma_start3A_79 = arith.constant 0 : i32
        %dma_start3A_80 = tpu.memref_slice %arg3[%mul3A_19, %dma_start3A_79] : memref<1024x1024xf32, #tpu.memory_space<hbm>> -> memref<16x1024xf32, #tpu.memory_space<hbm>>
        %dma_start3A_81 = arith.constant 0 : i32
        %dma_start3A_82 = tpu.memref_slice %arg3[%mul3A_19, %dma_start3A_81] : memref<1024x1024xf32, #tpu.memory_space<hbm>> -> memref<16x1024xf32, #tpu.memory_space<hbm>>
        %dma_start3A_83 = arith.constant 0 : i32
        %dma_start3A_84 = arith.constant 0 : i32
        %dma_start3A_85 = tpu.memref_slice %arg7[%dma_start3A_83, %dma_start3A_84] : memref<16x1025xf32, #tpu.memory_space<vmem>> -> memref<16x1024xf32, #tpu.memory_space<vmem>>
        tpu.enqueue_dma source(%dma_start3A_85 : memref<16x1024xf32, #tpu.memory_space<vmem>>) target(%dma_start3A_82 : memref<16x1024xf32, #tpu.memory_space<hbm>>) target_semaphore(%run_scoped3A : memref<!tpu.dma_semaphore, #tpu.memory_space<semaphore_mem>>)
        %dma_wait3A = arith.constant 0 : i32
        %dma_wait3A_86 = arith.constant 0 : i32
        %dma_wait3A_87 = tpu.memref_slice %arg7[%dma_wait3A, %dma_wait3A_86] : memref<16x1025xf32, #tpu.memory_space<vmem>> -> memref<16x1024xf32, #tpu.memory_space<vmem>>
        %dma_wait3A_88 = arith.constant 0 : i32
        %dma_wait3A_89 = tpu.memref_slice %arg3[%mul3A_19, %dma_wait3A_88] : memref<1024x1024xf32, #tpu.memory_space<hbm>> -> memref<16x1024xf32, #tpu.memory_space<hbm>>
        %dma_wait3A_90 = arith.constant 0 : i32
        %dma_wait3A_91 = tpu.memref_slice %arg3[%mul3A_19, %dma_wait3A_90] : memref<1024x1024xf32, #tpu.memory_space<hbm>> -> memref<16x1024xf32, #tpu.memory_space<hbm>>
        %dma_wait3A_92 = arith.constant 0 : i32
        %dma_wait3A_93 = arith.constant 0 : i32
        %dma_wait3A_94 = tpu.memref_slice %arg7[%dma_wait3A_92, %dma_wait3A_93] : memref<16x1025xf32, #tpu.memory_space<vmem>> -> memref<16x1024xf32, #tpu.memory_space<vmem>>
        tpu.wait_dma2 semaphore(%run_scoped3A : memref<!tpu.dma_semaphore, #tpu.memory_space<semaphore_mem>>) src(%dma_wait3A_94 : memref<16x1024xf32, #tpu.memory_space<vmem>>) dst(%dma_wait3A_91 : memref<16x1024xf32, #tpu.memory_space<hbm>>)
        tpu.yield
      }) : () -> ()
    }
    %scan3A_9 = arith.constant 2 : i32
    return
  }
}

module attributes {stable_mosaic.version = 14 : i64} {
  func.func @_tc_body(%arg0: memref<64x256x128xf32, #tpu.memory_space<vmem>>, %arg1: memref<256x128xf32, #tpu.memory_space<vmem>>, %arg2: memref<128x1024xf32, #tpu.memory_space<vmem>>, %arg3: memref<256x1024xf32, #tpu.memory_space<vmem>>, %arg4: memref<1x1024xf32, #tpu.memory_space<vmem>>, %arg5: memref<128x256xf32, #tpu.memory_space<vmem>>, %arg6: memref<1x256xf32, #tpu.memory_space<vmem>>, %arg7: memref<256x64xf32, #tpu.memory_space<vmem>>, %arg8: memref<1x64xf32, #tpu.memory_space<vmem>>, %arg9: memref<64x256xf32, #tpu.memory_space<vmem>>, %arg10: memref<256x256xf32, #tpu.memory_space<vmem>>, %arg11: memref<1x256xf32, #tpu.memory_space<vmem>>, %arg12: memref<256x512xf32, #tpu.memory_space<vmem>>, %arg13: memref<1x512xf32, #tpu.memory_space<vmem>>, %arg14: memref<512x4096xf32, #tpu.memory_space<vmem>>, %arg15: memref<1x4096xf32, #tpu.memory_space<vmem>>, %arg16: memref<4x256x1024xf32, #tpu.memory_space<vmem>>, %arg17: memref<4x256x1024xf32, #tpu.memory_space<vmem>>, %arg18: memref<256x256xf32, #tpu.memory_space<vmem>>, %arg19: memref<256x256xf32, #tpu.memory_space<vmem>>) attributes {dimension_semantics = [], scalar_prefetch = 0 : i64, scratch_operands = 2 : i64, tpu.core_type = #tpu.core_type<tc>} {
    %broadcast_in_dim3A = arith.constant 0.000000e+00 : f32
    %broadcast_in_dim3A_0 = vector.broadcast %broadcast_in_dim3A : f32 to vector<256x256xf32>
    %swap3A = arith.constant 0 : index
    %swap3A_1 = arith.constant 0 : index
    %swap3A_2 = vector.load %arg18[%swap3A, %swap3A_1] : memref<256x256xf32, #tpu.memory_space<vmem>>, vector<256x256xf32>
    tpu.vector_store %arg18[%swap3A, %swap3A_1], %broadcast_in_dim3A_0 {strides = array<i32>} : memref<256x256xf32, #tpu.memory_space<vmem>>, vector<256x256xf32>,
    %broadcast_in_dim3A_3 = arith.constant 0.000000e+00 : f32
    %broadcast_in_dim3A_4 = vector.broadcast %broadcast_in_dim3A_3 : f32 to vector<256x256xf32>
    %swap3A_5 = arith.constant 0 : index
    %swap3A_6 = arith.constant 0 : index
    %swap3A_7 = vector.load %arg19[%swap3A_5, %swap3A_6] : memref<256x256xf32, #tpu.memory_space<vmem>>, vector<256x256xf32>
    tpu.vector_store %arg19[%swap3A_5, %swap3A_6], %broadcast_in_dim3A_4 {strides = array<i32>} : memref<256x256xf32, #tpu.memory_space<vmem>>, vector<256x256xf32>,
    %scan3A = arith.constant 0 : i32
    %scan3A_8 = arith.constant 64 : i32
    %scan3A_9 = arith.addi %scan3A, %scan3A_8 : i32
    %scan3A_10 = arith.constant 1 : i32
    scf.for %scan3A_130 = %scan3A to %scan3A_9 step %scan3A_10  : i32 {
      %get3A_131 = arith.index_cast %scan3A_130 : i32 to index
      %get3A_132 = arith.constant 0 : index
      %get3A_133 = arith.constant 0 : index
      %get3A_134 = vector.load %arg0[%get3A_131, %get3A_132, %get3A_133] : memref<64x256x128xf32, #tpu.memory_space<vmem>>, vector<1x256x128xf32>
      %get3A_135 = vector.shape_cast %get3A_134 : vector<1x256x128xf32> to vector<256x128xf32>
      %get3A_136 = arith.constant 0 : index
      %get3A_137 = arith.constant 0 : index
      %get3A_138 = vector.load %arg2[%get3A_136, %get3A_137] : memref<128x1024xf32, #tpu.memory_space<vmem>>, vector<128x1024xf32>
      %dot_general3A_139 = arith.constant dense<0.000000e+00> : vector<256x1024xf32>
      %dot_general3A_140 = tpu.matmul %get3A_135, %get3A_138, %dot_general3A_139 {dimension_numbers = #tpu.dot_dimension_numbers<[1], [0], [0], [1], [0, 0, 1, 1], [], []>, transpose_lhs_hint = false} : vector<256x128xf32>, vector<128x1024xf32>, vector<256x1024xf32> -> vector<256x1024xf32>
      %get3A_141 = arith.constant 0 : index
      %get3A_142 = arith.constant 0 : index
      %get3A_143 = vector.load %arg18[%get3A_141, %get3A_142] : memref<256x256xf32, #tpu.memory_space<vmem>>, vector<256x256xf32>
      %get3A_144 = arith.constant 0 : index
      %get3A_145 = arith.constant 0 : index
      %get3A_146 = vector.load %arg3[%get3A_144, %get3A_145] : memref<256x1024xf32, #tpu.memory_space<vmem>>, vector<256x1024xf32>
      %dot_general3A_147 = arith.constant dense<0.000000e+00> : vector<256x1024xf32>
      %dot_general3A_148 = tpu.matmul %get3A_143, %get3A_146, %dot_general3A_147 {dimension_numbers = #tpu.dot_dimension_numbers<[1], [0], [0], [1], [0, 0, 1, 1], [], []>, transpose_lhs_hint = false} : vector<256x256xf32>, vector<256x1024xf32>, vector<256x1024xf32> -> vector<256x1024xf32>
      %add3A_149 = arith.addf %dot_general3A_140, %dot_general3A_148 : vector<256x1024xf32>
      %get3A_150 = arith.constant 0 : index
      %get3A_151 = arith.constant 0 : index
      %get3A_152 = vector.load %arg4[%get3A_150, %get3A_151] : memref<1x1024xf32, #tpu.memory_space<vmem>>, vector<1x1024xf32>
      %add3A_153 = vector.broadcast %get3A_152 : vector<1x1024xf32> to vector<256x1024xf32>
      %add3A_154 = arith.addf %add3A_149, %add3A_153 : vector<256x1024xf32>
      %slice3A_155 = vector.extract_strided_slice %add3A_154 {offsets = [0, 0], sizes = [256, 256], strides = [1, 1]} : vector<256x1024xf32> to vector<256x256xf32>
      %logistic3A = arith.negf %slice3A_155 : vector<256x256xf32>
      %logistic3A_156 = math.exp %logistic3A : vector<256x256xf32>
      %logistic3A_157 = arith.constant 1.000000e+00 : f32
      %logistic3A_158 = vector.broadcast %logistic3A_157 : f32 to vector<256x256xf32>
      %logistic3A_159 = arith.addf %logistic3A_158, %logistic3A_156 : vector<256x256xf32>
      %logistic3A_160 = arith.divf %logistic3A_158, %logistic3A_159 : vector<256x256xf32>
      %slice3A_161 = vector.extract_strided_slice %add3A_154 {offsets = [0, 256], sizes = [256, 256], strides = [1, 1]} : vector<256x1024xf32> to vector<256x256xf32>
      %logistic3A_162 = arith.negf %slice3A_161 : vector<256x256xf32>
      %logistic3A_163 = math.exp %logistic3A_162 : vector<256x256xf32>
      %logistic3A_164 = arith.constant 1.000000e+00 : f32
      %logistic3A_165 = vector.broadcast %logistic3A_164 : f32 to vector<256x256xf32>
      %logistic3A_166 = arith.addf %logistic3A_165, %logistic3A_163 : vector<256x256xf32>
      %logistic3A_167 = arith.divf %logistic3A_165, %logistic3A_166 : vector<256x256xf32>
      %slice3A_168 = vector.extract_strided_slice %add3A_154 {offsets = [0, 512], sizes = [256, 256], strides = [1, 1]} : vector<256x1024xf32> to vector<256x256xf32>
      %tanh3A = math.tanh %slice3A_168 : vector<256x256xf32>
      %slice3A_169 = vector.extract_strided_slice %add3A_154 {offsets = [0, 768], sizes = [256, 256], strides = [1, 1]} : vector<256x1024xf32> to vector<256x256xf32>
      %logistic3A_170 = arith.negf %slice3A_169 : vector<256x256xf32>
      %logistic3A_171 = math.exp %logistic3A_170 : vector<256x256xf32>
      %logistic3A_172 = arith.constant 1.000000e+00 : f32
      %logistic3A_173 = vector.broadcast %logistic3A_172 : f32 to vector<256x256xf32>
      %logistic3A_174 = arith.addf %logistic3A_173, %logistic3A_171 : vector<256x256xf32>
      %logistic3A_175 = arith.divf %logistic3A_173, %logistic3A_174 : vector<256x256xf32>
      %get3A_176 = arith.constant 0 : index
      %get3A_177 = arith.constant 0 : index
      %get3A_178 = vector.load %arg19[%get3A_176, %get3A_177] : memref<256x256xf32, #tpu.memory_space<vmem>>, vector<256x256xf32>
      %mul3A = arith.mulf %logistic3A_167, %get3A_178 : vector<256x256xf32>
      %mul3A_179 = arith.mulf %logistic3A_160, %tanh3A : vector<256x256xf32>
      %add3A_180 = arith.addf %mul3A, %mul3A_179 : vector<256x256xf32>
      %swap3A_181 = arith.constant 0 : index
      %swap3A_182 = arith.constant 0 : index
      %swap3A_183 = vector.load %arg19[%swap3A_181, %swap3A_182] : memref<256x256xf32, #tpu.memory_space<vmem>>, vector<256x256xf32>
      tpu.vector_store %arg19[%swap3A_181, %swap3A_182], %add3A_180 {strides = array<i32>} : memref<256x256xf32, #tpu.memory_space<vmem>>, vector<256x256xf32>,
      %tanh3A_184 = math.tanh %add3A_180 : vector<256x256xf32>
      %mul3A_185 = arith.mulf %logistic3A_175, %tanh3A_184 : vector<256x256xf32>
      %swap3A_186 = arith.constant 0 : index
      %swap3A_187 = arith.constant 0 : index
      %swap3A_188 = vector.load %arg18[%swap3A_186, %swap3A_187] : memref<256x256xf32, #tpu.memory_space<vmem>>, vector<256x256xf32>
      tpu.vector_store %arg18[%swap3A_186, %swap3A_187], %mul3A_185 {strides = array<i32>} : memref<256x256xf32, #tpu.memory_space<vmem>>, vector<256x256xf32>,
    }
    %scan3A_11 = arith.constant 64 : i32
    %get3A = arith.constant 0 : index
    %get3A_12 = arith.constant 0 : index
    %get3A_13 = vector.load %arg18[%get3A, %get3A_12] : memref<256x256xf32, #tpu.memory_space<vmem>>, vector<256x256xf32>
    %get3A_14 = arith.constant 0 : index
    %get3A_15 = arith.constant 0 : index
    %get3A_16 = vector.load %arg1[%get3A_14, %get3A_15] : memref<256x128xf32, #tpu.memory_space<vmem>>, vector<256x128xf32>
    %get3A_17 = arith.constant 0 : index
    %get3A_18 = arith.constant 0 : index
    %get3A_19 = vector.load %arg5[%get3A_17, %get3A_18] : memref<128x256xf32, #tpu.memory_space<vmem>>, vector<128x256xf32>
    %dot_general3A = arith.constant dense<0.000000e+00> : vector<256x256xf32>
    %dot_general3A_20 = tpu.matmul %get3A_16, %get3A_19, %dot_general3A {dimension_numbers = #tpu.dot_dimension_numbers<[1], [0], [0], [1], [0, 0, 1, 1], [], []>, transpose_lhs_hint = false} : vector<256x128xf32>, vector<128x256xf32>, vector<256x256xf32> -> vector<256x256xf32>
    %get3A_21 = arith.constant 0 : index
    %get3A_22 = arith.constant 0 : index
    %get3A_23 = vector.load %arg6[%get3A_21, %get3A_22] : memref<1x256xf32, #tpu.memory_space<vmem>>, vector<1x256xf32>
    %add3A = vector.broadcast %get3A_23 : vector<1x256xf32> to vector<256x256xf32>
    %add3A_24 = arith.addf %dot_general3A_20, %add3A : vector<256x256xf32>
    %max3A = arith.constant 0.000000e+00 : f32
    %max3A_25 = vector.broadcast %max3A : f32 to vector<256x256xf32>
    %max3A_26 = arith.maximumf %add3A_24, %max3A_25 : vector<256x256xf32>
    %get3A_27 = arith.constant 0 : index
    %get3A_28 = arith.constant 0 : index
    %get3A_29 = vector.load %arg7[%get3A_27, %get3A_28] : memref<256x64xf32, #tpu.memory_space<vmem>>, vector<256x64xf32>
    %dot_general3A_30 = arith.constant dense<0.000000e+00> : vector<256x64xf32>
    %dot_general3A_31 = tpu.matmul %max3A_26, %get3A_29, %dot_general3A_30 {dimension_numbers = #tpu.dot_dimension_numbers<[1], [0], [0], [1], [0, 0, 1, 1], [], []>, transpose_lhs_hint = false} : vector<256x256xf32>, vector<256x64xf32>, vector<256x64xf32> -> vector<256x64xf32>
    %get3A_32 = arith.constant 0 : index
    %get3A_33 = arith.constant 0 : index
    %get3A_34 = vector.load %arg8[%get3A_32, %get3A_33] : memref<1x64xf32, #tpu.memory_space<vmem>>, vector<1x64xf32>
    %add3A_35 = vector.broadcast %get3A_34 : vector<1x64xf32> to vector<256x64xf32>
    %add3A_36 = arith.addf %dot_general3A_31, %add3A_35 : vector<256x64xf32>
    %get3A_37 = arith.constant 0 : index
    %get3A_38 = arith.constant 0 : index
    %get3A_39 = vector.load %arg9[%get3A_37, %get3A_38] : memref<64x256xf32, #tpu.memory_space<vmem>>, vector<64x256xf32>
    %dot_general3A_40 = arith.constant dense<0.000000e+00> : vector<256x256xf32>
    %dot_general3A_41 = tpu.matmul %add3A_36, %get3A_39, %dot_general3A_40 {dimension_numbers = #tpu.dot_dimension_numbers<[1], [0], [0], [1], [0, 0, 1, 1], [], []>, transpose_lhs_hint = false} : vector<256x64xf32>, vector<64x256xf32>, vector<256x256xf32> -> vector<256x256xf32>
    %get3A_42 = arith.constant 0 : index
    %get3A_43 = arith.constant 0 : index
    %get3A_44 = vector.load %arg10[%get3A_42, %get3A_43] : memref<256x256xf32, #tpu.memory_space<vmem>>, vector<256x256xf32>
    %dot_general3A_45 = arith.constant dense<0.000000e+00> : vector<256x256xf32>
    %dot_general3A_46 = tpu.matmul %get3A_13, %get3A_44, %dot_general3A_45 {dimension_numbers = #tpu.dot_dimension_numbers<[1], [0], [0], [1], [0, 0, 1, 1], [], []>, transpose_lhs_hint = false} : vector<256x256xf32>, vector<256x256xf32>, vector<256x256xf32> -> vector<256x256xf32>
    %add3A_47 = arith.addf %dot_general3A_41, %dot_general3A_46 : vector<256x256xf32>
    %get3A_48 = arith.constant 0 : index
    %get3A_49 = arith.constant 0 : index
    %get3A_50 = vector.load %arg11[%get3A_48, %get3A_49] : memref<1x256xf32, #tpu.memory_space<vmem>>, vector<1x256xf32>
    %add3A_51 = vector.broadcast %get3A_50 : vector<1x256xf32> to vector<256x256xf32>
    %add3A_52 = arith.addf %add3A_47, %add3A_51 : vector<256x256xf32>
    %max3A_53 = arith.constant 0.000000e+00 : f32
    %max3A_54 = vector.broadcast %max3A_53 : f32 to vector<256x256xf32>
    %max3A_55 = arith.maximumf %add3A_52, %max3A_54 : vector<256x256xf32>
    %get3A_56 = arith.constant 0 : index
    %get3A_57 = arith.constant 0 : index
    %get3A_58 = vector.load %arg12[%get3A_56, %get3A_57] : memref<256x512xf32, #tpu.memory_space<vmem>>, vector<256x512xf32>
    %dot_general3A_59 = arith.constant dense<0.000000e+00> : vector<256x512xf32>
    %dot_general3A_60 = tpu.matmul %max3A_55, %get3A_58, %dot_general3A_59 {dimension_numbers = #tpu.dot_dimension_numbers<[1], [0], [0], [1], [0, 0, 1, 1], [], []>, transpose_lhs_hint = false} : vector<256x256xf32>, vector<256x512xf32>, vector<256x512xf32> -> vector<256x512xf32>
    %get3A_61 = arith.constant 0 : index
    %get3A_62 = arith.constant 0 : index
    %get3A_63 = vector.load %arg13[%get3A_61, %get3A_62] : memref<1x512xf32, #tpu.memory_space<vmem>>, vector<1x512xf32>
    %add3A_64 = vector.broadcast %get3A_63 : vector<1x512xf32> to vector<256x512xf32>
    %add3A_65 = arith.addf %dot_general3A_60, %add3A_64 : vector<256x512xf32>
    %max3A_66 = arith.constant 0.000000e+00 : f32
    %max3A_67 = vector.broadcast %max3A_66 : f32 to vector<256x512xf32>
    %max3A_68 = arith.maximumf %add3A_65, %max3A_67 : vector<256x512xf32>
    %get3A_69 = arith.constant 0 : index
    %get3A_70 = arith.constant 0 : index
    %get3A_71 = vector.load %arg14[%get3A_69, %get3A_70] : memref<512x4096xf32, #tpu.memory_space<vmem>>, vector<512x4096xf32>
    %dot_general3A_72 = arith.constant dense<0.000000e+00> : vector<256x4096xf32>
    %dot_general3A_73 = tpu.matmul %max3A_68, %get3A_71, %dot_general3A_72 {dimension_numbers = #tpu.dot_dimension_numbers<[1], [0], [0], [1], [0, 0, 1, 1], [], []>, transpose_lhs_hint = false} : vector<256x512xf32>, vector<512x4096xf32>, vector<256x4096xf32> -> vector<256x4096xf32>
    %get3A_74 = arith.constant 0 : index
    %get3A_75 = arith.constant 0 : index
    %get3A_76 = vector.load %arg15[%get3A_74, %get3A_75] : memref<1x4096xf32, #tpu.memory_space<vmem>>, vector<1x4096xf32>
    %add3A_77 = vector.broadcast %get3A_76 : vector<1x4096xf32> to vector<256x4096xf32>
    %add3A_78 = arith.addf %dot_general3A_73, %add3A_77 : vector<256x4096xf32>
    %slice3A = vector.extract_strided_slice %add3A_78 {offsets = [0, 0], sizes = [256, 1024], strides = [1, 1]} : vector<256x4096xf32> to vector<256x1024xf32>
    %get3A_79 = arith.constant 0 : index
    %get3A_80 = arith.constant 0 : index
    %get3A_81 = arith.constant 0 : index
    %get3A_82 = vector.load %arg16[%get3A_79, %get3A_80, %get3A_81] : memref<4x256x1024xf32, #tpu.memory_space<vmem>>, vector<1x256x1024xf32>
    %get3A_83 = vector.shape_cast %get3A_82 : vector<1x256x1024xf32> to vector<256x1024xf32>
    %add3A_84 = arith.addf %slice3A, %get3A_83 : vector<256x1024xf32>
    %swap3A_85 = arith.constant 0 : index
    %swap3A_86 = arith.constant 0 : index
    %swap3A_87 = arith.constant 0 : index
    %swap3A_88 = vector.load %arg17[%swap3A_85, %swap3A_86, %swap3A_87] : memref<4x256x1024xf32, #tpu.memory_space<vmem>>, vector<1x256x1024xf32>
    %swap3A_89 = vector.shape_cast %swap3A_88 : vector<1x256x1024xf32> to vector<256x1024xf32>
    %swap3A_90 = vector.shape_cast %add3A_84 : vector<256x1024xf32> to vector<1x256x1024xf32>
    tpu.vector_store %arg17[%swap3A_85, %swap3A_86, %swap3A_87], %swap3A_90 {strides = array<i32>} : memref<4x256x1024xf32, #tpu.memory_space<vmem>>, vector<1x256x1024xf32>,
    %slice3A_91 = vector.extract_strided_slice %add3A_78 {offsets = [0, 1024], sizes = [256, 1024], strides = [1, 1]} : vector<256x4096xf32> to vector<256x1024xf32>
    %get3A_92 = arith.constant 1 : index
    %get3A_93 = arith.constant 0 : index
    %get3A_94 = arith.constant 0 : index
    %get3A_95 = vector.load %arg16[%get3A_92, %get3A_93, %get3A_94] : memref<4x256x1024xf32, #tpu.memory_space<vmem>>, vector<1x256x1024xf32>
    %get3A_96 = vector.shape_cast %get3A_95 : vector<1x256x1024xf32> to vector<256x1024xf32>
    %add3A_97 = arith.addf %slice3A_91, %get3A_96 : vector<256x1024xf32>
    %swap3A_98 = arith.constant 1 : index
    %swap3A_99 = arith.constant 0 : index
    %swap3A_100 = arith.constant 0 : index
    %swap3A_101 = vector.load %arg17[%swap3A_98, %swap3A_99, %swap3A_100] : memref<4x256x1024xf32, #tpu.memory_space<vmem>>, vector<1x256x1024xf32>
    %swap3A_102 = vector.shape_cast %swap3A_101 : vector<1x256x1024xf32> to vector<256x1024xf32>
    %swap3A_103 = vector.shape_cast %add3A_97 : vector<256x1024xf32> to vector<1x256x1024xf32>
    tpu.vector_store %arg17[%swap3A_98, %swap3A_99, %swap3A_100], %swap3A_103 {strides = array<i32>} : memref<4x256x1024xf32, #tpu.memory_space<vmem>>, vector<1x256x1024xf32>,
    %slice3A_104 = vector.extract_strided_slice %add3A_78 {offsets = [0, 2048], sizes = [256, 1024], strides = [1, 1]} : vector<256x4096xf32> to vector<256x1024xf32>
    %get3A_105 = arith.constant 2 : index
    %get3A_106 = arith.constant 0 : index
    %get3A_107 = arith.constant 0 : index
    %get3A_108 = vector.load %arg16[%get3A_105, %get3A_106, %get3A_107] : memref<4x256x1024xf32, #tpu.memory_space<vmem>>, vector<1x256x1024xf32>
    %get3A_109 = vector.shape_cast %get3A_108 : vector<1x256x1024xf32> to vector<256x1024xf32>
    %add3A_110 = arith.addf %slice3A_104, %get3A_109 : vector<256x1024xf32>
    %swap3A_111 = arith.constant 2 : index
    %swap3A_112 = arith.constant 0 : index
    %swap3A_113 = arith.constant 0 : index
    %swap3A_114 = vector.load %arg17[%swap3A_111, %swap3A_112, %swap3A_113] : memref<4x256x1024xf32, #tpu.memory_space<vmem>>, vector<1x256x1024xf32>
    %swap3A_115 = vector.shape_cast %swap3A_114 : vector<1x256x1024xf32> to vector<256x1024xf32>
    %swap3A_116 = vector.shape_cast %add3A_110 : vector<256x1024xf32> to vector<1x256x1024xf32>
    tpu.vector_store %arg17[%swap3A_111, %swap3A_112, %swap3A_113], %swap3A_116 {strides = array<i32>} : memref<4x256x1024xf32, #tpu.memory_space<vmem>>, vector<1x256x1024xf32>,
    %slice3A_117 = vector.extract_strided_slice %add3A_78 {offsets = [0, 3072], sizes = [256, 1024], strides = [1, 1]} : vector<256x4096xf32> to vector<256x1024xf32>
    %get3A_118 = arith.constant 3 : index
    %get3A_119 = arith.constant 0 : index
    %get3A_120 = arith.constant 0 : index
    %get3A_121 = vector.load %arg16[%get3A_118, %get3A_119, %get3A_120] : memref<4x256x1024xf32, #tpu.memory_space<vmem>>, vector<1x256x1024xf32>
    %get3A_122 = vector.shape_cast %get3A_121 : vector<1x256x1024xf32> to vector<256x1024xf32>
    %add3A_123 = arith.addf %slice3A_117, %get3A_122 : vector<256x1024xf32>
    %swap3A_124 = arith.constant 3 : index
    %swap3A_125 = arith.constant 0 : index
    %swap3A_126 = arith.constant 0 : index
    %swap3A_127 = vector.load %arg17[%swap3A_124, %swap3A_125, %swap3A_126] : memref<4x256x1024xf32, #tpu.memory_space<vmem>>, vector<1x256x1024xf32>
    %swap3A_128 = vector.shape_cast %swap3A_127 : vector<1x256x1024xf32> to vector<256x1024xf32>
    %swap3A_129 = vector.shape_cast %add3A_123 : vector<256x1024xf32> to vector<1x256x1024xf32>
    tpu.vector_store %arg17[%swap3A_124, %swap3A_125, %swap3A_126], %swap3A_129 {strides = array<i32>} : memref<4x256x1024xf32, #tpu.memory_space<vmem>>, vector<1x256x1024xf32>,
    return
  }
}

</mosaic_0001>

<sc_bundles>
// kernel: kernel.4.cloned.1.call-start
scs
__scs_entry_jumppad:
0x0: {  	(pc) =	sbr.rel $0x88, $3  }
0x1: {  	(tag) =	ssettag $0x0;
	lr =	simm.s32 $0x1  }
0x2: {  	[smem:$0x3F91] =	sst lr;
	_ =	strace $0xD0000000  }
0x3: {  	_ = 	snop  }
0x4: {  	_ = 	snop  }
0x5: {  	_ = 	snop  }
0x6: {  	_ = 	snop  }
0x7: {  	_ = 	snop  }
__scs_overlays_trampoline_lowered:
0x8: {  	[smem:$0x3FA0] =	sst s0  }
0x9: {  	[smem:$0x3FA1] =	sst s1  }
0xa: {  	[smem:$0x3FA2] =	sst s2  }
0xb: {  	[smem:$0x3FA3] =	sst s3  }
0xc: {  	[smem:$0x3FA4] =	sst s4  }
0xd: {  	[smem:$0x3FA5] =	sst s5  }
0xe: {  	[smem:$0x3FA6] =	sst s6  }
0xf: {  	[smem:$0x3FA7] =	sst s7  }
0x10: {  	[smem:$0x3FA8] =	sst s8  }
0x11: {  	[smem:$0x3FA9] =	sst s9;
	s0 =	simm.s32 @!p0 $0x0  }
0x12: {  	s1 =	sld [smem:$0x3F8F];
	s0 =	simm.s32 @p0 $0x1  }
0x13: {  	[smem:$0x3FAA] =	sst s0;
	s0 =	simm.s32 @!p1 $0x0  }
0x14: {  	s2 =	sld [smem:$0x3F8E];
	s0 =	simm.s32 @p1 $0x1  }
0x15: {  	[smem:$0x3FAB] =	sst s0;
	s0 =	simm.s32 @!p2 $0x0  }
0x16: {  	s3 =	sld [smem:$0x3FDB];
	s0 =	simm.s32 @p2 $0x1  }
0x17: {  	s4 =	simm.s32 $0x1BF5;
	[smem:$0x3FAD] =	sst s0  }
0x18: {  	s0 =	sld [smem:$0x3F90];
	_ =	swait.ge [sflag:s4], $0x0  }
0x19: {  	s7 =	sld [smem:$0x3F91]  }
0x1a: {  	s8 =	sadd.s32 $0xFFFFE003, lr  }
0x1b: {  	s9 =	sadd.s32 $0xFFFFFEF7, lr;
	s5 =	simm.s32 $0xFFFFFFFF;
	p2 =	slt.u32 s8, $0xFFFFF086  }
0x1c: {  	p1 =	slt.u32 s9, $0xF7A;
	s5 =	simm.s32 @!p2 $0x0  }
0x1d: {  	s5 =	simm.s32 @p1 $0x1;
	p0 =	seq.s32 s7, s2  }
0x1e: {  	s7 =	smul.u32 @!p0 $0xF7A, s2;
	p2 =	seq.s32 @!p0 s5, $0x0  }
0x1f: {  	s9 =	smul.u32 $0xF7A, s1;
	s8 =	simm.s32 @!p0 $0x1BF5;
	p2 =	por !p2, p0  }
0x20: {  	[sflag:s8] =	ssyncset.s32 @!p0 $0xFFFFF086;
	s6 =	sadd.s32 @!p0 s3, s7;
	s7 =	simm.s32 @!p0 $0x108  }
0x21: {  	s3 =	sadd.s32 s3, s9;
	s6 =	sadd.s32 @!p0 $0x88, s6;
	s7 =	simm.s32 @p2 $0x1082  }
0x22: {  	[simem:s7], [sflag:s8] =	dma.local @!p0 [hbm:s6], $0xF7A  }
0x23: {  	s9 =	sor.u32 $0xD0000000, s2;
	s6 =	simm.s32 $0x108;
	_ =	swait.ge @!p0 [sflag:s8], $0x0  }
0x24: {  	s3 =	sadd.s32 $0x88, s3;
	s6 =	simm.s32 @!p1 $0x1082;
	[sflag:s4] =	ssyncset.s32 $0xFFFFF086  }
0x25: {  	[simem:s6], [sflag:s4] =	dma.local [hbm:s3], $0xF7A  }
0x26: {  	[smem:$0x3F91] =	sst s1;
	(tag) =	ssettag s2;
	_ =	strace s9  }
0x27: {  	s1 =	sld [smem:$0x3FA1]  }
0x28: {  	s2 =	sld [smem:$0x3FA2]  }
0x29: {  	s4 =	sld [smem:$0x3FA4]  }
0x2a: {  	p0 =	seq.s32 s5, $0x0;
	s5 =	sld [smem:$0x3FA5]  }
0x2b: {  	s6 =	sld [smem:$0x3FA6]  }
0x2c: {  	s7 =	sld [smem:$0x3FA7]  }
0x2d: {  	s3 =	simm.s32 $0x108;
	s8 =	sld [smem:$0x3FA8]  }
0x2e: {  	s3 =	simm.s32 @!p0 $0x1082;
	s9 =	sld [smem:$0x3FA9]  }
0x2f: {  	lr =	sadd.s32 s0, s3;
	s0 =	sld [smem:$0x3FA0]  }
0x30: {  	s3 =	sld [smem:$0x3FA3]  }
0x31: {  	[smem:$0x3FAC] =	sst s10  }
0x32: {  	s10 =	sld [smem:$0x3FAA];
	_ =	sdelay $0x3  }
0x33: {  	p0 =	seq.s32 s10, $0x1;
	s10 =	sld [smem:$0x3FAC];
	_ =	sdelay $0x3  }
0x34: {  	[smem:$0x3FAC] =	sst s10  }
0x35: {  	s10 =	sld [smem:$0x3FAB];
	_ =	sdelay $0x3  }
0x36: {  	p1 =	seq.s32 s10, $0x1;
	s10 =	sld [smem:$0x3FAC];
	_ =	sdelay $0x3  }
0x37: {  	[smem:$0x3FAC] =	sst s10  }
0x38: {  	s10 =	sld [smem:$0x3FAD]  }
0x39: {  	_ = 	snop;
	(pc) =	sbr.ind lr, $3  }
0x3a: {  	_ = 	snop  }
0x3b: {  	_ = 	snop  }
0x3c: {  	p2 =	seq.s32 s10, $0x1;
	s10 =	sld [smem:$0x3FAC]  }
0x3d: {  	_ =	shalt  }
0x3e: {  	_ =	shalt  }
0x3f: {  	_ =	shalt  }
0x40: {  	_ =	shalt  }
0x41: {  	_ =	shalt  }
0x42: {  	_ =	shalt  }
0x43: {  	_ =	shalt  }
0x44: {  	_ =	shalt  }
0x45: {  	_ =	shalt  }
0x46: {  	_ =	shalt  }
0x47: {  	_ =	shalt  }
0x48: {  	_ =	shalt  }
0x49: {  	_ =	shalt  }
0x4a: {  	_ =	shalt  }
0x4b: {  	_ =	shalt  }
0x4c: {  	_ =	shalt  }
0x4d: {  	_ =	shalt  }
0x4e: {  	_ =	shalt  }
0x4f: {  	_ =	shalt  }
0x50: {  	_ =	shalt  }
0x51: {  	_ =	shalt  }
0x52: {  	_ =	shalt  }
0x53: {  	_ =	shalt  }
0x54: {  	_ =	shalt  }
0x55: {  	_ =	shalt  }
0x56: {  	_ =	shalt  }
0x57: {  	_ =	shalt  }
0x58: {  	_ =	shalt  }
0x59: {  	_ =	shalt  }
0x5a: {  	_ =	shalt  }
0x5b: {  	_ =	shalt  }
0x5c: {  	_ =	shalt  }
0x5d: {  	_ =	shalt  }
0x5e: {  	_ =	shalt  }
0x5f: {  	_ =	shalt  }
0x60: {  	_ =	shalt  }
0x61: {  	_ =	shalt  }
0x62: {  	_ =	shalt  }
0x63: {  	_ =	shalt  }
0x64: {  	_ =	shalt  }
0x65: {  	_ =	shalt  }
0x66: {  	_ =	shalt  }
0x67: {  	_ =	shalt  }
0x68: {  	_ =	shalt  }
0x69: {  	_ =	shalt  }
0x6a: {  	_ =	shalt  }
0x6b: {  	_ =	shalt  }
0x6c: {  	_ =	shalt  }
0x6d: {  	_ =	shalt  }
0x6e: {  	_ =	shalt  }
0x6f: {  	_ =	shalt  }
0x70: {  	_ =	shalt  }
0x71: {  	_ =	shalt  }
0x72: {  	_ =	shalt  }
0x73: {  	_ =	shalt  }
0x74: {  	_ =	shalt  }
0x75: {  	_ =	shalt  }
0x76: {  	_ =	shalt  }
0x77: {  	_ =	shalt  }
0x78: {  	_ =	shalt  }
0x79: {  	_ =	shalt  }
0x7a: {  	_ =	shalt  }
0x7b: {  	_ =	shalt  }
0x7c: {  	_ =	shalt  }
0x7d: {  	_ =	shalt  }
0x7e: {  	_ =	shalt  }
0x7f: {  	_ =	shalt  }
0x80: {  	_ =	shalt  }
0x81: {  	_ =	shalt  }
0x82: {  	_ =	shalt  }
0x83: {  	_ =	shalt  }
0x84: {  	_ =	shalt  }
0x85: {  	_ =	shalt  }
0x86: {  	_ =	shalt  }
0x87: {  	_ =	shalt  }
.Lfunc_end0:
.L_simem_size_0:
called_computation_lowered:
.L_overlay_start_0:
0x88: {  	s2 =	sld [smem:$0x3FD9]  }
0x89: {  	s3 =	sld [smem:$0x3FFE];
	_ =	sdelay $0x1  }
0x8a: {  	s1 =	srdreg.scid  }
0x8b: {  	s0 =	sand.u32 $0x1, s1  }
0x8c: {  	s17 =	sshll.u32 s0, $0xA;
	s2 =	sadd.s32 s3, s2  }
0x8d: {  	s2 =	sadd.s32 s2, s17  }
0x8e: {  	[smem:$0x3FB8] =	sst s2  }
0x8f: {  	_ = 	snop  }
0x90: {  	s2 =	sld [smem:$0x3FD0];
	(tm) =	ssettm $0x1  }
0x91: {  	s18 =	sld [smem:$0x3FFB];
	_ =	sdelay $0x3  }
0x92: {  	_ =	strace s18  }
0x93: {  	s3 =	sld [smem:$0x3FFC];
	_ =	sdelay $0x3  }
0x94: {  	_ =	strace s3  }
0x95: {  	s3 =	sld [smem:$0x3FFD];
	_ =	sdelay $0x3  }
0x96: {  	_ =	strace s3  }
0x97: {  	_ =	strace $0x8FFFFFFF  }
0x98: {  	s19 =	sld [smem:$0x3FDB];
	_ =	sdelay $0x1  }
0x99: {  	s4 =	simm.s32 $_scs_section_size  }
0x9a: {  	s5 =	simm.s32 $_size__tile_overlayer_lowered;
	s6 =	simm.s32 $_tile_overlayer_lowered  }
0x9b: {  	s22 =	simm.s32 $0x1BFF;
	s21 =	sshll.u32 s6, $0x1;
	s3 =	sadd.s32 s4, s19  }
0x9c: {  	s7 =	simm.s32 $0x0;
	s20 =	sshll.u32 s5, $0x1;
	s5 =	sadd.s32 s21, s3  }
0x9d: {  	[timem:s7], [sflag:s22] =	dma.local [hbm:s5], s20  }
0x9e: {  	_ =	swait.ge [sflag:s22], s20  }
0x9f: {  	s4 =	ssub.s32 $0x0, s20;
	[sflag:s22] =	ssyncset.done $0x0  }
0xa0: {  	[sflag:s22] =	ssyncadd.s32 s4;
	_ =	sdelay $0x1  }
0xa1: {  	s23 =	simm.s32 $0x1B8B  }
0xa2: {  	_ =	swait.ge [sflag:s23], $0x1  }
0xa3: {  	[sflag:s23] =	ssyncset.done $0x0  }
0xa4: {  	s25 =	simm.s32 $0x1B8E;
	s24 =	sld [smem:$0x3FFE];
	[sflag:s23] =	ssyncadd.s32 $0xFFFFFFFF  }
0xa5: {  	s26 =	simm.s32 $execute0_lowered;
	[smem:$0x3FD2] =	sst s25  }
0xa6: {  	s5 =	sshll.u32 s26, $0x1;
	_ =	strace $0x80000046;
	[dreg:$0x1] =	wrdreg $0xFFFFFFFF  }
0xa7: {  	s28 =	simm.s32 $_size_execute0_lowered;
	s3 =	sadd.s32 s3, s5;
	[dreg:$0x0] =	wrdreg $0x0  }
0xa8: {  	s5 =	sshll.u32 s28, $0x1;
	[dreg:$0x2] =	wrdreg s3  }
0xa9: {  	[dreg:$0x3] =	wrdreg s5  }
0xaa: {  	[dreg:$0x4] =	wrdreg $0xC0  }
0xab: {  	_ =	task [dreg:s7], $0x5FFFF  }
0xac: {  	[dreg:$0x1] =	wrdreg $0xFFFFFFFF  }
0xad: {  	[dreg:$0x0] =	wrdreg $0x60  }
0xae: {  	[dreg:$0x2] =	wrdreg s24  }
0xaf: {  	[dreg:$0x3] =	wrdreg s2  }
0xb0: {  	[dreg:$0x4] =	wrdreg $0x9  }
0xb1: {  	_ =	task.clear_ibuf [dreg:s7], $0x5FFFF;
	_ =	strace $0x90000046  }
0xb2: {  	s29 =	simm.s32 $0x9;
	_ =	strace $0x80000048  }
0xb3: {  	_ =	swait.ge [sflag:s29], $0x1  }
0xb4: {  	[sflag:s29] =	ssyncadd.s32 $0xFFFFFFFF  }
0xb5: {  	_ =	strace $0x90000048  }
0xb6: {  	_ =	sfence  }
0xb7: {  	s30 =	sld [smem:$0x0];
	_ =	sdelay $0x2  }
0xb8: {  	s31 =	sshll.u32 s1, $0xD;
	s1 =	sshrl.u32 s1, $0x2  }
0xb9: {  	s3 =	sand.u32 $0x4000, s31;
	s1 =	sadd.s32 s1, s30  }
0xba: {  	s0 =	sor.u32 s3, s0;
	s1 =	sshll.u32 s1, $0x11  }
0xbb: {  	s0 =	sor.u32 s1, s0  }
0xbc: {  	s0 =	sadd.s32 $0x8F2B, s0  }
0xbd: {  	[sflag:s0] =	ssyncadd.remote.s32 $0x1  }
0xbe: {  	_ =	sfence.sel $0xFFFF  }
0xbf: {  	[dreg:$0x0] =	wrdreg $0xFFFFFFFF;
	(pc) =	sbr.abs _section_cstart, $3  }
0xc0: {  	[dreg:$0x1] =	wrdreg $0xFFFFFFFF  }
0xc1: {  	_ =	task.clear_ibuf [dreg:s7], $0x2FFFF;
	_ =	strace $0x9FFFFFFF  }
0xc2: {  	(tm) =	ssettm $0x7FFFFFFF  }
0xc3: {  	_ =	shalt  }
tec
execute0_lowered:
.L_overlay_start_1:
0x0: {  	(tag) =	ssettag $0x1  }
0x1: {  	v0 =	vimm.s32 $0x2780;
	vm0 =	vcmask $0x300  }
0x2: {  	vm14 =	vcmask $0x704;
	v0 =	vsel vm0, $0x0, v0  }
0x3: {  	vm15 =	vcmask $0xB08;
	v0 =	vsel vm14, $0x80, v0  }
0x4: {  	vm4 =	vcmask $0xF0C;
	v0 =	vsel vm15, $0x100, v0  }
0x5: {  	vm5 =	vcmask $0x1310;
	v0 =	vsel vm4, $0x180, v0  }
0x6: {  	vm12 =	vcmask $0x1714;
	vm13 =	vcmask $0x1B18;
	v0 =	vsel vm5, $0x200, v0  }
0x7: {  	v2 =	vlaneseq.u32;
	v3 =	vimm.s32 $0x1;
	v0 =	vsel vm12, $0x280, v0  }
0x8: {  	s4 =	rddreg [dreg:$0x0];
	vm8 =	vmxor vm8, vm8;
	vm14 =	vcmask $0x1F1C;
	v0 =	vsel vm13, $0x300, v0  }
0x9: {  	s1 =	rddreg [dreg:$0x1];
	s3 =	srdreg.scid;
	v11 =	vimm.f32 $0.0e+00;
	vm15 =	vcmask $0x2320;
	v0 =	vsel vm14, $0x380, v0  }
0xa: {  	s0 =	rddreg [dreg:$0x2];
	s2 =	simm.s32 $0x0;
	s8 =	simm.s32 $0x1;
	v4 =	vor.u32 $0x1000, v2;
	vm4 =	vcmask $0x2724;
	v0 =	vsel vm15, $0x2400, v0  }
0xb: {  	s9 =	simm.s32 $0x8800;
	s10 =	simm.s32 $0x10800;
	s11 =	simm.s32 $0x12C00;
	v5 =	vor.u32 $0x2000, v2;
	vm5 =	vcmask $0x2B28;
	v0 =	vsel vm4, $0x2480, v0  }
.Ltmp0:
0xc: {  	s12 =	simm.s32 $0x0;
	s5 =	sand.u32 $0x1, s3;
	v6 =	vor.u32 $0x3000, v2;
	vm12 =	vcmask $0x2F2C;
	v0 =	vsel vm5, $0x2500, v0;
	(pc) =	sbr.rel .LBB2_1-.Ltmp0, $4  }
0xd: {  	[smem:$0x7FF] =	sst s2;
	s3 =	stileid.u32;
	v7 =	vor.u32 $0x4000, v2;
	s6 =	ssub.s32 $0x2, s5;
	vm13 =	vcmask $0x3330;
	v0 =	vsel vm12, $0x2580, v0  }
0xe: {  	s4 =	sadd.s32 $0x2A00, s4;
	v8 =	vor.u32 $0x5000, v2;
	_ =	strace $0x80000047;
	s7 =	sshrl.u32 s6, $0x1;
	vm14 =	vcmask $0x3734;
	v1 =	vsel vm13, $0x2600, v0  }
0xf: {  	v9 =	vor.u32 $0x6000, v2;
	s31 =	sshll.u32 s3, $0xC;
	s5 =	sshll.u32 s5, $0xB;
	s6 =	ssub.s32 s6, s7;
	vm15 =	vcmask $0x3B38;
	v1 =	vsel vm14, $0x2680, v1  }
0x10: {  	v10 =	vor.u32 $0x7000, v2;
	s5 =	sor.u32 s5, s31;
	s7 =	simm.s32 $0x2400;
	s6 =	smax.u32 s6, $0x1;
	v0 =	vimm.s32 $0x0;
	v1 =	vsel vm15, $0x2700, v1  }
.LBB2_27:
0x11: {  	s12 =	sadd.s32 $0x1, s12  }
0x12: {  	p0 =	sne.s32 s12, s6  }
.Ltmp1:
0x13: {  	_ = 	snop;
	(pc) =	sbr.rel @!p0 .LBB2_28-.Ltmp1, $1  }
0x14: {  	_ =	sdelay $0x3  }
.LBB2_1:
0x15: {  	p1 =	por $0x1, $0x1;
	s13 =	simm.s32 $0x0  }
.LBB2_2:
0x16: {  	s13 =	sor.u32 s5, s13  }
0x17: {  	s14 =	sadd.s32 s4, s13  }
0x18: {  	[tilespmem:s2], [sflag:$0x1] =	stream.linear.gather [hbm4b:s14+s2], $0x2000, $0x38;
	[tilespmem:$0x15000] =	vst v63  }
0x19: {  	s14 =	sadd.s32 $0x400, s14  }
0x1a: {  	[tilespmem:s7], [sflag:$0x1] =	stream.linear.gather [hbm4b:s14+s2], $0x2000, $0x38;
	[tilespmem:$0x15000] =	vst v63  }
0x1b: {  	_ =	swait.ge [sflag:s8], $0x4000  }
0x1c: {  	[sflag:s8] =	ssyncset.done $0x0  }
0x1d: {  	s15 =	simm.s32 $0x8840;
	[sflag:s8] =	ssyncadd.s32 $0xFFFFC000  }
0x1e: {  	[tilespmem:s15+$0xFFFFFFC0] =	vst v0  }
0x1f: {  	[tilespmem:s15+$0x30] =	vst v0  }
0x20: {  	[tilespmem:s15+$0x20] =	vst v0  }
0x21: {  	[tilespmem:s15+$0x10] =	vst v0  }
0x22: {  	[tilespmem:s15+$0x0] =	vst v0  }
0x23: {  	[tilespmem:s15+$0xFFFFFFF0] =	vst v0  }
0x24: {  	p0 =	por p1, p1;
	s16 =	simm.s32 $0x0;
	s14 =	simm.s32 $0x4840;
	[tilespmem:s15+$0xFFFFFFE0] =	vst v0  }
.LBB2_3:
0x25: {  	s16 =	sadd.s32 $0x8, s16;
	[tilespmem:s15+$0xFFFFFFD0] =	vst v0;
	s15 =	sadd.s32 $0x80, s15  }
0x26: {  	[tilespmem:s15+$0xFFFFFFC0] =	vst v0;
	p1 =	slt.u32 s16, $0x7F8  }
0x27: {  	[tilespmem:s15+$0x30] =	vst v0  }
.Ltmp2:
0x28: {  	[tilespmem:s15+$0x20] =	vst v0;
	(pc) =	sbr.rel @p1 .LBB2_3-.Ltmp2, $4  }
0x29: {  	[tilespmem:s15+$0x10] =	vst v0  }
0x2a: {  	[tilespmem:s15+$0x0] =	vst v0  }
0x2b: {  	[tilespmem:s15+$0xFFFFFFF0] =	vst v0  }
0x2c: {  	[tilespmem:s15+$0xFFFFFFE0] =	vst v0  }
0x2d: {  	s16 =	simm.s32 $0x1;
	s17 =	simm.s32 $0x2  }
0x2e: {  	s19 =	simm.s32 $0x4;
	s18 =	simm.s32 $0x5;
	s20 =	simm.s32 $0x6;
	v12 =	vmov s16;
	v13 =	vmov s17  }
0x2f: {  	s21 =	simm.s32 $0x7;
	s28 =	simm.s32 $0xD;
	s29 =	simm.s32 $0xE;
	v15 =	vmov s19;
	v16 =	vmov s18;
	v18 =	vmov s20  }
0x30: {  	s17 =	simm.s32 $0x3;
	v19 =	vmov s21;
	v26 =	vmov s28;
	v29 =	vmov s29  }
0x31: {  	v14 =	vmov s17;
	v17 =	vand.u32 $0x79, v12;
	v20 =	vand.u32 $0x7A, v13  }
0x32: {  	v22 =	vand.u32 $0x7C, v15;
	v23 =	vand.u32 $0x7D, v16;
	v24 =	vand.u32 $0x7E, v18  }
0x33: {  	v25 =	vand.u32 $0x7F, v19;
	v12 =	vshll.u32 v12, $0x3;
	v13 =	vshll.u32 v13, $0x3  }
0x34: {  	v15 =	vshll.u32 v15, $0x3;
	v16 =	vshll.u32 v16, $0x3;
	v18 =	vshll.u32 v18, $0x3  }
0x35: {  	v19 =	vshll.u32 v19, $0x3;
	v21 =	vand.u32 $0x7B, v14;
	v14 =	vshll.u32 v14, $0x3  }
0x36: {  	v12 =	vand.u32 $0x1C00, v12;
	v13 =	vand.u32 $0x1C00, v13;
	v15 =	vand.u32 $0x1C00, v15  }
0x37: {  	s22 =	simm.s32 $0x0;
	v14 =	vand.u32 $0x1C00, v14;
	v12 =	vor.u32 v17, v12;
	v13 =	vor.u32 v20, v13  }
0x38: {  	v17 =	vmov s22;
	v15 =	vor.u32 v22, v15;
	v12 =	vadd.s32 v1, v12  }
0x39: {  	v14 =	vor.u32 v21, v14;
	v20 =	vshll.u32 v17, $0x3;
	v13 =	vadd.s32 v1, v13  }
0x3a: {  	v17 =	vand.u32 $0x78, v17;
	v15 =	vadd.s32 v1, v15;
	v20 =	vand.u32 $0x1C00, v20  }
0x3b: {  	v16 =	vand.u32 $0x1C00, v16;
	v14 =	vadd.s32 v1, v14;
	v17 =	vor.u32 v17, v20  }
0x3c: {  	[tilespmem:s15+$0xFFFFFFD0] =	vst v0;
	v18 =	vand.u32 $0x1C00, v18;
	v16 =	vor.u32 v23, v16;
	v17 =	vadd.s32 v1, v17  }
0x3d: {  	s30 =	simm.s32 $0xF;
	v19 =	vand.u32 $0x1C00, v19;
	v18 =	vor.u32 v24, v18;
	v20 =	vld.idx.msk [tilespmem:v12+s2+$0x0], $0xffff;
	v12 =	vadd.s32 v1, v16  }
0x3e: {  	s23 =	simm.s32 $0x9;
	s24 =	simm.s32 $0xA;
	s25 =	simm.s32 $0xB;
	v30 =	vmov s30;
	v16 =	vadd.s32 v1, v18;
	v18 =	vor.u32 v25, v19;
	v19 =	vld.idx.msk [tilespmem:v13+s2+$0x0], $0xffff  }
0x3f: {  	v22 =	vmov s24;
	v24 =	vmov s25;
	v21 =	vmov s23;
	v27 =	vld.idx.msk [tilespmem:v15+s2+$0x0], $0xffff  }
0x40: {  	s26 =	simm.s32 $0xC;
	v32 =	vand.u32 $0x7A, v22;
	v33 =	vand.u32 $0x7B, v24;
	v18 =	vadd.s32 v1, v18;
	v23 =	vld.idx.msk [tilespmem:v14+s2+$0x0], $0xffff  }
0x41: {  	v28 =	vand.u32 $0x79, v21;
	v25 =	vmov s26;
	v13 =	vand.u32 $0x7E, v29;
	v31 =	vld.idx.msk [tilespmem:v17+s2+$0x0], $0xffff  }
0x42: {  	v15 =	vand.u32 $0x7C, v25;
	v14 =	vand.u32 $0x7D, v26;
	v25 =	vshll.u32 v25, $0x3;
	v34 =	vld.idx.msk [tilespmem:v12+s2+$0x0], $0xffff  }
0x43: {  	v17 =	vshll.u32 v29, $0x3;
	v12 =	vand.u32 $0x7F, v30;
	v35 =	vld.idx.msk [tilespmem:v16+s2+$0x0], $0xffff;
	v16 =	vshll.u32 v21, $0x3  }
0x44: {  	v21 =	vshll.u32 v22, $0x3;
	v22 =	vshll.u32 v24, $0x3;
	v36 =	vxor.u32 $0x80000000, v19  }
0x45: {  	v19 =	vshra.s32 v19, $0x1F;
	v24 =	vld.idx.msk [tilespmem:v18+s2+$0x0], $0xffff;
	v18 =	vshll.u32 v26, $0x3;
	v26 =	vand.u32 $0x1C00, v16  }
0x46: {  	v29 =	vand.u32 $0x1C00, v21;
	v16 =	vshll.u32 v30, $0x3;
	v21 =	vshra.s32 v31, $0x1F  }
0x47: {  	v30 =	vand.u32 $0x1C00, v22;
	v22 =	vxor.u32 $0x80000000, v20;
	v21 =	vand.u32 $0x7FFFFFFF, v21  }
0x48: {  	v37 =	vxor.u32 $0x80000000, v23;
	v20 =	vshra.s32 v20, $0x1F;
	v21 =	vxor.u32 v31, v21  }
0x49: {  	v19 =	vand.u32 $0x7FFFFFFF, v19;
	v23 =	vshra.s32 v23, $0x1F;
	v39 =	vxor.u32 $0x80000000, v21  }
0x4a: {  	v20 =	vand.u32 $0x7FFFFFFF, v20;
	v21 =	vshrl.u32 v21, $0x14;
	v42 =	vshrl.u32 v39, $0x14  }
0x4b: {  	v19 =	vxor.u32 v36, v19;
	v21 =	vand.u32 $0x70, v21;
	v42 =	vand.u32 $0xF80, v42  }
0x4c: {  	v23 =	vand.u32 $0x7FFFFFFF, v23;
	v20 =	vxor.u32 v22, v20;
	v21 =	vor.u32 v42, v21  }
0x4d: {  	v36 =	vshrl.u32 v19, $0x14;
	v22 =	vshrl.u32 v20, $0x14;
	v21 =	vor.u32 v2, v21  }
0x4e: {  	v23 =	vxor.u32 v37, v23;
	v36 =	vand.u32 $0xFF0, v36;
	v22 =	vand.u32 $0xFF0, v22  }
0x4f: {  	v37 =	vshrl.u32 v23, $0x14;
	v31 =	vxor.u32 $0x80000000, v27;
	v22 =	vor.u32 v4, v22  }
0x50: {  	v38 =	vxor.u32 $0x80000000, v34;
	v40 =	vxor.u32 $0x80000000, v35;
	v27 =	vshra.s32 v27, $0x1F  }
0x51: {  	v36 =	vor.u32 v5, v36;
	v41 =	vxor.u32 $0x80000000, v24;
	v27 =	vand.u32 $0x7FFFFFFF, v27;
	[tilespmem:s14+$0xFFFFFFC0] =	vst v39  }
0x52: {  	v27 =	vxor.u32 v31, v27;
	v31 =	vshra.s32 v34, $0x1F;
	[tilespmem:v21+s9+$0x0] =	vst.idx.add.s32.msk $0xffff, v3;
	v21 =	vand.u32 $0xFF0, v37  }
0x53: {  	[tilespmem:s14+$0xFFFFFFD0] =	vst v20;
	v31 =	vand.u32 $0x7FFFFFFF, v31;
	v20 =	vor.u32 v6, v21;
	v21 =	vshrl.u32 v27, $0x14  }
0x54: {  	v31 =	vxor.u32 v38, v31;
	[tilespmem:v22+s9+$0x0] =	vst.idx.add.s32.msk $0xffff, v3;
	v22 =	vshra.s32 v35, $0x1F;
	v21 =	vand.u32 $0xFF0, v21  }
0x55: {  	[tilespmem:s14+$0xFFFFFFE0] =	vst v19;
	v19 =	vshrl.u32 v31, $0x14;
	v63 =	vor.u32 v7, v21;
	v21 =	vand.u32 $0x7FFFFFFF, v22  }
0x56: {  	[tilespmem:s14+$0xFFFFFFF0] =	vst v23;
	v24 =	vshra.s32 v24, $0x1F;
	v22 =	vand.u32 $0xFF0, v19;
	v19 =	vxor.u32 v40, v21  }
0x57: {  	v23 =	vand.u32 $0x7FFFFFFF, v24;
	[tilespmem:s14+$0x0] =	vst v27;
	v21 =	vor.u32 v8, v22;
	v22 =	vshrl.u32 v19, $0x14  }
0x58: {  	v24 =	vand.u32 $0x1C00, v25;
	[tilespmem:v20+s9+$0x0] =	vst.idx.add.s32.msk $0xffff, v3;
	v22 =	vand.u32 $0xFF0, v22;
	v20 =	vxor.u32 v41, v23  }
0x59: {  	[tilespmem:v36+s9+$0x0] =	vst.idx.add.s32.msk $0xffff, v3;
	v23 =	vor.u32 v28, v26;
	v22 =	vor.u32 v9, v22;
	v27 =	vshrl.u32 v20, $0x14  }
0x5a: {  	s31 =	simm.s32 $0x8;
	[tilespmem:s14+$0x10] =	vst v31;
	v26 =	vor.u32 v32, v29;
	v25 =	vadd.s32 v1, v23;
	v23 =	vand.u32 $0xFF0, v27  }
0x5b: {  	s15 =	simm.s32 $0x10;
	v28 =	vmov s31;
	[tilespmem:v63+s9+$0x0] =	vst.idx.add.s32.msk $0xffff, v3;
	v27 =	vor.u32 v33, v30;
	v23 =	vor.u32 v10, v23  }
.LBB2_5:
0x5c: {  	p1 =	slt.u32 s15, $0x3F8;
	v29 =	vshll.u32 v28, $0x3;
	v26 =	vadd.s32 v1, v26;
	v15 =	vor.u32 v15, v24;
	[tilespmem:v21+s9+$0x0] =	vst.idx.add.s32.msk $0xffff, v3  }
0x5d: {  	v21 =	vand.u32 $0x78, v28;
	v27 =	vadd.s32 v1, v27;
	v24 =	vand.u32 $0x1C00, v29;
	[tilespmem:s14+$0x20] =	vst v19  }
0x5e: {  	v18 =	vand.u32 $0x1C00, v18;
	v15 =	vadd.s32 v1, v15;
	v19 =	vor.u32 v21, v24;
	[tilespmem:v22+s9+$0x0] =	vst.idx.add.s32.msk $0xffff, v3  }
0x5f: {  	v17 =	vand.u32 $0x1C00, v17;
	v14 =	vor.u32 v14, v18;
	v19 =	vadd.s32 v1, v19;
	v21 =	vld.idx.msk [tilespmem:v25+s2+$0x0], $0xffff;
	[tilespmem:s14+$0x30] =	vst v20  }
0x60: {  	v16 =	vand.u32 $0x1C00, v16;
	v13 =	vor.u32 v13, v17;
	v14 =	vadd.s32 v1, v14;
	[tilespmem:v23+s9+$0x0] =	vst.idx.add.s32.msk $0xffff, v3  }
0x61: {  	s16 =	sadd.s32 $0x1, s15;
	s17 =	sadd.s32 $0x2, s15;
	v12 =	vor.u32 v12, v16;
	v17 =	vadd.s32 v1, v13;
	v20 =	vld.idx.msk [tilespmem:v26+s2+$0x0], $0xffff  }
0x62: {  	s18 =	sadd.s32 $0x5, s15;
	v16 =	vmov s16;
	v18 =	vmov s17;
	s16 =	sadd.s32 $0x3, s15;
	s17 =	sadd.s32 $0x4, s15;
	v23 =	vadd.s32 v1, v12;
	v22 =	vld.idx.msk [tilespmem:v27+s2+$0x0], $0xffff  }
0x63: {  	v24 =	vmov s16;
	s16 =	sadd.s32 $0x6, s15;
	v25 =	vmov s17;
	s17 =	sadd.s32 $0x7, s15;
	v26 =	vmov s18;
	v27 =	vld.idx.msk [tilespmem:v15+s2+$0x0], $0xffff  }
0x64: {  	v28 =	vand.u32 $0x79, v16;
	v29 =	vmov s16;
	v30 =	vmov s17;
	v19 =	vld.idx.msk [tilespmem:v19+s2+$0x0], $0xffff  }
0x65: {  	v31 =	vand.u32 $0x7A, v18;
	v32 =	vand.u32 $0x7B, v24;
	v15 =	vand.u32 $0x7C, v25;
	v33 =	vld.idx.msk [tilespmem:v14+s2+$0x0], $0xffff  }
0x66: {  	v13 =	vand.u32 $0x7E, v29;
	v12 =	vand.u32 $0x7F, v30;
	v14 =	vand.u32 $0x7D, v26;
	v34 =	vld.idx.msk [tilespmem:v17+s2+$0x0], $0xffff  }
0x67: {  	v16 =	vshll.u32 v16, $0x3;
	v35 =	vshll.u32 v18, $0x3;
	v24 =	vshll.u32 v24, $0x3;
	v23 =	vld.idx.msk [tilespmem:v23+s2+$0x0], $0xffff  }
0x68: {  	v18 =	vshll.u32 v26, $0x3;
	v25 =	vshll.u32 v25, $0x3;
	v17 =	vshll.u32 v29, $0x3  }
0x69: {  	v26 =	vand.u32 $0x1C00, v16;
	v16 =	vshll.u32 v30, $0x3;
	v29 =	vand.u32 $0x1C00, v35  }
0x6a: {  	v30 =	vand.u32 $0x1C00, v24;
	v35 =	vxor.u32 $0x80000000, v21;
	v24 =	vshra.s32 v19, $0x1F  }
0x6b: {  	v36 =	vxor.u32 $0x80000000, v20;
	v37 =	vxor.u32 $0x80000000, v22;
	v24 =	vand.u32 $0x7FFFFFFF, v24  }
0x6c: {  	v38 =	vxor.u32 $0x80000000, v33;
	v19 =	vxor.u32 v19, v24;
	v24 =	vxor.u32 $0x80000000, v27  }
0x6d: {  	v40 =	vxor.u32 $0x80000000, v34;
	v39 =	vxor.u32 $0x80000000, v19;
	v41 =	vxor.u32 $0x80000000, v23  }
0x6e: {  	v21 =	vshra.s32 v21, $0x1F;
	v19 =	vshrl.u32 v19, $0x14;
	v42 =	vshrl.u32 v39, $0x14  }
0x6f: {  	v21 =	vand.u32 $0x7FFFFFFF, v21;
	v19 =	vand.u32 $0x70, v19;
	v42 =	vand.u32 $0xF80, v42  }
0x70: {  	v20 =	vshra.s32 v20, $0x1F;
	v21 =	vxor.u32 v35, v21;
	v19 =	vor.u32 v42, v19  }
0x71: {  	v20 =	vand.u32 $0x7FFFFFFF, v20;
	v35 =	vshrl.u32 v21, $0x14;
	v19 =	vor.u32 v2, v19  }
0x72: {  	v22 =	vshra.s32 v22, $0x1F;
	v20 =	vxor.u32 v36, v20;
	v35 =	vand.u32 $0xFF0, v35  }
0x73: {  	v22 =	vand.u32 $0x7FFFFFFF, v22;
	v36 =	vshrl.u32 v20, $0x14;
	v35 =	vor.u32 v4, v35  }
0x74: {  	s14 =	sadd.s32 $0x80, s14;
	v22 =	vxor.u32 v37, v22;
	v36 =	vand.u32 $0xFF0, v36;
	v27 =	vshra.s32 v27, $0x1F  }
0x75: {  	v37 =	vshrl.u32 v22, $0x14;
	v36 =	vor.u32 v5, v36;
	v27 =	vand.u32 $0x7FFFFFFF, v27;
	[tilespmem:s14+$0xFFFFFFC0] =	vst v39  }
0x76: {  	v27 =	vxor.u32 v24, v27;
	v24 =	vshra.s32 v33, $0x1F;
	[tilespmem:v19+s9+$0x0] =	vst.idx.add.s32.msk $0xffff, v3;
	v19 =	vand.u32 $0xFF0, v37  }
0x77: {  	[tilespmem:s14+$0xFFFFFFD0] =	vst v21;
	v33 =	vor.u32 v6, v19;
	v19 =	vshrl.u32 v27, $0x14;
	v21 =	vand.u32 $0x7FFFFFFF, v24  }
0x78: {  	[tilespmem:v35+s9+$0x0] =	vst.idx.add.s32.msk $0xffff, v3;
	v19 =	vand.u32 $0xFF0, v19;
	v35 =	vxor.u32 v38, v21;
	v21 =	vshra.s32 v34, $0x1F  }
0x79: {  	[tilespmem:s14+$0xFFFFFFE0] =	vst v20;
	v34 =	vor.u32 v7, v19;
	v19 =	vshrl.u32 v35, $0x14;
	v20 =	vand.u32 $0x7FFFFFFF, v21  }
0x7a: {  	[tilespmem:v36+s9+$0x0] =	vst.idx.add.s32.msk $0xffff, v3;
	v21 =	vand.u32 $0xFF0, v19;
	v19 =	vxor.u32 v40, v20;
	v20 =	vshra.s32 v23, $0x1F  }
.Ltmp3:
0x7b: {  	[tilespmem:s14+$0xFFFFFFF0] =	vst v22;
	v21 =	vor.u32 v8, v21;
	v22 =	vshrl.u32 v19, $0x14;
	v20 =	vand.u32 $0x7FFFFFFF, v20;
	(pc) =	sbr.rel @p1 .LBB2_5-.Ltmp3, $4  }
0x7c: {  	v24 =	vand.u32 $0x1C00, v25;
	[tilespmem:v33+s9+$0x0] =	vst.idx.add.s32.msk $0xffff, v3;
	v22 =	vand.u32 $0xFF0, v22;
	v20 =	vxor.u32 v41, v20  }
0x7d: {  	v23 =	vor.u32 v28, v26;
	[tilespmem:s14+$0x0] =	vst v27;
	v22 =	vor.u32 v9, v22;
	v27 =	vshrl.u32 v20, $0x14  }
0x7e: {  	v26 =	vor.u32 v31, v29;
	v25 =	vadd.s32 v1, v23;
	[tilespmem:v34+s9+$0x0] =	vst.idx.add.s32.msk $0xffff, v3;
	v23 =	vand.u32 $0xFF0, v27  }
0x7f: {  	v28 =	vmov s15;
	s15 =	sadd.s32 $0x8, s15;
	v27 =	vor.u32 v32, v30;
	[tilespmem:s14+$0x10] =	vst v35;
	v23 =	vor.u32 v10, v23  }
0x80: {  	v29 =	vshll.u32 v28, $0x3  }
0x81: {  	v54 =	vand.u32 $0x78, v28;
	v29 =	vand.u32 $0x1C00, v29  }
0x82: {  	v28 =	vor.u32 v54, v29  }
0x83: {  	v28 =	vadd.s32 v1, v28;
	_ =	sdelay $0x2  }
0x84: {  	v26 =	vadd.s32 v1, v26;
	v18 =	vand.u32 $0x1C00, v18  }
0x85: {  	v55 =	vadd.s32 v1, v27;
	v17 =	vand.u32 $0x1C00, v17;
	v14 =	vor.u32 v14, v18;
	v18 =	vld.idx.msk [tilespmem:v25+s2+$0x0], $0xffff  }
0x86: {  	v15 =	vor.u32 v15, v24;
	v13 =	vor.u32 v13, v17;
	v17 =	vld.idx.msk [tilespmem:v28+s2+$0x0], $0xffff  }
0x87: {  	v15 =	vadd.s32 v1, v15  }
0x88: {  	v16 =	vand.u32 $0x1C00, v16;
	v14 =	vadd.s32 v1, v14  }
0x89: {  	v12 =	vor.u32 v12, v16;
	v13 =	vadd.s32 v1, v13;
	v56 =	vld.idx.msk [tilespmem:v26+s2+$0x0], $0xffff  }
0x8a: {  	v12 =	vadd.s32 v1, v12;
	v16 =	vld.idx.msk [tilespmem:v55+s2+$0x0], $0xffff  }
0x8b: {  	v58 =	vxor.u32 $0x80000000, v18;
	v18 =	vshra.s32 v18, $0x1F;
	v57 =	vshra.s32 v17, $0x1F  }
0x8c: {  	v15 =	vld.idx.msk [tilespmem:v15+s2+$0x0], $0xffff;
	v18 =	vand.u32 $0x7FFFFFFF, v18;
	v24 =	vand.u32 $0x7FFFFFFF, v57  }
0x8d: {  	v14 =	vld.idx.msk [tilespmem:v14+s2+$0x0], $0xffff;
	v18 =	vxor.u32 v58, v18;
	v17 =	vxor.u32 v17, v24  }
0x8e: {  	[tilespmem:s14+$0x20] =	vst v19;
	v13 =	vld.idx.msk [tilespmem:v13+s2+$0x0], $0xffff;
	v19 =	vshrl.u32 v18, $0x14;
	v59 =	vxor.u32 $0x80000000, v56;
	v62 =	vxor.u32 $0x80000000, v17  }
0x8f: {  	v12 =	vld.idx.msk [tilespmem:v12+s2+$0x0], $0xffff;
	v60 =	vxor.u32 $0x80000000, v16;
	v17 =	vshrl.u32 v17, $0x14;
	v31 =	vshrl.u32 v62, $0x14  }
0x90: {  	v25 =	vshra.s32 v56, $0x1F;
	v17 =	vand.u32 $0x70, v17;
	v31 =	vand.u32 $0xF80, v31  }
0x91: {  	v19 =	vand.u32 $0xFF0, v19;
	v16 =	vshra.s32 v16, $0x1F;
	v17 =	vor.u32 v31, v17  }
0x92: {  	[tilespmem:v21+s9+$0x0] =	vst.idx.add.s32.msk $0xffff, v3;
	v61 =	vxor.u32 $0x80000000, v15;
	v25 =	vand.u32 $0x7FFFFFFF, v25;
	v17 =	vor.u32 v2, v17  }
0x93: {  	[tilespmem:s14+$0x30] =	vst v20;
	v19 =	vor.u32 v4, v19;
	v16 =	vand.u32 $0x7FFFFFFF, v16;
	v15 =	vshra.s32 v15, $0x1F  }
0x94: {  	[tilespmem:v22+s9+$0x0] =	vst.idx.add.s32.msk $0xffff, v3;
	v30 =	vxor.u32 $0x80000000, v14;
	v63 =	vxor.u32 $0x80000000, v13;
	v21 =	vxor.u32 $0x80000000, v12  }
0x95: {  	s30 =	sadd.s32 $0x80, s14;
	[tilespmem:v23+s9+$0x0] =	vst.idx.add.s32.msk $0xffff, v3;
	v22 =	vxor.u32 v59, v25;
	v16 =	vxor.u32 v60, v16;
	v15 =	vand.u32 $0x7FFFFFFF, v15  }
0x96: {  	v14 =	vshra.s32 v14, $0x1F;
	v13 =	vshra.s32 v13, $0x1F;
	v23 =	vshrl.u32 v16, $0x14;
	[tilespmem:s30+$0xFFFFFFC0] =	vst v62  }
0x97: {  	v12 =	vshra.s32 v12, $0x1F;
	v20 =	vshrl.u32 v22, $0x14;
	[tilespmem:v17+s9+$0x0] =	vst.idx.add.s32.msk $0xffff, v3;
	v17 =	vand.u32 $0xFF0, v23  }
0x98: {  	[tilespmem:s30+$0xFFFFFFD0] =	vst v18;
	v15 =	vxor.u32 v61, v15;
	v14 =	vand.u32 $0x7FFFFFFF, v14;
	v17 =	vor.u32 v6, v17  }
0x99: {  	[tilespmem:s30+$0xFFFFFFE0] =	vst v22;
	v13 =	vand.u32 $0x7FFFFFFF, v13;
	v12 =	vand.u32 $0x7FFFFFFF, v12;
	v14 =	vxor.u32 v30, v14  }
0x9a: {  	v20 =	vand.u32 $0xFF0, v20;
	v18 =	vshrl.u32 v15, $0x14;
	[tilespmem:v19+s9+$0x0] =	vst.idx.add.s32.msk $0xffff, v3;
	v19 =	vshrl.u32 v14, $0x14  }
0x9b: {  	[tilespmem:s30+$0xFFFFFFF0] =	vst v16;
	v13 =	vxor.u32 v63, v13;
	v20 =	vor.u32 v5, v20;
	v19 =	vand.u32 $0xFF0, v19  }
0x9c: {  	[tilespmem:s30+$0x0] =	vst v15;
	v18 =	vand.u32 $0xFF0, v18;
	v16 =	vor.u32 v8, v19;
	v19 =	vshrl.u32 v13, $0x14  }
0x9d: {  	v12 =	vxor.u32 v21, v12;
	v18 =	vor.u32 v7, v18;
	[tilespmem:v17+s9+$0x0] =	vst.idx.add.s32.msk $0xffff, v3;
	v17 =	vand.u32 $0xFF0, v19  }
0x9e: {  	[tilespmem:s30+$0x10] =	vst v14;
	v15 =	vor.u32 v9, v17;
	v17 =	vshrl.u32 v12, $0x14  }
0x9f: {  	[tilespmem:s30+$0x20] =	vst v13;
	v17 =	vand.u32 $0xFF0, v17  }
0xa0: {  	[tilespmem:s30+$0x30] =	vst v12;
	v14 =	vor.u32 v10, v17  }
0xa1: {  	[tilespmem:v20+s9+$0x0] =	vst.idx.add.s32.msk $0xffff, v3  }
0xa2: {  	[tilespmem:v18+s9+$0x0] =	vst.idx.add.s32.msk $0xffff, v3  }
0xa3: {  	[tilespmem:v16+s9+$0x0] =	vst.idx.add.s32.msk $0xffff, v3  }
0xa4: {  	[tilespmem:v15+s9+$0x0] =	vst.idx.add.s32.msk $0xffff, v3  }
0xa5: {  	s21 =	simm.s32 $0xD780;
	[tilespmem:v14+s9+$0x0] =	vst.idx.add.s32.msk $0xffff, v3  }
0xa6: {  	s31 =	simm.s32 $0xFF0;
	v13 =	vld [tilespmem:s21+$0xFFFFC070]  }
0xa7: {  	s17 =	sand.u32 $0xF80, s31;
	[tilespmem:s21+$0xFFFFC070] =	vst v0;
	v17 =	vld [tilespmem:s21+$0xFFFFC060]  }
0xa8: {  	p2 =	por $0x1, $0x1;
	[tilespmem:s21+$0xFFFFC060] =	vst v0;
	v14 =	vld [tilespmem:s17+$0x9870]  }
.Ltmp4:
0xa9: {  	[tilespmem:s17+$0x9870] =	vst v0;
	v19 =	vld [tilespmem:s17+$0xA870];
	(pc) =	sbr.rel @!p2 .LBB2_7-.Ltmp4, $4  }
0xaa: {  	[tilespmem:s17+$0xA870] =	vst v0;
	v20 =	vld [tilespmem:s17+$0xB870]  }
0xab: {  	v12 =	vimm.s32 $0x0;
	[tilespmem:s17+$0xB870] =	vst v0;
	v21 =	vld [tilespmem:s17+$0xC870]  }
0xac: {  	s16 =	simm.s32 $0xF90;
	s15 =	simm.s32 $0xF8;
	[tilespmem:s17+$0xC870] =	vst v0;
	v22 =	vld [tilespmem:s17+$0xD870];
	v13 =	vadd.s32 v12, v13  }
0xad: {  	s14 =	simm.s32 $0x0;
	s25 =	simm.s32 $0xFE0;
	p1 =	por $0x0, $0x0;
	[tilespmem:s17+$0xD870] =	vst v0;
	v18 =	vld [tilespmem:s17+$0xE870];
	v23 =	vadd.s32 v14, v13  }
0xae: {  	v13 =	vld [tilespmem:s17+$0xF870]  }
0xaf: {  	v24 =	vld [tilespmem:s21+$0xFFFFC020]  }
0xb0: {  	v26 =	vld [tilespmem:s21+$0xFFFFC000]  }
0xb1: {  	v59 =	vld [tilespmem:s21+$0x0]  }
0xb2: {  	s18 =	sand.u32 $0xF80, s25;
	v63 =	vld [tilespmem:s21+$0x2000]  }
0xb3: {  	v14 =	vadd.s32 v19, v23;
	[tilespmem:s21+$0xFFFFC020] =	vst v0;
	v15 =	vld [tilespmem:s18+$0x9860]  }
0xb4: {  	v14 =	vadd.s32 v20, v14;
	v16 =	vld [tilespmem:s18+$0xA860];
	[tilespmem:s18+$0x9860] =	vst v0  }
0xb5: {  	v19 =	vld [tilespmem:s18+$0xB860];
	[tilespmem:s18+$0xA860] =	vst v0;
	v14 =	vadd.s32 v21, v14  }
0xb6: {  	s19 =	simm.s32 $0xFD0;
	v20 =	vld [tilespmem:s18+$0xC860];
	[tilespmem:s18+$0xB860] =	vst v0;
	v14 =	vadd.s32 v22, v14  }
0xb7: {  	s19 =	sand.u32 $0xF80, s19;
	v21 =	vld [tilespmem:s21+$0xFFFFC050];
	[tilespmem:s21+$0xFFFFC050] =	vst v0;
	v14 =	vadd.s32 v18, v14  }
0xb8: {  	[tilespmem:s18+$0xC860] =	vst v0;
	v22 =	vld [tilespmem:s19+$0xD850];
	v13 =	vadd.s32 v13, v14  }
0xb9: {  	[tilespmem:s19+$0xD850] =	vst v0;
	v18 =	vld [tilespmem:s18+$0xD860];
	v17 =	vadd.s32 v17, v13  }
0xba: {  	[tilespmem:s18+$0xD860] =	vst v0;
	v14 =	vld [tilespmem:s18+$0xE860];
	v15 =	vadd.s32 v15, v17  }
0xbb: {  	[tilespmem:s18+$0xE860] =	vst v0;
	v17 =	vld [tilespmem:s18+$0xF860];
	v15 =	vadd.s32 v16, v15  }
0xbc: {  	[tilespmem:s18+$0xF860] =	vst v0;
	v16 =	vld [tilespmem:s19+$0x9850];
	v15 =	vadd.s32 v19, v15  }
0xbd: {  	[tilespmem:s19+$0x9850] =	vst v0;
	v19 =	vld [tilespmem:s19+$0xA850];
	v15 =	vadd.s32 v20, v15  }
0xbe: {  	[tilespmem:s19+$0xA850] =	vst v0;
	v20 =	vld [tilespmem:s19+$0xB850];
	v15 =	vadd.s32 v18, v15  }
0xbf: {  	[tilespmem:s19+$0xB850] =	vst v0;
	v18 =	vld [tilespmem:s19+$0xC850];
	v14 =	vadd.s32 v14, v15  }
0xc0: {  	s31 =	simm.s32 $0xFC0;
	[tilespmem:s19+$0xC850] =	vst v0;
	v15 =	vadd.s32 v17, v14;
	v17 =	vld [tilespmem:s21+$0xFFFFC040]  }
0xc1: {  	s18 =	sand.u32 $0xF80, s31;
	[tilespmem:s21+$0xFFFFC040] =	vst v0;
	v14 =	vadd.s32 v21, v15;
	v21 =	vld [tilespmem:s19+$0xE850]  }
0xc2: {  	[tilespmem:s19+$0xE850] =	vst v0;
	v23 =	vld [tilespmem:s18+$0xE840];
	v14 =	vadd.s32 v16, v14  }
0xc3: {  	[tilespmem:s18+$0xE840] =	vst v0;
	v16 =	vld [tilespmem:s19+$0xF850];
	v14 =	vadd.s32 v19, v14  }
0xc4: {  	[tilespmem:s19+$0xF850] =	vst v0;
	v19 =	vld [tilespmem:s21+$0xFFFFC030];
	v14 =	vadd.s32 v20, v14  }
0xc5: {  	[tilespmem:s21+$0xFFFFC030] =	vst v0;
	v20 =	vld [tilespmem:s18+$0x9840];
	v14 =	vadd.s32 v18, v14  }
0xc6: {  	[tilespmem:s18+$0x9840] =	vst v0;
	v18 =	vld [tilespmem:s18+$0xA840];
	v14 =	vadd.s32 v22, v14  }
0xc7: {  	[tilespmem:s18+$0xA840] =	vst v0;
	v22 =	vld [tilespmem:s18+$0xB840];
	v14 =	vadd.s32 v21, v14  }
0xc8: {  	[tilespmem:s18+$0xB840] =	vst v0;
	v21 =	vld [tilespmem:s18+$0xC840];
	v14 =	vadd.s32 v16, v14  }
0xc9: {  	s20 =	simm.s32 $0xFB0;
	[tilespmem:s18+$0xC840] =	vst v0;
	v16 =	vld [tilespmem:s18+$0xD840];
	v17 =	vadd.s32 v17, v14  }
0xca: {  	s22 =	simm.s32 $0xFA0;
	s19 =	sand.u32 $0xF80, s20;
	[tilespmem:s18+$0xD840] =	vst v0;
	v17 =	vadd.s32 v20, v17;
	v20 =	vld [tilespmem:s18+$0xF840]  }
0xcb: {  	[tilespmem:s18+$0xF840] =	vst v0;
	s18 =	sand.u32 $0xF80, s22;
	v17 =	vadd.s32 v18, v17;
	v18 =	vld [tilespmem:s19+$0x9830]  }
0xcc: {  	v25 =	vld [tilespmem:s18+$0x9820];
	v17 =	vadd.s32 v22, v17  }
0xcd: {  	[tilespmem:s17+$0xF870] =	vst v0;
	v55 =	vld [tilespmem:s18+$0xE820];
	v17 =	vadd.s32 v21, v17  }
0xce: {  	[tilespmem:s21+$0xFFFFC000] =	vst v0;
	v21 =	vld [tilespmem:s19+$0xA830];
	v16 =	vadd.s32 v16, v17  }
0xcf: {  	[tilespmem:s21+$0x0] =	vst v0;
	v17 =	vld [tilespmem:s19+$0xB830];
	v16 =	vadd.s32 v23, v16  }
0xd0: {  	[tilespmem:s21+$0x2000] =	vst v0;
	v22 =	vld [tilespmem:s19+$0xC830];
	v16 =	vadd.s32 v20, v16  }
0xd1: {  	[tilespmem:s19+$0x9830] =	vst v0;
	v20 =	vld [tilespmem:s19+$0xD830];
	v19 =	vadd.s32 v19, v16  }
0xd2: {  	[tilespmem:s18+$0x9820] =	vst v0;
	v23 =	vld [tilespmem:s19+$0xE830];
	v18 =	vadd.s32 v18, v19  }
0xd3: {  	[tilespmem:s18+$0xE820] =	vst v0;
	v19 =	vld [tilespmem:s19+$0xF830];
	v18 =	vadd.s32 v21, v18  }
0xd4: {  	v56 =	vld [tilespmem:s18+$0xF820];
	[tilespmem:s18+$0xF820] =	vst v0;
	v17 =	vadd.s32 v17, v18  }
0xd5: {  	[tilespmem:s19+$0xC830] =	vst v0;
	v17 =	vadd.s32 v22, v17  }
0xd6: {  	[tilespmem:s19+$0xA830] =	vst v0;
	v22 =	vld [tilespmem:s18+$0xA820];
	v17 =	vadd.s32 v20, v17  }
0xd7: {  	[tilespmem:s19+$0xB830] =	vst v0;
	v20 =	vld [tilespmem:s18+$0xB820];
	v17 =	vadd.s32 v23, v17  }
0xd8: {  	[tilespmem:s19+$0xE830] =	vst v0;
	v23 =	vld [tilespmem:s18+$0xC820];
	v18 =	vadd.s32 v19, v17  }
0xd9: {  	[tilespmem:s19+$0xD830] =	vst v0;
	v17 =	vld [tilespmem:s18+$0xD820];
	v19 =	vadd.s32 v24, v18  }
0xda: {  	s16 =	sand.u32 $0xF80, s16;
	v21 =	vld [tilespmem:s21+$0xFFFFC010];
	[tilespmem:s21+$0xFFFFC010] =	vst v0;
	v19 =	vadd.s32 v25, v19  }
0xdb: {  	[tilespmem:s19+$0xF830] =	vst v0;
	v57 =	vld [tilespmem:s16+$0xC810];
	v19 =	vadd.s32 v22, v19  }
0xdc: {  	vm0 =	vmneg vm8;
	vm1 =	vgt.s32 v13, $0x1FF;
	v27 =	vld [tilespmem:s16+$0xE810];
	[tilespmem:s16+$0xC810] =	vst v0;
	v19 =	vadd.s32 v20, v19  }
0xdd: {  	vm0 =	vmand vm1, vm0;
	vm1 =	vmor vm8, vm1;
	[tilespmem:s16+$0xE810] =	vst v0;
	v20 =	vld [tilespmem:s16+$0x9810];
	v19 =	vadd.s32 v23, v19  }
0xde: {  	vm2 =	vmneg vm1;
	[tilespmem:s18+$0xA820] =	vst v0;
	v23 =	vld [tilespmem:s16+$0xA810];
	v17 =	vadd.s32 v17, v19  }
0xdf: {  	v58 =	vsel vm0, v12, v12;
	vm3 =	vgt.s32 v15, $0x1FF;
	[tilespmem:s18+$0xB820] =	vst v0;
	v19 =	vld [tilespmem:s16+$0xB810];
	v17 =	vadd.s32 v55, v17  }
0xe0: {  	vm2 =	vmand vm3, vm2;
	vm1 =	vmor vm1, vm3;
	[tilespmem:s18+$0xC820] =	vst v0;
	v25 =	vadd.s32 v56, v17  }
0xe1: {  	s23 =	simm.s32 $0xFF;
	vm3 =	vgt.s32 v16, $0x1FF;
	[tilespmem:s18+$0xD820] =	vst v0;
	v24 =	vsel vm2, v13, v58;
	v17 =	vld [tilespmem:s16+$0xD810];
	v21 =	vadd.s32 v21, v25  }
0xe2: {  	s24 =	simm.s32 $0xFE;
	v13 =	vsel vm0, s23, v12;
	vm0 =	vmneg vm1;
	v22 =	vld [tilespmem:s21+$0x3000];
	[tilespmem:s21+$0x3000] =	vst v0;
	v20 =	vadd.s32 v20, v21  }
0xe3: {  	v13 =	vsel vm2, s24, v13;
	vm2 =	vgt.s32 v14, $0x1FF;
	[tilespmem:s16+$0x9810] =	vst v0;
	v20 =	vadd.s32 v23, v20;
	v23 =	vld [tilespmem:s16+$0xF810]  }
0xe4: {  	s25 =	simm.s32 $0xFD;
	vm0 =	vmand vm2, vm0;
	vm1 =	vmor vm1, vm2;
	[tilespmem:s16+$0xA810] =	vst v0;
	v19 =	vadd.s32 v19, v20  }
0xe5: {  	v28 =	vsel vm0, s25, v13;
	vm2 =	vmneg vm1;
	[tilespmem:s16+$0xB810] =	vst v0;
	v21 =	vld [tilespmem:s21+$0xFFFFD000];
	v19 =	vadd.s32 v57, v19  }
0xe6: {  	v15 =	vsel vm0, v15, v24;
	vm1 =	vmor vm1, vm3;
	[tilespmem:s16+$0xD810] =	vst v0;
	v20 =	vld [tilespmem:s21+$0xFFFFE000];
	v17 =	vadd.s32 v17, v19  }
0xe7: {  	vm0 =	vmand vm3, vm2;
	vm2 =	vgt.s32 v18, $0x1FF;
	[tilespmem:s21+$0xFFFFD000] =	vst v0;
	v19 =	vld [tilespmem:s21+$0xFFFFF000];
	v17 =	vadd.s32 v27, v17  }
0xe8: {  	vm3 =	vmor vm1, vm2;
	[tilespmem:s16+$0xF810] =	vst v0;
	v13 =	vadd.s32 v23, v17  }
0xe9: {  	vm1 =	vmneg vm1;
	v14 =	vsel vm0, v14, v15;
	[tilespmem:s21+$0xFFFFE000] =	vst v0;
	v17 =	vld [tilespmem:s21+$0x1000];
	v60 =	vadd.s32 v26, v13  }
0xea: {  	s26 =	simm.s32 $0xF70;
	s22 =	simm.s32 $0xD700;
	vm1 =	vmand vm2, vm1;
	vm4 =	vmneg vm3;
	[tilespmem:s21+$0xFFFFF000] =	vst v0;
	v21 =	vadd.s32 v21, v60  }
0xeb: {  	s23 =	sand.u32 $0xF80, s26;
	v16 =	vsel vm1, v16, v14;
	vm2 =	vgt.s32 v25, $0x1FF;
	v23 =	vld [tilespmem:s22+$0xFFFFC070];
	[tilespmem:s22+$0xFFFFC070] =	vst v0;
	v20 =	vadd.s32 v20, v21  }
0xec: {  	s28 =	simm.s32 $0xFC;
	vm3 =	vmor vm3, vm2;
	vm2 =	vmand vm2, vm4;
	[tilespmem:s21+$0x1000] =	vst v0;
	v61 =	vld [tilespmem:s23+$0x9870];
	v20 =	vadd.s32 v19, v20  }
0xed: {  	s29 =	simm.s32 $0xFB;
	p2 =	por $0x1, $0x1;
	v62 =	vsel vm0, s28, v28;
	v16 =	vsel vm2, v18, v16;
	[tilespmem:s23+$0x9870] =	vst v0;
	v18 =	vld [tilespmem:s23+$0xE870];
	v21 =	vadd.s32 v59, v20  }
.Ltmp5:
0xee: {  	s30 =	simm.s32 $0xFA;
	vm4 =	vmneg vm3;
	v26 =	vsel vm1, s29, v62;
	v19 =	vld [tilespmem:s23+$0xA870];
	[tilespmem:s23+$0xA870] =	vst v0;
	v17 =	vadd.s32 v17, v21;
	(pc) =	sbr.rel @!p2 .LBB2_9-.Ltmp5, $4  }
0xef: {  	vm5 =	vgt.s32 v13, $0x1FF;
	v26 =	vsel vm2, s30, v26;
	v20 =	vld [tilespmem:s23+$0xB870];
	[tilespmem:s23+$0xB870] =	vst v0;
	v17 =	vadd.s32 v63, v17  }
0xf0: {  	p1 =	por $0x1, $0x1;
	s31 =	simm.s32 $0xF9;
	vm4 =	vmand vm5, vm4;
	vm1 =	vmor vm3, vm5;
	v21 =	vld [tilespmem:s23+$0xC870];
	[tilespmem:s23+$0xC870] =	vst v0;
	v14 =	vadd.s32 v22, v17  }
0xf1: {  	s20 =	simm.s32 $0xF8;
	s19 =	simm.s32 $0xF8;
	s18 =	simm.s32 $0xD700;
	v15 =	vsel vm4, s31, v26;
	v16 =	vsel vm4, v25, v16;
	v22 =	vld [tilespmem:s23+$0xD870];
	[tilespmem:s23+$0xD870] =	vst v0;
	v23 =	vadd.s32 v14, v23  }
0xf2: {  	s24 =	simm.s32 $0x8;
	s25 =	simm.s32 $0xF60;
	s16 =	simm.s32 $0xF10;
	vm3 =	vmneg vm1;
	v17 =	vld [tilespmem:s22+$0xFFFFC060];
	[tilespmem:s22+$0xFFFFC060] =	vst v0;
	vm2 =	vgt.s32 v14, $0x1FF;
	v23 =	vadd.s32 v61, v23  }
.LBB2_10:
0xf3: {  	s24 =	sadd.s32 $0x8, s24;
	v24 =	vld [tilespmem:s23+$0xF870];
	v19 =	vadd.s32 v19, v23;
	s21 =	sand.u32 $0xF80, s25;
	[tilespmem:s17+$0xE870] =	vst v0;
	vm0 =	vmand vm2, vm3;
	s19 =	sadd.s32 $0xFFFFFFF8, s19  }
0xf4: {  	vm2 =	vmor vm1, vm2;
	s17 =	smov.u32 s23;
	p2 =	slt.u32 s24, $0xF8;
	[tilespmem:s23+$0xF870] =	vst v0;
	v19 =	vadd.s32 v20, v19;
	v20 =	vld [tilespmem:s21+$0x9860];
	v15 =	vsel vm0, s20, v15;
	s20 =	smov.u32 s19  }
0xf5: {  	v13 =	vsel vm0, v13, v16;
	v19 =	vadd.s32 v21, v19;
	[tilespmem:s21+$0x9860] =	vst v0;
	v21 =	vld [tilespmem:s21+$0xA860]  }
0xf6: {  	v16 =	vadd.s32 v22, v19;
	[tilespmem:s21+$0xA860] =	vst v0;
	v19 =	vld [tilespmem:s21+$0xB860]  }
0xf7: {  	v16 =	vadd.s32 v18, v16;
	[tilespmem:s21+$0xB860] =	vst v0;
	v18 =	vld [tilespmem:s21+$0xC860]  }
0xf8: {  	v16 =	vadd.s32 v24, v16;
	[tilespmem:s21+$0xC860] =	vst v0;
	v22 =	vld [tilespmem:s21+$0xD860]  }
0xf9: {  	vm1 =	vmneg vm2;
	vm0 =	vgt.s32 v16, $0x1FF;
	[tilespmem:s21+$0xD860] =	vst v0;
	v23 =	vld [tilespmem:s21+$0xE860];
	v17 =	vadd.s32 v17, v16  }
0xfa: {  	s23 =	sadd.s32 $0x40, s16;
	vm1 =	vmand vm0, vm1;
	[tilespmem:s21+$0xE860] =	vst v0;
	v17 =	vadd.s32 v20, v17;
	v20 =	vld [tilespmem:s22+$0xFFFFC050]  }
0xfb: {  	s23 =	sand.u32 $0xF80, s23;
	v24 =	vld [tilespmem:s21+$0xF860];
	v17 =	vadd.s32 v21, v17;
	[tilespmem:s22+$0xFFFFC050] =	vst v0  }
0xfc: {  	[tilespmem:s21+$0xF860] =	vst v0;
	v17 =	vadd.s32 v19, v17;
	v19 =	vld [tilespmem:s23+$0x9850]  }
0xfd: {  	v17 =	vadd.s32 v18, v17;
	[tilespmem:s23+$0x9850] =	vst v0;
	v18 =	vld [tilespmem:s23+$0xA850]  }
0xfe: {  	v17 =	vadd.s32 v22, v17;
	[tilespmem:s23+$0xA850] =	vst v0;
	v21 =	vld [tilespmem:s23+$0xB850]  }
0xff: {  	v17 =	vadd.s32 v23, v17;
	[tilespmem:s23+$0xB850] =	vst v0;
	v22 =	vld [tilespmem:s23+$0xC850]  }
0x100: {  	vm2 =	vmor vm2, vm0;
	v13 =	vsel vm1, v14, v13;
	v14 =	vadd.s32 v24, v17;
	[tilespmem:s23+$0xC850] =	vst v0;
	v17 =	vld [tilespmem:s23+$0xD850]  }
0x101: {  	vm0 =	vmneg vm2;
	vm3 =	vgt.s32 v14, $0x1FF;
	[tilespmem:s23+$0xD850] =	vst v0;
	v20 =	vadd.s32 v20, v14;
	v23 =	vld [tilespmem:s22+$0xFFFFC040]  }
0x102: {  	vm0 =	vmand vm3, vm0;
	vm2 =	vmor vm2, vm3;
	v24 =	vld [tilespmem:s23+$0xE850];
	v19 =	vadd.s32 v19, v20;
	[tilespmem:s22+$0xFFFFC040] =	vst v0  }
0x103: {  	s21 =	sadd.s32 $0x30, s16;
	v13 =	vsel vm0, v16, v13;
	[tilespmem:s23+$0xE850] =	vst v0;
	v16 =	vld [tilespmem:s23+$0xF850];
	v18 =	vadd.s32 v18, v19;
	vm3 =	vmneg vm2  }
0x104: {  	s21 =	sand.u32 $0xF80, s21;
	[tilespmem:s23+$0xF850] =	vst v0;
	v18 =	vadd.s32 v21, v18;
	v19 =	vld [tilespmem:s22+$0xFFFFC030]  }
0x105: {  	v18 =	vadd.s32 v22, v18;
	v20 =	vld [tilespmem:s21+$0x9840];
	[tilespmem:s22+$0xFFFFC030] =	vst v0  }
0x106: {  	v17 =	vadd.s32 v17, v18;
	[tilespmem:s21+$0x9840] =	vst v0;
	v18 =	vld [tilespmem:s21+$0xA840]  }
0x107: {  	s23 =	sadd.s32 $0x7, s19;
	v17 =	vadd.s32 v24, v17;
	[tilespmem:s21+$0xA840] =	vst v0;
	v21 =	vld [tilespmem:s21+$0xB840]  }
0x108: {  	v15 =	vsel vm1, s23, v15;
	s23 =	sadd.s32 $0x6, s19;
	v16 =	vadd.s32 v16, v17;
	[tilespmem:s21+$0xB840] =	vst v0;
	v17 =	vld [tilespmem:s21+$0xC840]  }
0x109: {  	v15 =	vsel vm0, s23, v15;
	vm0 =	vgt.s32 v16, $0x1FF;
	[tilespmem:s21+$0xC840] =	vst v0;
	v22 =	vld [tilespmem:s21+$0xD840];
	v23 =	vadd.s32 v23, v16  }
0x10a: {  	s23 =	sadd.s32 $0x5, s19;
	vm1 =	vmand vm0, vm3;
	vm0 =	vmor vm2, vm0;
	[tilespmem:s21+$0xD840] =	vst v0;
	v24 =	vld [tilespmem:s21+$0xE840];
	v20 =	vadd.s32 v20, v23  }
0x10b: {  	v15 =	vsel vm1, s23, v15;
	[tilespmem:s21+$0xE840] =	vst v0;
	v23 =	vld [tilespmem:s21+$0xF840];
	v18 =	vadd.s32 v18, v20;
	vm2 =	vmneg vm0;
	s23 =	sadd.s32 $0x20, s16  }
0x10c: {  	v13 =	vsel vm1, v14, v13;
	[tilespmem:s21+$0xF840] =	vst v0;
	v14 =	vadd.s32 v21, v18;
	s21 =	sand.u32 $0xF80, s23;
	v18 =	vld [tilespmem:s22+$0xFFFFC020]  }
0x10d: {  	v14 =	vadd.s32 v17, v14;
	v17 =	vld [tilespmem:s21+$0x9830];
	[tilespmem:s22+$0xFFFFC020] =	vst v0  }
0x10e: {  	v14 =	vadd.s32 v22, v14;
	[tilespmem:s21+$0x9830] =	vst v0;
	v20 =	vld [tilespmem:s21+$0xA830]  }
0x10f: {  	v14 =	vadd.s32 v24, v14;
	[tilespmem:s21+$0xA830] =	vst v0;
	v21 =	vld [tilespmem:s21+$0xB830]  }
0x110: {  	v14 =	vadd.s32 v23, v14;
	[tilespmem:s21+$0xB830] =	vst v0;
	v22 =	vld [tilespmem:s21+$0xC830]  }
0x111: {  	vm1 =	vgt.s32 v14, $0x1FF;
	[tilespmem:s21+$0xC830] =	vst v0;
	v23 =	vld [tilespmem:s21+$0xD830];
	v19 =	vadd.s32 v19, v14  }
0x112: {  	s23 =	sadd.s32 $0x4, s19;
	vm2 =	vmand vm1, vm2;
	vm1 =	vmor vm0, vm1;
	[tilespmem:s21+$0xD830] =	vst v0;
	v24 =	vld [tilespmem:s21+$0xE830];
	v17 =	vadd.s32 v17, v19  }
0x113: {  	v15 =	vsel vm2, s23, v15;
	v16 =	vsel vm2, v16, v13;
	[tilespmem:s21+$0xE830] =	vst v0;
	v13 =	vld [tilespmem:s21+$0xF830];
	v17 =	vadd.s32 v20, v17;
	s23 =	sadd.s32 $0x10, s16  }
0x114: {  	[tilespmem:s21+$0xF830] =	vst v0;
	v17 =	vadd.s32 v21, v17;
	s21 =	sand.u32 $0xF80, s23;
	v19 =	vld [tilespmem:s22+$0xFFFFC010]  }
0x115: {  	v17 =	vadd.s32 v22, v17;
	v20 =	vld [tilespmem:s21+$0x9820];
	[tilespmem:s22+$0xFFFFC010] =	vst v0  }
0x116: {  	v17 =	vadd.s32 v23, v17;
	[tilespmem:s21+$0x9820] =	vst v0;
	v21 =	vld [tilespmem:s21+$0xA820]  }
0x117: {  	v17 =	vadd.s32 v24, v17;
	[tilespmem:s21+$0xA820] =	vst v0;
	v22 =	vld [tilespmem:s21+$0xB820]  }
0x118: {  	v23 =	vadd.s32 v13, v17;
	[tilespmem:s21+$0xB820] =	vst v0;
	v13 =	vld [tilespmem:s21+$0xC820]  }
0x119: {  	vm3 =	vgt.s32 v23, $0x1FF;
	[tilespmem:s21+$0xC820] =	vst v0;
	v17 =	vld [tilespmem:s21+$0xD820];
	v18 =	vadd.s32 v18, v23  }
0x11a: {  	vm2 =	vmor vm1, vm3;
	[tilespmem:s21+$0xD820] =	vst v0;
	v24 =	vld [tilespmem:s21+$0xE820];
	v18 =	vadd.s32 v20, v18  }
0x11b: {  	[tilespmem:s21+$0xE820] =	vst v0;
	v20 =	vld [tilespmem:s21+$0xF820];
	v18 =	vadd.s32 v21, v18  }
0x11c: {  	[tilespmem:s21+$0xF820] =	vst v0;
	v18 =	vadd.s32 v22, v18;
	s21 =	sand.u32 $0xF80, s16;
	v22 =	vld [tilespmem:s22+$0x3000]  }
0x11d: {  	v13 =	vadd.s32 v13, v18;
	v18 =	vld [tilespmem:s21+$0x9810];
	[tilespmem:s22+$0x3000] =	vst v0  }
0x11e: {  	v13 =	vadd.s32 v17, v13;
	[tilespmem:s21+$0x9810] =	vst v0;
	v17 =	vld [tilespmem:s21+$0xA810]  }
0x11f: {  	v13 =	vadd.s32 v24, v13;
	[tilespmem:s21+$0xA810] =	vst v0;
	v21 =	vld [tilespmem:s21+$0xB810]  }
0x120: {  	v24 =	vadd.s32 v20, v13;
	[tilespmem:s21+$0xB810] =	vst v0;
	v13 =	vld [tilespmem:s21+$0xC810]  }
0x121: {  	[tilespmem:s21+$0xC810] =	vst v0;
	v20 =	vld [tilespmem:s21+$0xD810];
	v19 =	vadd.s32 v19, v24  }
0x122: {  	[tilespmem:s21+$0xD810] =	vst v0;
	v25 =	vld [tilespmem:s21+$0xE810];
	v18 =	vadd.s32 v18, v19  }
0x123: {  	[tilespmem:s21+$0xE810] =	vst v0;
	v19 =	vld [tilespmem:s21+$0xF810];
	v17 =	vadd.s32 v17, v18  }
0x124: {  	[tilespmem:s21+$0xF810] =	vst v0;
	v17 =	vadd.s32 v21, v17;
	v18 =	vld [tilespmem:s22+$0xFFFFC000]  }
0x125: {  	v13 =	vadd.s32 v13, v17;
	[tilespmem:s22+$0xFFFFC000] =	vst v0;
	v17 =	vld [tilespmem:s22+$0xFFFFD000]  }
0x126: {  	vm0 =	vmneg vm1;
	v13 =	vadd.s32 v20, v13;
	[tilespmem:s22+$0xFFFFD000] =	vst v0;
	v20 =	vld [tilespmem:s22+$0xFFFFE000]  }
0x127: {  	vm1 =	vmand vm3, vm0;
	vm0 =	vgt.s32 v24, $0x1FF;
	v13 =	vadd.s32 v25, v13;
	[tilespmem:s22+$0xFFFFE000] =	vst v0;
	v21 =	vld [tilespmem:s22+$0xFFFFF000]  }
0x128: {  	vm4 =	vmneg vm2;
	vm3 =	vmor vm2, vm0;
	v13 =	vadd.s32 v19, v13;
	[tilespmem:s22+$0xFFFFF000] =	vst v0;
	v19 =	vld [tilespmem:s22+$0x0]  }
0x129: {  	vm2 =	vmand vm0, vm4;
	vm0 =	vmneg vm3;
	s21 =	sadd.s32 $0x3, s19;
	[tilespmem:s22+$0x0] =	vst v0;
	v25 =	vld [tilespmem:s22+$0x1000];
	v18 =	vadd.s32 v18, v13  }
0x12a: {  	s16 =	sadd.s32 $0xFFFFFF80, s16;
	v15 =	vsel vm1, s21, v15;
	s21 =	sadd.s32 $0x2, s19;
	vm4 =	vgt.s32 v13, $0x1FF;
	s22 =	sadd.s32 $0xFFFFFF80, s22;
	[tilespmem:s18+$0x1000] =	vst v0;
	v26 =	vld [tilespmem:s18+$0x2000];
	v17 =	vadd.s32 v17, v18  }
0x12b: {  	s23 =	sadd.s32 $0x60, s16;
	v15 =	vsel vm2, s21, v15;
	s21 =	sadd.s32 $0x1, s19;
	vm0 =	vmand vm4, vm0;
	v18 =	vld [tilespmem:s22+$0xFFFFC070];
	[tilespmem:s18+$0x2000] =	vst v0;
	v20 =	vadd.s32 v20, v17;
	s18 =	smov.u32 s22  }
0x12c: {  	s23 =	sand.u32 $0xF80, s23;
	v15 =	vsel vm0, s21, v15;
	[tilespmem:s22+$0xFFFFC070] =	vst v0;
	v17 =	vld [tilespmem:s22+$0xFFFFC060];
	v20 =	vadd.s32 v21, v20  }
0x12d: {  	v27 =	vld [tilespmem:s23+$0x9870];
	[tilespmem:s22+$0xFFFFC060] =	vst v0;
	v20 =	vadd.s32 v19, v20  }
.Ltmp6:
0x12e: {  	[tilespmem:s23+$0x9870] =	vst v0;
	v19 =	vld [tilespmem:s23+$0xA870];
	v21 =	vadd.s32 v25, v20;
	(pc) =	sbr.rel @p2 .LBB2_10-.Ltmp6, $4  }
0x12f: {  	[tilespmem:s23+$0xA870] =	vst v0;
	v20 =	vld [tilespmem:s23+$0xB870];
	v25 =	vadd.s32 v26, v21  }
0x130: {  	v16 =	vsel vm1, v14, v16;
	vm1 =	vmor vm3, vm4;
	[tilespmem:s23+$0xB870] =	vst v0;
	v21 =	vld [tilespmem:s23+$0xC870];
	v14 =	vadd.s32 v22, v25  }
0x131: {  	v16 =	vsel vm2, v23, v16;
	[tilespmem:s23+$0xC870] =	vst v0;
	v22 =	vld [tilespmem:s23+$0xD870];
	v25 =	vadd.s32 v14, v18;
	vm2 =	vgt.s32 v14, $0x1FF  }
0x132: {  	s25 =	sadd.s32 $0x50, s16;
	v16 =	vsel vm0, v24, v16;
	vm3 =	vmneg vm1;
	[tilespmem:s23+$0xD870] =	vst v0;
	v18 =	vld [tilespmem:s23+$0xE870];
	v23 =	vadd.s32 v27, v25  }
0x133: {  	s21 =	smov.u32 s22  }
.LBB2_12:
0x134: {  	v24 =	vld [tilespmem:s23+$0xF870]  }
0x135: {  	v42 =	vld [tilespmem:s21+$0xFFFFC050]  }
0x136: {  	v27 =	vld [tilespmem:s21+$0xFFFFC040]  }
0x137: {  	v45 =	vld [tilespmem:s21+$0xFFFFC030]  }
0x138: {  	v48 =	vld [tilespmem:s21+$0xFFFFC020]  }
0x139: {  	v52 =	vld [tilespmem:s21+$0xFFFFC010]  }
0x13a: {  	v57 =	vld [tilespmem:s21+$0x3000]  }
0x13b: {  	v60 =	vld [tilespmem:s21+$0xFFFFC000]  }
0x13c: {  	v19 =	vadd.s32 v19, v23;
	v62 =	vld [tilespmem:s21+$0xFFFFD000]  }
0x13d: {  	s22 =	sand.u32 $0xF80, s25;
	v63 =	vld [tilespmem:s21+$0xFFFFE000];
	v19 =	vadd.s32 v20, v19  }
0x13e: {  	[tilespmem:s17+$0xE870] =	vst @p1 v0;
	v25 =	vld [tilespmem:s22+$0x9860];
	v19 =	vadd.s32 v21, v19  }
0x13f: {  	[tilespmem:s23+$0xF870] =	vst v0;
	v23 =	vld [tilespmem:s22+$0xA860];
	v19 =	vadd.s32 v22, v19  }
0x140: {  	[tilespmem:s21+$0xFFFFC050] =	vst v0;
	v20 =	vld [tilespmem:s22+$0xB860];
	v18 =	vadd.s32 v18, v19  }
0x141: {  	[tilespmem:s21+$0xFFFFC040] =	vst v0;
	v21 =	vld [tilespmem:s22+$0xC860];
	v18 =	vadd.s32 v24, v18  }
0x142: {  	[tilespmem:s21+$0xFFFFC030] =	vst v0;
	v22 =	vld [tilespmem:s22+$0xD860];
	v17 =	vadd.s32 v17, v18  }
0x143: {  	[tilespmem:s21+$0xFFFFC020] =	vst v0;
	v19 =	vld [tilespmem:s22+$0xE860];
	v17 =	vadd.s32 v25, v17  }
0x144: {  	s26 =	sadd.s32 $0x40, s16;
	[tilespmem:s21+$0xFFFFC010] =	vst v0;
	s31 =	sand.u32 $0xF80, s16;
	v26 =	vld [tilespmem:s22+$0xF860];
	v17 =	vadd.s32 v23, v17  }
0x145: {  	[tilespmem:s21+$0x3000] =	vst v0;
	s17 =	sand.u32 $0xF80, s26;
	v58 =	vld [tilespmem:s31+$0x9810];
	v17 =	vadd.s32 v20, v17  }
0x146: {  	[tilespmem:s21+$0xFFFFC000] =	vst v0;
	v43 =	vld [tilespmem:s17+$0x9850];
	v17 =	vadd.s32 v21, v17  }
0x147: {  	[tilespmem:s22+$0x9860] =	vst v0;
	v23 =	vld [tilespmem:s17+$0xA850];
	v17 =	vadd.s32 v22, v17  }
0x148: {  	[tilespmem:s22+$0xA860] =	vst v0;
	v20 =	vld [tilespmem:s17+$0xB850];
	v17 =	vadd.s32 v19, v17  }
0x149: {  	[tilespmem:s22+$0xB860] =	vst v0;
	v21 =	vld [tilespmem:s17+$0xC850];
	v19 =	vadd.s32 v26, v17  }
0x14a: {  	[tilespmem:s22+$0xF860] =	vst v0;
	v22 =	vld [tilespmem:s17+$0xD850];
	v24 =	vadd.s32 v42, v19  }
0x14b: {  	[tilespmem:s22+$0xC860] =	vst v0;
	v17 =	vld [tilespmem:s17+$0xE850];
	v24 =	vadd.s32 v43, v24  }
0x14c: {  	s28 =	sadd.s32 $0x30, s16;
	v44 =	vld [tilespmem:s17+$0xF850];
	[tilespmem:s22+$0xD860] =	vst v0;
	v23 =	vadd.s32 v23, v24  }
0x14d: {  	v59 =	vld [tilespmem:s31+$0xA810];
	[tilespmem:s22+$0xE860] =	vst v0;
	s22 =	sand.u32 $0xF80, s28;
	v20 =	vadd.s32 v20, v23  }
0x14e: {  	[tilespmem:s21+$0xFFFFD000] =	vst v0;
	v46 =	vld [tilespmem:s22+$0x9840];
	v20 =	vadd.s32 v21, v20  }
0x14f: {  	[tilespmem:s17+$0x9850] =	vst v0;
	v23 =	vld [tilespmem:s22+$0xA840];
	v20 =	vadd.s32 v22, v20  }
0x150: {  	[tilespmem:s17+$0xF850] =	vst v0;
	v21 =	vld [tilespmem:s22+$0xB840];
	v17 =	vadd.s32 v17, v20  }
0x151: {  	[tilespmem:s17+$0xA850] =	vst v0;
	v22 =	vld [tilespmem:s22+$0xC840];
	v20 =	vadd.s32 v44, v17  }
0x152: {  	v28 =	vld [tilespmem:s22+$0xD840];
	[tilespmem:s17+$0xB850] =	vst v0;
	v26 =	vadd.s32 v27, v20  }
0x153: {  	[tilespmem:s17+$0xC850] =	vst v0;
	v17 =	vld [tilespmem:s22+$0xE840];
	v24 =	vadd.s32 v46, v26  }
0x154: {  	s29 =	sadd.s32 $0x20, s16;
	v47 =	vld [tilespmem:s22+$0xF840];
	[tilespmem:s17+$0xD850] =	vst v0;
	v23 =	vadd.s32 v23, v24  }
0x155: {  	v61 =	vld [tilespmem:s31+$0xD810];
	[tilespmem:s17+$0xE850] =	vst v0;
	s17 =	sand.u32 $0xF80, s29;
	v21 =	vadd.s32 v21, v23  }
0x156: {  	[tilespmem:s21+$0xFFFFE000] =	vst v0;
	v49 =	vld [tilespmem:s17+$0x9830];
	v21 =	vadd.s32 v22, v21  }
0x157: {  	[tilespmem:s22+$0x9840] =	vst v0;
	v23 =	vld [tilespmem:s17+$0xA830];
	v21 =	vadd.s32 v28, v21  }
0x158: {  	[tilespmem:s22+$0xD840] =	vst v0;
	v22 =	vld [tilespmem:s17+$0xB830];
	v17 =	vadd.s32 v17, v21  }
0x159: {  	[tilespmem:s22+$0xF840] =	vst v0;
	v50 =	vld [tilespmem:s17+$0xC830];
	v17 =	vadd.s32 v47, v17  }
0x15a: {  	[tilespmem:s22+$0xA840] =	vst v0;
	v21 =	vld [tilespmem:s17+$0xD830];
	v25 =	vadd.s32 v45, v17  }
0x15b: {  	vm0 =	vmand @p1 vm2, vm3;
	v51 =	vld [tilespmem:s17+$0xE830];
	[tilespmem:s22+$0xB840] =	vst v0;
	v24 =	vadd.s32 v49, v25  }
0x15c: {  	s30 =	sadd.s32 $0x10, s16;
	v13 =	vsel @p1 vm0, v13, v16;
	v15 =	vsel @p1 vm0, s20, v15;
	v29 =	vld [tilespmem:s17+$0xF830];
	[tilespmem:s22+$0xC840] =	vst v0;
	v23 =	vadd.s32 v23, v24  }
0x15d: {  	v13 =	vpsel p1, v13, v12;
	v12 =	vpsel p1, v15, v12;
	v15 =	vld [tilespmem:s21+$0xFFFFF000];
	[tilespmem:s22+$0xE840] =	vst v0;
	s22 =	sand.u32 $0xF80, s30;
	v22 =	vadd.s32 v22, v23  }
0x15e: {  	[tilespmem:s23+$0xE870] =	vst v0;
	v53 =	vld [tilespmem:s22+$0x9820];
	v22 =	vadd.s32 v50, v22  }
0x15f: {  	[tilespmem:s31+$0x9810] =	vst v0;
	v23 =	vld [tilespmem:s22+$0xA820];
	v21 =	vadd.s32 v21, v22  }
0x160: {  	[tilespmem:s31+$0xA810] =	vst v0;
	v54 =	vld [tilespmem:s22+$0xB820];
	v21 =	vadd.s32 v51, v21  }
0x161: {  	vm1 =	vmor @p1 vm1, vm2;
	vm4 =	vmmov vm8;
	[tilespmem:s31+$0xD810] =	vst v0;
	v22 =	vld [tilespmem:s22+$0xC820];
	v21 =	vadd.s32 v29, v21  }
0x162: {  	vm4 =	vmmov @p1 vm1;
	[tilespmem:s21+$0xFFFFF000] =	vst v0;
	v55 =	vld [tilespmem:s22+$0xD820];
	v26 =	vadd.s32 v48, v21  }
0x163: {  	vm1 =	vmneg vm4;
	vm2 =	vgt.s32 v18, $0x1FF;
	[tilespmem:s17+$0x9830] =	vst v0;
	v56 =	vld [tilespmem:s22+$0xE820];
	v24 =	vadd.s32 v53, v26  }
0x164: {  	vm1 =	vmand vm2, vm1;
	vm2 =	vmor vm4, vm2;
	[tilespmem:s17+$0xC830] =	vst v0;
	v30 =	vld [tilespmem:s22+$0xF820];
	v23 =	vadd.s32 v23, v24  }
0x165: {  	vm3 =	vmneg vm2;
	[tilespmem:s17+$0xE830] =	vst v0;
	vm4 =	vgt.s32 v19, $0x1FF;
	v23 =	vadd.s32 v54, v23  }
0x166: {  	v13 =	vsel vm1, v14, v13;
	[tilespmem:s17+$0xF830] =	vst v0;
	vm3 =	vmand vm4, vm3;
	v22 =	vadd.s32 v22, v23  }
0x167: {  	v13 =	vsel vm3, v18, v13;
	v18 =	vld [tilespmem:s31+$0xE810];
	[tilespmem:s31+$0xE810] =	vst v0;
	v16 =	vadd.s32 v55, v22  }
0x168: {  	[tilespmem:s22+$0x9820] =	vst v0;
	v23 =	vld [tilespmem:s31+$0xB810];
	v16 =	vadd.s32 v56, v16  }
0x169: {  	[tilespmem:s22+$0xB820] =	vst v0;
	v16 =	vadd.s32 v30, v16  }
0x16a: {  	[tilespmem:s17+$0xA830] =	vst v0;
	v22 =	vld [tilespmem:s31+$0xC810];
	v14 =	vadd.s32 v52, v16  }
0x16b: {  	[tilespmem:s17+$0xB830] =	vst v0;
	v14 =	vadd.s32 v58, v14  }
0x16c: {  	vm0 =	vmor vm2, vm4;
	[tilespmem:s17+$0xD830] =	vst v0;
	s17 =	sadd.s32 @p1 $0xFFFFFFF8, s19;
	v14 =	vadd.s32 v59, v14  }
0x16d: {  	vm2 =	vmneg vm0;
	[tilespmem:s22+$0xD820] =	vst v0;
	vm4 =	vgt.s32 v20, $0x1FF;
	s15 =	smov.u32 @p1 s17;
	v14 =	vadd.s32 v23, v14;
	v23 =	vld [tilespmem:s31+$0xF810]  }
0x16e: {  	[tilespmem:s22+$0xE820] =	vst v0;
	vm2 =	vmand vm4, vm2;
	vm0 =	vmor vm0, vm4;
	s17 =	sadd.s32 $0x7, s15  }
0x16f: {  	[tilespmem:s22+$0xF820] =	vst v0;
	v13 =	vsel vm2, v19, v13;
	s24 =	sadd.s32 $0x6, s15;
	v12 =	vsel vm1, s17, v12;
	v14 =	vadd.s32 v22, v14  }
0x170: {  	s25 =	sadd.s32 $0x5, s15;
	vm1 =	vmneg vm0;
	v12 =	vsel vm3, s24, v12;
	[tilespmem:s22+$0xA820] =	vst v0;
	v14 =	vadd.s32 v61, v14  }
0x171: {  	v12 =	vsel vm2, s25, v12;
	vm2 =	vgt.s32 v17, $0x1FF;
	[tilespmem:s22+$0xC820] =	vst v0;
	v14 =	vadd.s32 v18, v14  }
0x172: {  	s26 =	sadd.s32 $0x4, s15;
	vm1 =	vmand vm2, vm1;
	vm0 =	vmor vm0, vm2;
	[tilespmem:s31+$0xB810] =	vst v0;
	v18 =	vld [tilespmem:s21+$0x0];
	v14 =	vadd.s32 v23, v14  }
0x173: {  	v19 =	vld [tilespmem:s21+$0x1000];
	v12 =	vsel vm1, s26, v12;
	v13 =	vsel vm1, v20, v13;
	[tilespmem:s21+$0x0] =	vst v0;
	v20 =	vadd.s32 v60, v14  }
0x174: {  	vm2 =	vmneg vm0;
	vm1 =	vgt.s32 v21, $0x1FF;
	[tilespmem:s31+$0xC810] =	vst v0;
	v22 =	vld [tilespmem:s18+$0x2000];
	v20 =	vadd.s32 v62, v20  }
0x175: {  	s28 =	sadd.s32 $0x3, s15;
	vm0 =	vmor vm0, vm1;
	vm1 =	vmand vm1, vm2;
	[tilespmem:s31+$0xF810] =	vst v0;
	v20 =	vadd.s32 v63, v20  }
0x176: {  	vm3 =	vmneg vm0;
	v12 =	vsel vm1, s28, v12;
	[tilespmem:s18+$0x1000] =	vst v0;
	v15 =	vadd.s32 v15, v20  }
0x177: {  	s29 =	simm.s32 $0x4840;
	v13 =	vsel vm1, v17, v13;
	vm2 =	vgt.s32 v16, $0x1FF;
	[tilespmem:s18+$0x2000] =	vst v0;
	v15 =	vadd.s32 v18, v15  }
0x178: {  	vm0 =	vmor vm0, vm2;
	vm2 =	vmand vm2, vm3;
	v18 =	vld [tilespmem:s29+$0xFFFFFFC0];
	v15 =	vadd.s32 v19, v15  }
0x179: {  	s30 =	sadd.s32 $0x2, s15;
	vm3 =	vmneg vm0;
	vm4 =	vgt.s32 v14, $0x1FF;
	v15 =	vadd.s32 v22, v15  }
0x17a: {  	v12 =	vsel vm2, s30, v12;
	vm0 =	vmor vm0, vm4;
	v19 =	vld [tilespmem:s29+$0xFFFFFFF0];
	v15 =	vadd.s32 v57, v15  }
0x17b: {  	s31 =	sadd.s32 $0x1, s15;
	vm3 =	vmand vm4, vm3;
	vm0 =	vmneg vm0;
	vm1 =	vgt.s32 v15, $0x1FF  }
0x17c: {  	v12 =	vsel vm3, s31, v12;
	v15 =	vld [tilespmem:s29+$0x30];
	vm0 =	vmand vm1, vm0  }
0x17d: {  	v17 =	vsel vm2, v21, v13;
	v13 =	vsel vm0, s15, v12;
	v12 =	vshrl.u32 v18, $0x18  }
0x17e: {  	v16 =	vsel vm3, v16, v17;
	v20 =	vld [tilespmem:s29+$0xFFFFFFE0];
	v18 =	vshrl.u32 v18, $0xC;
	vm1 =	veq.s32 v12, v13  }
0x17f: {  	v17 =	vand.u32 $0xFF0, v18;
	v18 =	vld [tilespmem:s29+$0x0];
	v12 =	vsel vm0, v14, v16;
	v14 =	vshrl.u32 v19, $0xC  }
0x180: {  	p1 =	por $0x1, $0x1;
	v16 =	vshrl.u32 v19, $0x18;
	v21 =	vor.u32 v2, v17;
	v17 =	vand.u32 $0xFF0, v14  }
.Ltmp7:
0x181: {  	v14 =	vld [tilespmem:s29+$0x20];
	vm2 =	veq.s32 v16, v13;
	v19 =	vshrl.u32 v15, $0xC;
	v16 =	vshrl.u32 v15, $0x18;
	(pc) =	sbr.rel @!p1 .LBB2_14-.Ltmp7, $4  }
0x182: {  	v15 =	vld [tilespmem:s29+$0xFFFFFFD0];
	v17 =	vor.u32 v6, v17;
	v22 =	vand.u32 $0xFF0, v19;
	vm3 =	veq.s32 v16, v13  }
0x183: {  	v16 =	vor.u32 v10, v22  }
0x184: {  	v19 =	vshrl.u32 v20, $0xC;
	v22 =	vshrl.u32 v18, $0x18;
	v23 =	vshrl.u32 v18, $0xC;
	v18 =	vld [tilespmem:s29+$0x10]  }
0x185: {  	s15 =	simm.s32 $0x48C0;
	v20 =	vshrl.u32 v20, $0x18;
	[tilespmem:v21+s9+$0x0] =	vst.idx.add.s32.msk vm1, v3;
	vm1 =	veq.s32 v22, v13;
	v21 =	vand.u32 $0xFF0, v23  }
.LBB2_13:
0x186: {  	v22 =	vld [tilespmem:s15+$0xFFFFFFF0];
	s14 =	sadd.s32 $0x8, s14;
	vm0 =	veq.s32 v20, v13;
	v19 =	vand.u32 $0xFF0, v19;
	v20 =	vor.u32 v7, v21  }
0x187: {  	v21 =	vshrl.u32 v15, $0x18;
	p1 =	slt.u32 s14, $0x3F8;
	v19 =	vor.u32 v5, v19;
	[tilespmem:v17+s9+$0x0] =	vst.idx.add.s32.msk vm2, v3;
	v17 =	vshrl.u32 v14, $0x18  }
0x188: {  	vm5 =	veq.s32 v21, v13;
	v14 =	vshrl.u32 v14, $0xC;
	vm4 =	veq.s32 v17, v13;
	[tilespmem:v16+s9+$0x0] =	vst.idx.add.s32.msk vm3, v3  }
0x189: {  	v15 =	vshrl.u32 v15, $0xC;
	v14 =	vand.u32 $0xFF0, v14;
	v16 =	vld [tilespmem:s15+$0xFFFFFFC0];
	v17 =	vshrl.u32 v18, $0xC  }
0x18a: {  	v15 =	vand.u32 $0xFF0, v15;
	v18 =	vshrl.u32 v18, $0x18;
	v23 =	vor.u32 v9, v14;
	v21 =	vld [tilespmem:s15+$0x30]  }
0x18b: {  	vm6 =	veq.s32 v18, v13;
	v17 =	vand.u32 $0xFF0, v17;
	v24 =	vshrl.u32 v22, $0xC;
	v14 =	vld [tilespmem:s15+$0x20]  }
0x18c: {  	v25 =	vor.u32 v4, v15;
	v26 =	vor.u32 v8, v17;
	v18 =	vld [tilespmem:s15+$0xFFFFFFE0]  }
0x18d: {  	[tilespmem:v19+s9+$0x0] =	vst.idx.add.s32.msk vm0, v3  }
0x18e: {  	v15 =	vshrl.u32 v16, $0x18;
	v16 =	vshrl.u32 v16, $0xC;
	[tilespmem:v20+s9+$0x0] =	vst.idx.add.s32.msk vm1, v3  }
0x18f: {  	vm0 =	veq.s32 v15, v13;
	v15 =	vand.u32 $0xFF0, v16;
	v16 =	vshrl.u32 v22, $0x18;
	v22 =	vld [tilespmem:s15+$0x0]  }
0x190: {  	v17 =	vand.u32 $0xFF0, v24;
	v19 =	vshrl.u32 v21, $0xC;
	v27 =	vor.u32 v2, v15;
	v15 =	vld [tilespmem:s15+$0xFFFFFFD0]  }
.Ltmp8:
0x191: {  	vm2 =	veq.s32 v16, v13;
	v16 =	vshrl.u32 v21, $0x18;
	v20 =	vand.u32 $0xFF0, v19;
	[tilespmem:v25+s9+$0x0] =	vst.idx.add.s32.msk vm5, v3;
	(pc) =	sbr.rel @p1 .LBB2_13-.Ltmp8, $4  }
0x192: {  	v17 =	vor.u32 v6, v17;
	vm3 =	veq.s32 v16, v13;
	[tilespmem:v23+s9+$0x0] =	vst.idx.add.s32.msk vm4, v3  }
0x193: {  	v19 =	vshrl.u32 v18, $0xC;
	v16 =	vor.u32 v10, v20;
	[tilespmem:v26+s9+$0x0] =	vst.idx.add.s32.msk vm6, v3  }
0x194: {  	v20 =	vshrl.u32 v18, $0x18;
	v21 =	vshrl.u32 v22, $0x18;
	v22 =	vshrl.u32 v22, $0xC;
	v18 =	vld [tilespmem:s15+$0x10]  }
0x195: {  	s15 =	sadd.s32 $0x80, s15;
	[tilespmem:v27+s9+$0x0] =	vst.idx.add.s32.msk vm0, v3;
	vm1 =	veq.s32 v21, v13;
	v21 =	vand.u32 $0xFF0, v22  }
.LBB2_14:
0x196: {  	vm0 =	veq.s32 v20, v13;
	v19 =	vand.u32 $0xFF0, v19;
	v20 =	vor.u32 v7, v21  }
0x197: {  	v22 =	vshrl.u32 v14, $0x18;
	v14 =	vshrl.u32 v14, $0xC;
	v21 =	vshrl.u32 v15, $0x18  }
0x198: {  	v19 =	vor.u32 v5, v19;
	vm5 =	veq.s32 v22, v13;
	v15 =	vshrl.u32 v15, $0xC  }
0x199: {  	v14 =	vand.u32 $0xFF0, v14;
	vm4 =	veq.s32 v21, v13;
	v15 =	vand.u32 $0xFF0, v15  }
0x19a: {  	v14 =	vor.u32 v9, v14;
	v21 =	vshrl.u32 v18, $0xC;
	v18 =	vshrl.u32 v18, $0x18  }
0x19b: {  	[tilespmem:v17+s9+$0x0] =	vst.idx.add.s32.msk vm2, v3;
	v15 =	vor.u32 v4, v15;
	vm2 =	veq.s32 v18, v13;
	v17 =	vand.u32 $0xFF0, v21  }
0x19c: {  	[tilespmem:v16+s9+$0x0] =	vst.idx.add.s32.msk vm3, v3;
	v16 =	vor.u32 v8, v17  }
0x19d: {  	[tilespmem:v20+s9+$0x0] =	vst.idx.add.s32.msk vm1, v3  }
0x19e: {  	[tilespmem:v19+s9+$0x0] =	vst.idx.add.s32.msk vm0, v3  }
0x19f: {  	[tilespmem:v14+s9+$0x0] =	vst.idx.add.s32.msk vm5, v3  }
0x1a0: {  	[tilespmem:v15+s9+$0x0] =	vst.idx.add.s32.msk vm4, v3  }
0x1a1: {  	s16 =	simm.s32 $0xD780;
	[tilespmem:v16+s9+$0x0] =	vst.idx.add.s32.msk vm2, v3  }
0x1a2: {  	v15 =	vld [tilespmem:s16+$0xFFFFC070]  }
0x1a3: {  	v21 =	vld [tilespmem:s16+$0xFFFFC060]  }
0x1a4: {  	s14 =	simm.s32 $0xFF0;
	v23 =	vld [tilespmem:s16+$0xFFFFC050]  }
0x1a5: {  	s14 =	sand.u32 $0xF80, s14;
	[tilespmem:s16+$0xFFFFC070] =	vst v0;
	v25 =	vld [tilespmem:s16+$0xFFFFC030]  }
0x1a6: {  	v16 =	vld [tilespmem:s14+$0x9870]  }
0x1a7: {  	[tilespmem:s16+$0xFFFFC060] =	vst v0;
	v17 =	vld [tilespmem:s14+$0xA870]  }
0x1a8: {  	[tilespmem:s16+$0xFFFFC050] =	vst v0;
	v18 =	vld [tilespmem:s14+$0xB870]  }
0x1a9: {  	v14 =	vimm.s32 $0x0;
	[tilespmem:s16+$0xFFFFC030] =	vst v0;
	v19 =	vld [tilespmem:s14+$0xC870]  }
0x1aa: {  	[tilespmem:s14+$0x9870] =	vst v0;
	v20 =	vld [tilespmem:s14+$0xD870];
	v15 =	vadd.s32 v14, v15  }
0x1ab: {  	s17 =	simm.s32 $0xFD0;
	[tilespmem:s14+$0xA870] =	vst v0;
	v22 =	vld [tilespmem:s14+$0xE870];
	v15 =	vadd.s32 v16, v15  }
0x1ac: {  	s15 =	simm.s32 $0xFE0;
	s17 =	sand.u32 $0xF80, s17;
	[tilespmem:s14+$0xB870] =	vst v0;
	v16 =	vld [tilespmem:s14+$0xF870];
	v15 =	vadd.s32 v17, v15  }
0x1ad: {  	s15 =	sand.u32 $0xF80, s15;
	[tilespmem:s14+$0xC870] =	vst v0;
	v24 =	vld [tilespmem:s17+$0xE850];
	v15 =	vadd.s32 v18, v15  }
0x1ae: {  	[tilespmem:s17+$0xE850] =	vst v0;
	v17 =	vld [tilespmem:s15+$0x9860];
	v15 =	vadd.s32 v19, v15  }
0x1af: {  	[tilespmem:s15+$0x9860] =	vst v0;
	v18 =	vld [tilespmem:s15+$0xA860];
	v15 =	vadd.s32 v20, v15  }
0x1b0: {  	[tilespmem:s15+$0xA860] =	vst v0;
	v19 =	vld [tilespmem:s15+$0xB860];
	v15 =	vadd.s32 v22, v15  }
0x1b1: {  	[tilespmem:s15+$0xB860] =	vst v0;
	v20 =	vld [tilespmem:s15+$0xC860];
	v15 =	vadd.s32 v16, v15  }
0x1b2: {  	[tilespmem:s15+$0xC860] =	vst v0;
	v22 =	vld [tilespmem:s15+$0xD860];
	v21 =	vadd.s32 v21, v15  }
0x1b3: {  	[tilespmem:s15+$0xD860] =	vst v0;
	v16 =	vld [tilespmem:s15+$0xE860];
	v17 =	vadd.s32 v17, v21  }
0x1b4: {  	[tilespmem:s15+$0xE860] =	vst v0;
	v21 =	vld [tilespmem:s15+$0xF860];
	v17 =	vadd.s32 v18, v17  }
0x1b5: {  	[tilespmem:s15+$0xF860] =	vst v0;
	v18 =	vld [tilespmem:s17+$0x9850];
	v17 =	vadd.s32 v19, v17  }
0x1b6: {  	[tilespmem:s17+$0x9850] =	vst v0;
	v19 =	vld [tilespmem:s17+$0xA850];
	v17 =	vadd.s32 v20, v17  }
0x1b7: {  	[tilespmem:s17+$0xA850] =	vst v0;
	v20 =	vld [tilespmem:s17+$0xB850];
	v17 =	vadd.s32 v22, v17  }
0x1b8: {  	[tilespmem:s17+$0xB850] =	vst v0;
	v22 =	vld [tilespmem:s17+$0xC850];
	v16 =	vadd.s32 v16, v17  }
0x1b9: {  	[tilespmem:s17+$0xC850] =	vst v0;
	v17 =	vld [tilespmem:s16+$0xFFFFC040];
	v16 =	vadd.s32 v21, v16  }
0x1ba: {  	s21 =	simm.s32 $0xFB0;
	v21 =	vld [tilespmem:s17+$0xD850];
	[tilespmem:s17+$0xD850] =	vst v0;
	v23 =	vadd.s32 v23, v16  }
0x1bb: {  	s20 =	simm.s32 $0xFC0;
	v18 =	vadd.s32 v18, v23;
	v23 =	vld [tilespmem:s17+$0xF850];
	[tilespmem:s17+$0xF850] =	vst v0;
	s17 =	sand.u32 $0xF80, s21  }
0x1bc: {  	s15 =	sand.u32 $0xF80, s20;
	[tilespmem:s16+$0xFFFFC040] =	vst v0;
	v18 =	vadd.s32 v19, v18;
	v26 =	vld [tilespmem:s17+$0xE830]  }
0x1bd: {  	[tilespmem:s14+$0xD870] =	vst v0;
	v18 =	vadd.s32 v20, v18;
	v20 =	vld [tilespmem:s15+$0x9840]  }
0x1be: {  	[tilespmem:s15+$0x9840] =	vst v0;
	v18 =	vadd.s32 v22, v18;
	v22 =	vld [tilespmem:s15+$0xA840]  }
0x1bf: {  	[tilespmem:s15+$0xA840] =	vst v0;
	v18 =	vadd.s32 v21, v18;
	v21 =	vld [tilespmem:s15+$0xB840]  }
0x1c0: {  	[tilespmem:s15+$0xB840] =	vst v0;
	v18 =	vadd.s32 v24, v18;
	v24 =	vld [tilespmem:s15+$0xC840]  }
0x1c1: {  	v12 =	vsub.s32 $0x200, v12;
	[tilespmem:s15+$0xC840] =	vst v0;
	v19 =	vadd.s32 v23, v18;
	v18 =	vld [tilespmem:s15+$0xD840]  }
0x1c2: {  	vm0 =	vge.s32 v15, v12;
	v23 =	vld [tilespmem:s15+$0xE840];
	[tilespmem:s15+$0xD840] =	vst v0;
	v17 =	vadd.s32 v17, v19  }
0x1c3: {  	vm1 =	vmor vm8, vm0;
	[tilespmem:s15+$0xE840] =	vst v0;
	v17 =	vadd.s32 v20, v17;
	v20 =	vld [tilespmem:s15+$0xF840]  }
0x1c4: {  	s22 =	simm.s32 $0xFA0;
	vm2 =	vmneg vm1;
	vm3 =	vge.s32 v16, v12;
	[tilespmem:s15+$0xF840] =	vst v0;
	v17 =	vadd.s32 v22, v17;
	v22 =	vld [tilespmem:s16+$0xFFFFC020]  }
0x1c5: {  	vm2 =	vmand vm3, vm2;
	s15 =	sand.u32 $0xF80, s22;
	[tilespmem:s16+$0xFFFFC020] =	vst v0;
	v17 =	vadd.s32 v21, v17;
	v21 =	vld [tilespmem:s17+$0x9830]  }
0x1c6: {  	[tilespmem:s14+$0xF870] =	vst v0;
	vm3 =	vmor vm1, vm3;
	vm1 =	vmneg vm8;
	v27 =	vld [tilespmem:s15+$0xE820];
	v17 =	vadd.s32 v24, v17  }
0x1c7: {  	s24 =	simm.s32 $0xFF;
	[tilespmem:s17+$0xE830] =	vst v0;
	vm4 =	vmneg vm3;
	vm0 =	vmand vm0, vm1;
	v24 =	vld [tilespmem:s17+$0xA830];
	v17 =	vadd.s32 v18, v17  }
0x1c8: {  	v29 =	vsel vm0, v14, v14;
	v14 =	vsel vm0, s24, v14;
	[tilespmem:s17+$0x9830] =	vst v0;
	v18 =	vld [tilespmem:s17+$0xB830];
	v17 =	vadd.s32 v23, v17  }
0x1c9: {  	v15 =	vsel vm2, v15, v29;
	vm5 =	vge.s32 v19, v12;
	[tilespmem:s15+$0xE820] =	vst v0;
	v23 =	vld [tilespmem:s17+$0xC830];
	v17 =	vadd.s32 v20, v17  }
0x1ca: {  	vm4 =	vmand vm5, vm4;
	vm3 =	vmor vm3, vm5;
	[tilespmem:s17+$0xA830] =	vst v0;
	v20 =	vld [tilespmem:s17+$0xD830];
	v25 =	vadd.s32 v25, v17  }
0x1cb: {  	vm5 =	vmneg vm3;
	[tilespmem:s17+$0xB830] =	vst v0;
	vm6 =	vge.s32 v17, v12;
	v21 =	vadd.s32 v21, v25;
	v25 =	vld [tilespmem:s17+$0xF830]  }
0x1cc: {  	v16 =	vsel vm4, v16, v15;
	[tilespmem:s17+$0xC830] =	vst v0;
	vm0 =	vmand vm6, vm5;
	v21 =	vadd.s32 v24, v21;
	v24 =	vld [tilespmem:s16+$0xFFFFC010]  }
0x1cd: {  	[tilespmem:s17+$0xD830] =	vst v0;
	v19 =	vsel vm0, v19, v16;
	v16 =	vld [tilespmem:s16+$0x1000];
	v18 =	vadd.s32 v18, v21  }
0x1ce: {  	[tilespmem:s17+$0xF830] =	vst v0;
	v21 =	vld [tilespmem:s15+$0x9820];
	v18 =	vadd.s32 v23, v18  }
0x1cf: {  	[tilespmem:s15+$0x9820] =	vst v0;
	v23 =	vld [tilespmem:s15+$0xA820];
	v18 =	vadd.s32 v20, v18  }
0x1d0: {  	s25 =	simm.s32 $0xFE;
	[tilespmem:s15+$0xA820] =	vst v0;
	v20 =	vld [tilespmem:s15+$0xB820];
	v18 =	vadd.s32 v26, v18  }
0x1d1: {  	s26 =	simm.s32 $0xFD;
	v14 =	vsel vm2, s25, v14;
	[tilespmem:s15+$0xB820] =	vst v0;
	v26 =	vld [tilespmem:s15+$0xC820];
	v18 =	vadd.s32 v25, v18  }
0x1d2: {  	v14 =	vsel vm4, s26, v14;
	vm2 =	vmor vm3, vm6;
	[tilespmem:s15+$0xC820] =	vst v0;
	v25 =	vld [tilespmem:s15+$0xD820];
	v22 =	vadd.s32 v22, v18  }
0x1d3: {  	vm3 =	vmneg vm2;
	[tilespmem:s15+$0xD820] =	vst v0;
	vm4 =	vge.s32 v18, v12;
	v21 =	vadd.s32 v21, v22;
	v22 =	vld [tilespmem:s15+$0xF820]  }
0x1d4: {  	s23 =	simm.s32 $0xF90;
	[tilespmem:s15+$0xF820] =	vst v0;
	s15 =	simm.s32 $0xD700;
	vm3 =	vmand vm4, vm3;
	v21 =	vadd.s32 v23, v21;
	v23 =	vld [tilespmem:s16+$0x3000]  }
0x1d5: {  	s17 =	sand.u32 $0xF80, s23;
	[tilespmem:s16+$0xFFFFC010] =	vst v0;
	v17 =	vsel vm3, v17, v19;
	v19 =	vld [tilespmem:s15+$0xFFFFC060];
	v20 =	vadd.s32 v20, v21  }
0x1d6: {  	[tilespmem:s16+$0x1000] =	vst v0;
	v21 =	vld [tilespmem:s17+$0x9810];
	v20 =	vadd.s32 v26, v20  }
0x1d7: {  	[tilespmem:s16+$0x3000] =	vst v0;
	v26 =	vld [tilespmem:s17+$0xA810];
	v20 =	vadd.s32 v25, v20  }
0x1d8: {  	[tilespmem:s15+$0xFFFFC060] =	vst v0;
	v25 =	vld [tilespmem:s17+$0xB810];
	v20 =	vadd.s32 v27, v20  }
0x1d9: {  	[tilespmem:s17+$0x9810] =	vst v0;
	v27 =	vld [tilespmem:s17+$0xC810];
	v28 =	vadd.s32 v22, v20  }
0x1da: {  	[tilespmem:s17+$0xA810] =	vst v0;
	v20 =	vld [tilespmem:s17+$0xD810];
	v22 =	vadd.s32 v24, v28  }
0x1db: {  	[tilespmem:s17+$0xB810] =	vst v0;
	v24 =	vld [tilespmem:s17+$0xE810];
	v21 =	vadd.s32 v21, v22  }
0x1dc: {  	[tilespmem:s17+$0xC810] =	vst v0;
	v22 =	vld [tilespmem:s17+$0xF810];
	v21 =	vadd.s32 v26, v21  }
0x1dd: {  	[tilespmem:s17+$0xD810] =	vst v0;
	v26 =	vld [tilespmem:s16+$0xFFFFC000];
	v21 =	vadd.s32 v25, v21  }
0x1de: {  	[tilespmem:s17+$0xE810] =	vst v0;
	v25 =	vld [tilespmem:s16+$0xFFFFD000];
	v21 =	vadd.s32 v27, v21  }
0x1df: {  	[tilespmem:s17+$0xF810] =	vst v0;
	v27 =	vld [tilespmem:s16+$0xFFFFE000];
	v15 =	vadd.s32 v20, v21  }
0x1e0: {  	[tilespmem:s16+$0xFFFFC000] =	vst v0;
	v20 =	vld [tilespmem:s16+$0xFFFFF000];
	v15 =	vadd.s32 v24, v15  }
0x1e1: {  	[tilespmem:s16+$0xFFFFD000] =	vst v0;
	v21 =	vld [tilespmem:s16+$0x0];
	v15 =	vadd.s32 v22, v15  }
0x1e2: {  	s28 =	simm.s32 $0xFC;
	vm5 =	vmor vm2, vm4;
	vm6 =	vge.s32 v28, v12;
	[tilespmem:s16+$0xFFFFE000] =	vst v0;
	v22 =	vadd.s32 v26, v15  }
0x1e3: {  	v14 =	vsel vm0, s28, v14;
	vm2 =	vmor vm5, vm6;
	[tilespmem:s16+$0xFFFFF000] =	vst v0;
	v26 =	vld [tilespmem:s16+$0x2000];
	v22 =	vadd.s32 v25, v22  }
0x1e4: {  	s18 =	simm.s32 $0xF70;
	vm0 =	vmneg vm2;
	[tilespmem:s16+$0x0] =	vst v0;
	vm4 =	vge.s32 v15, v12;
	v22 =	vadd.s32 v27, v22  }
0x1e5: {  	s20 =	sand.u32 $0xF80, s18;
	v24 =	vld [tilespmem:s15+$0xFFFFC070];
	[tilespmem:s15+$0xFFFFC070] =	vst v0;
	vm0 =	vmand vm4, vm0;
	v22 =	vadd.s32 v20, v22  }
0x1e6: {  	s29 =	simm.s32 $0xFB;
	[tilespmem:s16+$0x2000] =	vst v0;
	v25 =	vld [tilespmem:s20+$0x9870];
	vm2 =	vmor vm2, vm4;
	vm4 =	vmneg vm5;
	v22 =	vadd.s32 v21, v22  }
0x1e7: {  	s30 =	simm.s32 $0xFA;
	v14 =	vsel vm3, s29, v14;
	[tilespmem:s20+$0x9870] =	vst v0;
	vm4 =	vmand vm6, vm4;
	v20 =	vld [tilespmem:s20+$0xA870];
	v16 =	vadd.s32 v16, v22  }
0x1e8: {  	s31 =	simm.s32 $0xF9;
	[tilespmem:s20+$0xA870] =	vst v0;
	v14 =	vsel vm4, s30, v14;
	v21 =	vld [tilespmem:s20+$0xB870];
	v26 =	vadd.s32 v26, v16  }
0x1e9: {  	vm5 =	vmneg vm2;
	[tilespmem:s20+$0xB870] =	vst v0;
	v22 =	vld [tilespmem:s20+$0xC870];
	v16 =	vsel vm0, s31, v14;
	v14 =	vadd.s32 v23, v26  }
0x1ea: {  	s19 =	simm.s32 $0x8;
	s18 =	simm.s32 $0xF10;
	v17 =	vsel vm4, v18, v17;
	[tilespmem:s20+$0xC870] =	vst v0;
	v23 =	vld [tilespmem:s20+$0xD870];
	v24 =	vadd.s32 v14, v24;
	vm4 =	vge.s32 v14, v12  }
0x1eb: {  	s21 =	simm.s32 $0xF60;
	s17 =	simm.s32 $0xF8;
	s16 =	simm.s32 $0xD700;
	v18 =	vld [tilespmem:s20+$0xE870];
	v17 =	vsel vm0, v28, v17;
	[tilespmem:s20+$0xD870] =	vst v0;
	v24 =	vadd.s32 v25, v24;
	vm3 =	vmand vm4, vm5  }
.LBB2_15:
0x1ec: {  	s19 =	sadd.s32 $0x8, s19;
	v25 =	vld [tilespmem:s20+$0xF870];
	v20 =	vadd.s32 v20, v24;
	s21 =	sand.u32 $0xF80, s21;
	[tilespmem:s14+$0xE870] =	vst v0;
	v16 =	vsel vm3, s17, v16;
	v15 =	vsel vm3, v15, v17;
	s17 =	sadd.s32 $0xFFFFFFF8, s17  }
0x1ed: {  	vm2 =	vmor vm2, vm4;
	s14 =	smov.u32 s20;
	p1 =	slt.u32 s19, $0xF8;
	[tilespmem:s20+$0xF870] =	vst v0;
	v17 =	vadd.s32 v21, v20;
	v20 =	vld [tilespmem:s21+$0x9860]  }
0x1ee: {  	v17 =	vadd.s32 v22, v17;
	[tilespmem:s21+$0x9860] =	vst v0;
	v21 =	vld [tilespmem:s21+$0xA860]  }
0x1ef: {  	v17 =	vadd.s32 v23, v17;
	[tilespmem:s21+$0xA860] =	vst v0;
	v22 =	vld [tilespmem:s21+$0xB860]  }
0x1f0: {  	v17 =	vadd.s32 v18, v17;
	[tilespmem:s21+$0xB860] =	vst v0;
	v18 =	vld [tilespmem:s21+$0xC860]  }
0x1f1: {  	v17 =	vadd.s32 v25, v17;
	[tilespmem:s21+$0xC860] =	vst v0;
	v23 =	vld [tilespmem:s21+$0xD860]  }
0x1f2: {  	vm3 =	vge.s32 v17, v12;
	[tilespmem:s21+$0xD860] =	vst v0;
	v24 =	vld [tilespmem:s21+$0xE860];
	v19 =	vadd.s32 v19, v17  }
0x1f3: {  	s20 =	sadd.s32 $0x40, s18;
	[tilespmem:s21+$0xE860] =	vst v0;
	v19 =	vadd.s32 v20, v19;
	v20 =	vld [tilespmem:s15+$0xFFFFC050]  }
0x1f4: {  	s20 =	sand.u32 $0xF80, s20;
	v25 =	vld [tilespmem:s21+$0xF860];
	v19 =	vadd.s32 v21, v19;
	[tilespmem:s15+$0xFFFFC050] =	vst v0  }
0x1f5: {  	[tilespmem:s21+$0xF860] =	vst v0;
	v19 =	vadd.s32 v22, v19;
	v21 =	vld [tilespmem:s20+$0x9850]  }
0x1f6: {  	v18 =	vadd.s32 v18, v19;
	[tilespmem:s20+$0x9850] =	vst v0;
	v19 =	vld [tilespmem:s20+$0xA850]  }
0x1f7: {  	v18 =	vadd.s32 v23, v18;
	[tilespmem:s20+$0xA850] =	vst v0;
	v22 =	vld [tilespmem:s20+$0xB850]  }
0x1f8: {  	v18 =	vadd.s32 v24, v18;
	[tilespmem:s20+$0xB850] =	vst v0;
	v23 =	vld [tilespmem:s20+$0xC850]  }
0x1f9: {  	vm0 =	vmor vm2, vm3;
	v18 =	vadd.s32 v25, v18;
	[tilespmem:s20+$0xC850] =	vst v0;
	v24 =	vld [tilespmem:s15+$0xFFFFC040]  }
0x1fa: {  	vm4 =	vmneg vm0;
	vm5 =	vge.s32 v18, v12;
	v25 =	vld [tilespmem:s20+$0xD850];
	v20 =	vadd.s32 v20, v18;
	[tilespmem:s15+$0xFFFFC040] =	vst v0  }
0x1fb: {  	vm4 =	vmand vm5, vm4;
	vm6 =	vmor vm0, vm5;
	[tilespmem:s20+$0xD850] =	vst v0;
	v26 =	vld [tilespmem:s20+$0xE850];
	v20 =	vadd.s32 v21, v20  }
0x1fc: {  	s21 =	sadd.s32 $0x30, s18;
	[tilespmem:s20+$0xE850] =	vst v0;
	v21 =	vld [tilespmem:s20+$0xF850];
	v19 =	vadd.s32 v19, v20;
	vm5 =	vmneg vm6  }
0x1fd: {  	[tilespmem:s20+$0xF850] =	vst v0;
	v19 =	vadd.s32 v22, v19;
	s20 =	sand.u32 $0xF80, s21;
	v20 =	vld [tilespmem:s15+$0xFFFFC030]  }
0x1fe: {  	v19 =	vadd.s32 v23, v19;
	v22 =	vld [tilespmem:s20+$0x9840];
	[tilespmem:s15+$0xFFFFC030] =	vst v0  }
0x1ff: {  	v19 =	vadd.s32 v25, v19;
	[tilespmem:s20+$0x9840] =	vst v0;
	v23 =	vld [tilespmem:s20+$0xA840]  }
0x200: {  	vm0 =	vmneg vm2;
	v19 =	vadd.s32 v26, v19;
	[tilespmem:s20+$0xA840] =	vst v0;
	v25 =	vld [tilespmem:s20+$0xB840]  }
0x201: {  	vm0 =	vmand vm3, vm0;
	s21 =	sadd.s32 $0x7, s17;
	v19 =	vadd.s32 v21, v19;
	[tilespmem:s20+$0xB840] =	vst v0;
	v21 =	vld [tilespmem:s20+$0xC840]  }
0x202: {  	v16 =	vsel vm0, s21, v16;
	vm3 =	vge.s32 v19, v12;
	[tilespmem:s20+$0xC840] =	vst v0;
	v26 =	vld [tilespmem:s20+$0xD840];
	v24 =	vadd.s32 v24, v19  }
0x203: {  	v14 =	vsel vm0, v14, v15;
	s21 =	sadd.s32 $0x6, s17;
	vm2 =	vmor vm6, vm3;
	[tilespmem:s20+$0xD840] =	vst v0;
	v15 =	vld [tilespmem:s20+$0xE840];
	v22 =	vadd.s32 v22, v24  }
0x204: {  	v16 =	vsel vm4, s21, v16;
	s21 =	sadd.s32 $0x20, s18;
	[tilespmem:s20+$0xE840] =	vst v0;
	v24 =	vld [tilespmem:s20+$0xF840];
	v22 =	vadd.s32 v23, v22;
	vm0 =	vmneg vm2  }
0x205: {  	s22 =	sadd.s32 $0x5, s17;
	v14 =	vsel vm4, v17, v14;
	vm3 =	vmand vm3, vm5;
	[tilespmem:s20+$0xF840] =	vst v0;
	v17 =	vadd.s32 v25, v22;
	s20 =	sand.u32 $0xF80, s21;
	v22 =	vld [tilespmem:s15+$0xFFFFC020]  }
0x206: {  	v16 =	vsel vm3, s22, v16;
	v18 =	vsel vm3, v18, v14;
	v14 =	vadd.s32 v21, v17;
	v17 =	vld [tilespmem:s20+$0x9830];
	[tilespmem:s15+$0xFFFFC020] =	vst v0  }
0x207: {  	v14 =	vadd.s32 v26, v14;
	[tilespmem:s20+$0x9830] =	vst v0;
	v21 =	vld [tilespmem:s20+$0xA830]  }
0x208: {  	v14 =	vadd.s32 v15, v14;
	[tilespmem:s20+$0xA830] =	vst v0;
	v15 =	vld [tilespmem:s20+$0xB830]  }
0x209: {  	v14 =	vadd.s32 v24, v14;
	[tilespmem:s20+$0xB830] =	vst v0;
	v23 =	vld [tilespmem:s20+$0xC830]  }
0x20a: {  	vm3 =	vge.s32 v14, v12;
	[tilespmem:s20+$0xC830] =	vst v0;
	v24 =	vld [tilespmem:s20+$0xD830];
	v20 =	vadd.s32 v20, v14  }
0x20b: {  	vm4 =	vmand vm3, vm0;
	vm2 =	vmor vm2, vm3;
	[tilespmem:s20+$0xD830] =	vst v0;
	v25 =	vld [tilespmem:s20+$0xE830];
	v20 =	vadd.s32 v17, v20  }
0x20c: {  	s21 =	sadd.s32 $0x10, s18;
	v17 =	vsel vm4, v19, v18;
	[tilespmem:s20+$0xE830] =	vst v0;
	v18 =	vld [tilespmem:s20+$0xF830];
	v19 =	vadd.s32 v21, v20;
	vm0 =	vmneg vm2  }
0x20d: {  	[tilespmem:s20+$0xF830] =	vst v0;
	v15 =	vadd.s32 v15, v19;
	s20 =	sand.u32 $0xF80, s21;
	v19 =	vld [tilespmem:s15+$0xFFFFC010]  }
0x20e: {  	v15 =	vadd.s32 v23, v15;
	v20 =	vld [tilespmem:s20+$0x9820];
	[tilespmem:s15+$0xFFFFC010] =	vst v0  }
0x20f: {  	v15 =	vadd.s32 v24, v15;
	[tilespmem:s20+$0x9820] =	vst v0;
	v21 =	vld [tilespmem:s20+$0xA820]  }
0x210: {  	v15 =	vadd.s32 v25, v15;
	[tilespmem:s20+$0xA820] =	vst v0;
	v23 =	vld [tilespmem:s20+$0xB820]  }
0x211: {  	v18 =	vadd.s32 v18, v15;
	[tilespmem:s20+$0xB820] =	vst v0;
	v15 =	vld [tilespmem:s20+$0xC820]  }
0x212: {  	vm5 =	vge.s32 v18, v12;
	[tilespmem:s20+$0xC820] =	vst v0;
	v24 =	vld [tilespmem:s20+$0xD820];
	v22 =	vadd.s32 v22, v18  }
0x213: {  	vm3 =	vmand vm5, vm0;
	[tilespmem:s20+$0xD820] =	vst v0;
	v25 =	vld [tilespmem:s20+$0xE820];
	v20 =	vadd.s32 v20, v22  }
0x214: {  	[tilespmem:s20+$0xE820] =	vst v0;
	v22 =	vld [tilespmem:s20+$0xF820];
	v20 =	vadd.s32 v21, v20  }
0x215: {  	[tilespmem:s20+$0xF820] =	vst v0;
	v20 =	vadd.s32 v23, v20;
	s20 =	sand.u32 $0xF80, s18;
	v23 =	vld [tilespmem:s15+$0x3000]  }
0x216: {  	v15 =	vadd.s32 v15, v20;
	v20 =	vld [tilespmem:s20+$0x9810];
	[tilespmem:s15+$0x3000] =	vst v0  }
0x217: {  	v15 =	vadd.s32 v24, v15;
	[tilespmem:s20+$0x9810] =	vst v0;
	v21 =	vld [tilespmem:s20+$0xA810]  }
0x218: {  	v15 =	vadd.s32 v25, v15;
	[tilespmem:s20+$0xA810] =	vst v0;
	v24 =	vld [tilespmem:s20+$0xB810]  }
0x219: {  	v25 =	vadd.s32 v22, v15;
	[tilespmem:s20+$0xB810] =	vst v0;
	v15 =	vld [tilespmem:s20+$0xC810]  }
0x21a: {  	[tilespmem:s20+$0xC810] =	vst v0;
	v22 =	vld [tilespmem:s20+$0xD810];
	v19 =	vadd.s32 v19, v25  }
0x21b: {  	[tilespmem:s20+$0xD810] =	vst v0;
	v26 =	vld [tilespmem:s20+$0xE810];
	v19 =	vadd.s32 v20, v19  }
0x21c: {  	[tilespmem:s20+$0xE810] =	vst v0;
	v20 =	vld [tilespmem:s20+$0xF810];
	v19 =	vadd.s32 v21, v19  }
0x21d: {  	s21 =	sadd.s32 $0x4, s17;
	[tilespmem:s20+$0xF810] =	vst v0;
	v19 =	vadd.s32 v24, v19;
	v21 =	vld [tilespmem:s15+$0xFFFFC000]  }
0x21e: {  	v16 =	vsel vm4, s21, v16;
	s20 =	sadd.s32 $0x3, s17;
	v15 =	vadd.s32 v15, v19;
	[tilespmem:s15+$0xFFFFC000] =	vst v0;
	v19 =	vld [tilespmem:s15+$0xFFFFD000]  }
0x21f: {  	v16 =	vsel vm3, s20, v16;
	v15 =	vadd.s32 v22, v15;
	[tilespmem:s15+$0xFFFFD000] =	vst v0;
	v22 =	vld [tilespmem:s15+$0xFFFFE000]  }
0x220: {  	vm0 =	vmor vm2, vm5;
	vm4 =	vge.s32 v25, v12;
	v15 =	vadd.s32 v26, v15;
	[tilespmem:s15+$0xFFFFE000] =	vst v0;
	v24 =	vld [tilespmem:s15+$0xFFFFF000]  }
0x221: {  	vm6 =	vmneg vm0;
	vm0 =	vmor vm0, vm4;
	v15 =	vadd.s32 v20, v15;
	[tilespmem:s15+$0xFFFFF000] =	vst v0;
	v20 =	vld [tilespmem:s15+$0x0]  }
0x222: {  	vm2 =	vmneg vm0;
	vm7 =	vge.s32 v15, v12;
	[tilespmem:s15+$0x0] =	vst v0;
	v26 =	vld [tilespmem:s15+$0x1000];
	v21 =	vadd.s32 v21, v15  }
0x223: {  	s18 =	sadd.s32 $0xFFFFFF80, s18;
	s15 =	sadd.s32 $0xFFFFFF80, s15;
	vm5 =	vmand vm7, vm2;
	vm2 =	vmor vm0, vm7;
	[tilespmem:s16+$0x1000] =	vst v0;
	v27 =	vld [tilespmem:s16+$0x2000];
	v19 =	vadd.s32 v19, v21  }
0x224: {  	s21 =	sadd.s32 $0x2, s17;
	vm4 =	vmand vm4, vm6;
	s20 =	sadd.s32 $0x60, s18;
	v28 =	vld [tilespmem:s15+$0xFFFFC070];
	[tilespmem:s16+$0x2000] =	vst v0;
	v21 =	vadd.s32 v22, v19;
	vm0 =	vmneg vm2;
	s16 =	smov.u32 s15  }
0x225: {  	s20 =	sand.u32 $0xF80, s20;
	v16 =	vsel vm4, s21, v16;
	s21 =	sadd.s32 $0x1, s17;
	[tilespmem:s15+$0xFFFFC070] =	vst v0;
	v19 =	vld [tilespmem:s15+$0xFFFFC060];
	v21 =	vadd.s32 v24, v21  }
0x226: {  	v16 =	vsel vm5, s21, v16;
	v24 =	vld [tilespmem:s20+$0x9870];
	[tilespmem:s15+$0xFFFFC060] =	vst v0;
	v21 =	vadd.s32 v20, v21  }
.Ltmp9:
0x227: {  	[tilespmem:s20+$0x9870] =	vst v0;
	v20 =	vld [tilespmem:s20+$0xA870];
	v22 =	vadd.s32 v26, v21;
	(pc) =	sbr.rel @p1 .LBB2_15-.Ltmp9, $4  }
0x228: {  	[tilespmem:s20+$0xA870] =	vst v0;
	v21 =	vld [tilespmem:s20+$0xB870];
	v26 =	vadd.s32 v27, v22  }
0x229: {  	v17 =	vsel vm3, v14, v17;
	[tilespmem:s20+$0xB870] =	vst v0;
	v22 =	vld [tilespmem:s20+$0xC870];
	v14 =	vadd.s32 v23, v26  }
0x22a: {  	v17 =	vsel vm4, v18, v17;
	[tilespmem:s20+$0xC870] =	vst v0;
	v23 =	vld [tilespmem:s20+$0xD870];
	v26 =	vadd.s32 v14, v28;
	vm4 =	vge.s32 v14, v12  }
0x22b: {  	s21 =	sadd.s32 $0x50, s18;
	v17 =	vsel vm5, v25, v17;
	[tilespmem:s20+$0xD870] =	vst v0;
	v18 =	vld [tilespmem:s20+$0xE870];
	v24 =	vadd.s32 v24, v26;
	vm3 =	vmand vm4, vm0  }
0x22c: {  	v25 =	vld [tilespmem:s20+$0xF870]  }
0x22d: {  	v63 =	vld [tilespmem:s15+$0xFFFFC050]  }
0x22e: {  	v35 =	vld [tilespmem:s15+$0xFFFFC030]  }
0x22f: {  	v40 =	vld [tilespmem:s15+$0xFFFFC020]  }
0x230: {  	v45 =	vld [tilespmem:s15+$0xFFFFC010]  }
0x231: {  	v51 =	vld [tilespmem:s15+$0x3000]  }
0x232: {  	v56 =	vld [tilespmem:s15+$0xFFFFC000]  }
0x233: {  	v57 =	vld [tilespmem:s15+$0xFFFFD000]  }
0x234: {  	s19 =	sand.u32 $0xF80, s21;
	v59 =	vld [tilespmem:s15+$0xFFFFE000]  }
0x235: {  	v20 =	vadd.s32 v20, v24;
	v26 =	vld [tilespmem:s19+$0x9860]  }
0x236: {  	v62 =	vld [tilespmem:s19+$0xA860];
	v20 =	vadd.s32 v21, v20  }
0x237: {  	v21 =	vld [tilespmem:s19+$0xB860];
	v20 =	vadd.s32 v22, v20  }
0x238: {  	[tilespmem:s15+$0xFFFFC010] =	vst v0;
	s21 =	sand.u32 $0xF80, s18;
	v27 =	vld [tilespmem:s19+$0xF860];
	v20 =	vadd.s32 v23, v20  }
0x239: {  	[tilespmem:s14+$0xE870] =	vst v0;
	v52 =	vld [tilespmem:s21+$0x9810];
	v18 =	vadd.s32 v18, v20  }
0x23a: {  	[tilespmem:s20+$0xF870] =	vst v0;
	v22 =	vld [tilespmem:s19+$0xC860];
	v18 =	vadd.s32 v25, v18  }
0x23b: {  	[tilespmem:s15+$0xFFFFC050] =	vst v0;
	v23 =	vld [tilespmem:s19+$0xD860];
	v19 =	vadd.s32 v19, v18  }
0x23c: {  	[tilespmem:s15+$0xFFFFC030] =	vst v0;
	v20 =	vld [tilespmem:s19+$0xE860];
	v19 =	vadd.s32 v26, v19  }
0x23d: {  	s28 =	sadd.s32 $0x40, s18;
	[tilespmem:s15+$0xFFFFC020] =	vst v0;
	v53 =	vld [tilespmem:s21+$0xA810];
	v19 =	vadd.s32 v62, v19  }
0x23e: {  	[tilespmem:s15+$0x3000] =	vst v0;
	s14 =	sand.u32 $0xF80, s28;
	v54 =	vld [tilespmem:s21+$0xB810];
	v19 =	vadd.s32 v21, v19  }
0x23f: {  	[tilespmem:s19+$0x9860] =	vst v0;
	v32 =	vld [tilespmem:s14+$0x9850];
	v19 =	vadd.s32 v22, v19  }
0x240: {  	[tilespmem:s19+$0xA860] =	vst v0;
	v33 =	vld [tilespmem:s14+$0xA850];
	v19 =	vadd.s32 v23, v19  }
0x241: {  	[tilespmem:s19+$0xB860] =	vst v0;
	v21 =	vld [tilespmem:s14+$0xB850];
	v19 =	vadd.s32 v20, v19  }
0x242: {  	[tilespmem:s19+$0xF860] =	vst v0;
	v22 =	vld [tilespmem:s14+$0xC850];
	v20 =	vadd.s32 v27, v19  }
0x243: {  	[tilespmem:s19+$0xC860] =	vst v0;
	v28 =	vld [tilespmem:s14+$0xD850];
	v25 =	vadd.s32 v63, v20  }
0x244: {  	[tilespmem:s19+$0xD860] =	vst v0;
	v19 =	vld [tilespmem:s14+$0xE850];
	v25 =	vadd.s32 v32, v25  }
0x245: {  	s29 =	sadd.s32 $0x30, s18;
	v34 =	vld [tilespmem:s14+$0xF850];
	[tilespmem:s19+$0xE860] =	vst v0;
	v24 =	vadd.s32 v33, v25  }
0x246: {  	s19 =	sand.u32 $0xF80, s29;
	v23 =	vld [tilespmem:s15+$0xFFFFC040];
	[tilespmem:s15+$0xFFFFC040] =	vst v0;
	v21 =	vadd.s32 v21, v24  }
0x247: {  	[tilespmem:s15+$0xFFFFC000] =	vst v0;
	v36 =	vld [tilespmem:s19+$0x9840];
	v21 =	vadd.s32 v22, v21  }
0x248: {  	[tilespmem:s14+$0x9850] =	vst v0;
	v37 =	vld [tilespmem:s19+$0xA840];
	v21 =	vadd.s32 v28, v21  }
0x249: {  	[tilespmem:s14+$0xA850] =	vst v0;
	v22 =	vld [tilespmem:s19+$0xB840];
	v19 =	vadd.s32 v19, v21  }
0x24a: {  	[tilespmem:s14+$0xD850] =	vst v0;
	v38 =	vld [tilespmem:s19+$0xC840];
	v21 =	vadd.s32 v34, v19  }
0x24b: {  	[tilespmem:s14+$0xF850] =	vst v0;
	v29 =	vld [tilespmem:s19+$0xD840];
	v23 =	vadd.s32 v23, v21  }
0x24c: {  	[tilespmem:s14+$0xB850] =	vst v0;
	v19 =	vld [tilespmem:s19+$0xE840];
	v23 =	vadd.s32 v36, v23  }
0x24d: {  	s30 =	sadd.s32 $0x20, s18;
	[tilespmem:s14+$0xC850] =	vst v0;
	v39 =	vld [tilespmem:s19+$0xF840];
	v23 =	vadd.s32 v37, v23  }
0x24e: {  	v55 =	vld [tilespmem:s21+$0xC810];
	[tilespmem:s14+$0xE850] =	vst v0;
	s14 =	sand.u32 $0xF80, s30;
	v22 =	vadd.s32 v22, v23  }
0x24f: {  	[tilespmem:s15+$0xFFFFD000] =	vst v0;
	v41 =	vld [tilespmem:s14+$0x9830];
	v22 =	vadd.s32 v38, v22  }
0x250: {  	[tilespmem:s19+$0x9840] =	vst v0;
	v23 =	vld [tilespmem:s14+$0xA830];
	v22 =	vadd.s32 v29, v22  }
0x251: {  	[tilespmem:s19+$0xA840] =	vst v0;
	v42 =	vld [tilespmem:s14+$0xB830];
	v19 =	vadd.s32 v19, v22  }
0x252: {  	[tilespmem:s19+$0xC840] =	vst v0;
	v43 =	vld [tilespmem:s14+$0xC830];
	v19 =	vadd.s32 v39, v19  }
0x253: {  	[tilespmem:s19+$0xD840] =	vst v0;
	v22 =	vld [tilespmem:s14+$0xD830];
	v26 =	vadd.s32 v35, v19  }
0x254: {  	[tilespmem:s19+$0xF840] =	vst v0;
	v44 =	vld [tilespmem:s14+$0xE830];
	v24 =	vadd.s32 v41, v26  }
0x255: {  	s31 =	sadd.s32 $0x10, s18;
	v30 =	vld [tilespmem:s14+$0xF830];
	[tilespmem:s19+$0xB840] =	vst v0;
	v23 =	vadd.s32 v23, v24  }
0x256: {  	v58 =	vld [tilespmem:s21+$0xE810];
	[tilespmem:s19+$0xE840] =	vst v0;
	s19 =	sand.u32 $0xF80, s31;
	v23 =	vadd.s32 v42, v23  }
0x257: {  	[tilespmem:s15+$0xFFFFE000] =	vst v0;
	v46 =	vld [tilespmem:s19+$0x9820];
	v23 =	vadd.s32 v43, v23  }
0x258: {  	[tilespmem:s20+$0xE870] =	vst v0;
	v47 =	vld [tilespmem:s19+$0xA820];
	v22 =	vadd.s32 v22, v23  }
0x259: {  	[tilespmem:s21+$0x9810] =	vst v0;
	v48 =	vld [tilespmem:s19+$0xB820];
	v22 =	vadd.s32 v44, v22  }
0x25a: {  	[tilespmem:s21+$0xA810] =	vst v0;
	v23 =	vld [tilespmem:s19+$0xC820];
	v22 =	vadd.s32 v30, v22  }
0x25b: {  	[tilespmem:s21+$0xB810] =	vst v0;
	v49 =	vld [tilespmem:s19+$0xD820];
	v25 =	vadd.s32 v40, v22  }
0x25c: {  	[tilespmem:s21+$0xC810] =	vst v0;
	v50 =	vld [tilespmem:s19+$0xE820];
	v24 =	vadd.s32 v46, v25  }
0x25d: {  	[tilespmem:s21+$0xE810] =	vst v0;
	v31 =	vld [tilespmem:s19+$0xF820];
	v24 =	vadd.s32 v47, v24  }
0x25e: {  	v60 =	vld [tilespmem:s21+$0xF810];
	[tilespmem:s21+$0xF810] =	vst v0;
	v24 =	vadd.s32 v48, v24  }
0x25f: {  	vm2 =	vmor vm2, vm4;
	v15 =	vsel vm3, v15, v17;
	[tilespmem:s14+$0x9830] =	vst v0;
	v23 =	vadd.s32 v23, v24  }
0x260: {  	vm0 =	vmneg vm2;
	vm4 =	vge.s32 v18, v12;
	[tilespmem:s14+$0xB830] =	vst v0;
	v23 =	vadd.s32 v49, v23  }
0x261: {  	vm0 =	vmand vm4, vm0;
	vm2 =	vmor vm2, vm4;
	[tilespmem:s14+$0xC830] =	vst v0;
	v23 =	vadd.s32 v50, v23  }
0x262: {  	vm4 =	vmneg vm2;
	[tilespmem:s14+$0xE830] =	vst v0;
	vm5 =	vge.s32 v20, v12;
	v17 =	vadd.s32 v31, v23  }
0x263: {  	v14 =	vsel vm0, v14, v15;
	[tilespmem:s14+$0xF830] =	vst v0;
	vm4 =	vmand vm5, vm4;
	v23 =	vld [tilespmem:s21+$0xD810];
	v15 =	vadd.s32 v45, v17  }
0x264: {  	s22 =	sadd.s32 $0xFFFFFFF8, s17;
	v14 =	vsel vm4, v18, v14;
	v18 =	vld [tilespmem:s15+$0xFFFFF000];
	[tilespmem:s15+$0xFFFFF000] =	vst v0;
	v15 =	vadd.s32 v52, v15  }
0x265: {  	v16 =	vsel vm3, s17, v16;
	s23 =	sadd.s32 $0x7, s22;
	vm2 =	vmor vm2, vm5;
	[tilespmem:s19+$0x9820] =	vst v0;
	v15 =	vadd.s32 v53, v15  }
0x266: {  	s24 =	sadd.s32 $0x6, s22;
	v16 =	vsel vm0, s23, v16;
	vm5 =	vmneg vm2;
	[tilespmem:s19+$0xA820] =	vst v0;
	v15 =	vadd.s32 v54, v15  }
0x267: {  	v16 =	vsel vm4, s24, v16;
	[tilespmem:s19+$0xB820] =	vst v0;
	vm6 =	vge.s32 v21, v12;
	v15 =	vadd.s32 v55, v15  }
0x268: {  	[tilespmem:s19+$0xD820] =	vst v0;
	vm5 =	vmand vm6, vm5;
	vm0 =	vmor vm2, vm6;
	v15 =	vadd.s32 v23, v15  }
0x269: {  	[tilespmem:s19+$0xE820] =	vst v0;
	vm2 =	vmneg vm0;
	vm3 =	vge.s32 v19, v12;
	v15 =	vadd.s32 v58, v15  }
0x26a: {  	[tilespmem:s19+$0xF820] =	vst v0;
	v14 =	vsel vm5, v20, v14;
	v20 =	vld [tilespmem:s15+$0x0];
	vm2 =	vmand vm3, vm2;
	v15 =	vadd.s32 v60, v15  }
0x26b: {  	s25 =	sadd.s32 $0x5, s22;
	[tilespmem:s15+$0x0] =	vst v0;
	vm0 =	vmor vm0, vm3;
	v14 =	vsel vm2, v21, v14;
	v23 =	vld [tilespmem:s15+$0x1000];
	v21 =	vadd.s32 v56, v15  }
0x26c: {  	s26 =	sadd.s32 $0x4, s22;
	v16 =	vsel vm5, s25, v16;
	[tilespmem:s14+$0xA830] =	vst v0;
	v61 =	vld [tilespmem:s16+$0x2000];
	vm3 =	vmneg vm0;
	v21 =	vadd.s32 v57, v21  }
0x26d: {  	[tilespmem:s14+$0xD830] =	vst v0;
	v16 =	vsel vm2, s26, v16;
	vm4 =	vge.s32 v22, v12;
	v21 =	vadd.s32 v59, v21  }
0x26e: {  	s28 =	sadd.s32 $0x3, s22;
	[tilespmem:s19+$0xC820] =	vst v0;
	vm3 =	vmand vm4, vm3;
	vm0 =	vmor vm0, vm4;
	v18 =	vadd.s32 v18, v21  }
0x26f: {  	v16 =	vsel vm3, s28, v16;
	[tilespmem:s21+$0xD810] =	vst v0;
	vm2 =	vge.s32 v17, v12;
	v18 =	vadd.s32 v20, v18  }
0x270: {  	v14 =	vsel vm3, v19, v14;
	vm4 =	vmor vm0, vm2;
	[tilespmem:s16+$0x1000] =	vst v0;
	v18 =	vadd.s32 v23, v18  }
0x271: {  	s29 =	simm.s32 $0x4840;
	vm0 =	vmneg vm0;
	[tilespmem:s16+$0x2000] =	vst v0;
	vm6 =	vge.s32 v15, v12;
	v18 =	vadd.s32 v61, v18  }
0x272: {  	vm5 =	vmneg vm4;
	vm4 =	vmor vm4, vm6;
	v20 =	vld [tilespmem:s29+$0xFFFFFFC0];
	v18 =	vadd.s32 v51, v18  }
0x273: {  	s30 =	sadd.s32 $0x2, s22;
	vm0 =	vmand vm2, vm0;
	vm2 =	vmneg vm4;
	vm4 =	vge.s32 v18, v12;
	v18 =	vld [tilespmem:s29+$0xFFFFFFF0]  }
0x274: {  	s31 =	sadd.s32 $0x1, s22;
	v16 =	vsel vm0, s30, v16;
	v14 =	vsel vm0, v22, v14;
	v19 =	vld [tilespmem:s29+$0x30];
	vm5 =	vmand vm6, vm5  }
0x275: {  	v16 =	vsel vm5, s31, v16;
	v14 =	vsel vm5, v17, v14;
	vm2 =	vmand vm4, vm2  }
0x276: {  	v13 =	vshll.u32 v13, $0x8;
	v16 =	vsel vm2, s22, v16;
	v14 =	vsel vm2, v15, v14  }
0x277: {  	v22 =	vld [tilespmem:s29+$0x0];
	v13 =	vor.u32 v13, v16;
	v16 =	vshrl.u32 v20, $0x10;
	v20 =	vshrl.u32 v20, $0x4  }
0x278: {  	vm0 =	veq.s32 v16, v13;
	v16 =	vand.u32 $0xFF0, v20;
	v15 =	vshrl.u32 v18, $0x4  }
0x279: {  	v21 =	vld [tilespmem:s29+$0xFFFFFFE0];
	v23 =	vor.u32 v2, v16;
	v16 =	vshrl.u32 v18, $0x10;
	v18 =	vshrl.u32 v19, $0x4  }
0x27a: {  	v19 =	vshrl.u32 v19, $0x10;
	v17 =	vand.u32 $0xFF0, v15;
	v15 =	vld [tilespmem:s29+$0x20];
	vm3 =	veq.s32 v16, v13  }
0x27b: {  	v62 =	vand.u32 $0xFF0, v18;
	v16 =	vld [tilespmem:s29+$0xFFFFFFD0];
	vm4 =	veq.s32 v19, v13;
	v18 =	vor.u32 v6, v17  }
0x27c: {  	v63 =	vshrl.u32 v22, $0x10;
	v22 =	vshrl.u32 v22, $0x4;
	v17 =	vor.u32 v10, v62  }
0x27d: {  	v22 =	vand.u32 $0xFF0, v22;
	v19 =	vld [tilespmem:s29+$0x10]  }
0x27e: {  	s14 =	simm.s32 $0x0;
	s15 =	simm.s32 $0x48C0;
	v20 =	vshrl.u32 v21, $0x4;
	v21 =	vshrl.u32 v21, $0x10;
	vm2 =	veq.s32 v63, v13;
	[tilespmem:v23+s9+$0x0] =	vst.idx.add.s32.msk vm0, v3  }
.LBB2_17:
0x27f: {  	v23 =	vld [tilespmem:s15+$0xFFFFFFF0];
	s14 =	sadd.s32 $0x8, s14;
	vm0 =	veq.s32 v21, v13;
	v20 =	vand.u32 $0xFF0, v20;
	v21 =	vor.u32 v7, v22  }
0x280: {  	v22 =	vshrl.u32 v16, $0x10;
	p1 =	slt.u32 s14, $0x3F8;
	v20 =	vor.u32 v5, v20;
	[tilespmem:v18+s9+$0x0] =	vst.idx.add.s32.msk vm3, v3;
	v18 =	vshrl.u32 v15, $0x10  }
0x281: {  	vm6 =	veq.s32 v22, v13;
	v15 =	vshrl.u32 v15, $0x4;
	vm5 =	veq.s32 v18, v13;
	[tilespmem:v17+s9+$0x0] =	vst.idx.add.s32.msk vm4, v3  }
0x282: {  	v16 =	vshrl.u32 v16, $0x4;
	v15 =	vand.u32 $0xFF0, v15;
	v17 =	vld [tilespmem:s15+$0xFFFFFFC0];
	v18 =	vshrl.u32 v19, $0x4  }
0x283: {  	v16 =	vand.u32 $0xFF0, v16;
	v19 =	vshrl.u32 v19, $0x10;
	v24 =	vor.u32 v9, v15;
	v22 =	vld [tilespmem:s15+$0x30]  }
0x284: {  	vm7 =	veq.s32 v19, v13;
	v18 =	vand.u32 $0xFF0, v18;
	v25 =	vshrl.u32 v23, $0x4;
	v15 =	vld [tilespmem:s15+$0x20]  }
0x285: {  	v26 =	vor.u32 v4, v16;
	v27 =	vor.u32 v8, v18;
	v19 =	vld [tilespmem:s15+$0xFFFFFFE0]  }
0x286: {  	[tilespmem:v20+s9+$0x0] =	vst.idx.add.s32.msk vm0, v3  }
0x287: {  	v16 =	vshrl.u32 v17, $0x10;
	v17 =	vshrl.u32 v17, $0x4;
	[tilespmem:v21+s9+$0x0] =	vst.idx.add.s32.msk vm2, v3  }
0x288: {  	vm0 =	veq.s32 v16, v13;
	v16 =	vand.u32 $0xFF0, v17;
	v17 =	vshrl.u32 v23, $0x10;
	v23 =	vld [tilespmem:s15+$0x0]  }
0x289: {  	v18 =	vand.u32 $0xFF0, v25;
	v20 =	vshrl.u32 v22, $0x4;
	v28 =	vor.u32 v2, v16;
	v16 =	vld [tilespmem:s15+$0xFFFFFFD0]  }
.Ltmp10:
0x28a: {  	vm3 =	veq.s32 v17, v13;
	v17 =	vshrl.u32 v22, $0x10;
	v21 =	vand.u32 $0xFF0, v20;
	[tilespmem:v26+s9+$0x0] =	vst.idx.add.s32.msk vm6, v3;
	(pc) =	sbr.rel @p1 .LBB2_17-.Ltmp10, $4  }
0x28b: {  	v18 =	vor.u32 v6, v18;
	vm4 =	veq.s32 v17, v13;
	[tilespmem:v24+s9+$0x0] =	vst.idx.add.s32.msk vm5, v3  }
0x28c: {  	v20 =	vshrl.u32 v19, $0x4;
	v17 =	vor.u32 v10, v21;
	[tilespmem:v27+s9+$0x0] =	vst.idx.add.s32.msk vm7, v3  }
0x28d: {  	v21 =	vshrl.u32 v19, $0x10;
	v22 =	vshrl.u32 v23, $0x10;
	v23 =	vshrl.u32 v23, $0x4;
	v19 =	vld [tilespmem:s15+$0x10]  }
0x28e: {  	s15 =	sadd.s32 $0x80, s15;
	[tilespmem:v28+s9+$0x0] =	vst.idx.add.s32.msk vm0, v3;
	vm2 =	veq.s32 v22, v13;
	v22 =	vand.u32 $0xFF0, v23  }
0x28f: {  	vm0 =	veq.s32 v21, v13;
	v20 =	vand.u32 $0xFF0, v20;
	v21 =	vor.u32 v7, v22  }
0x290: {  	v22 =	vshrl.u32 v16, $0x10;
	v23 =	vshrl.u32 v15, $0x10;
	v16 =	vshrl.u32 v16, $0x4  }
0x291: {  	v15 =	vshrl.u32 v15, $0x4;
	v20 =	vor.u32 v5, v20;
	vm5 =	veq.s32 v22, v13  }
0x292: {  	vm6 =	veq.s32 v23, v13;
	v16 =	vand.u32 $0xFF0, v16;
	v15 =	vand.u32 $0xFF0, v15  }
0x293: {  	v16 =	vor.u32 v4, v16;
	v22 =	vshrl.u32 v19, $0x4;
	v19 =	vshrl.u32 v19, $0x10  }
0x294: {  	[tilespmem:v18+s9+$0x0] =	vst.idx.add.s32.msk vm3, v3;
	v15 =	vor.u32 v9, v15;
	vm3 =	veq.s32 v19, v13;
	v18 =	vand.u32 $0xFF0, v22  }
0x295: {  	[tilespmem:v17+s9+$0x0] =	vst.idx.add.s32.msk vm4, v3;
	v17 =	vor.u32 v8, v18  }
0x296: {  	[tilespmem:v21+s9+$0x0] =	vst.idx.add.s32.msk vm2, v3  }
0x297: {  	[tilespmem:v20+s9+$0x0] =	vst.idx.add.s32.msk vm0, v3  }
0x298: {  	[tilespmem:v16+s9+$0x0] =	vst.idx.add.s32.msk vm5, v3  }
0x299: {  	[tilespmem:v15+s9+$0x0] =	vst.idx.add.s32.msk vm6, v3  }
0x29a: {  	s16 =	simm.s32 $0xD780;
	[tilespmem:v17+s9+$0x0] =	vst.idx.add.s32.msk vm3, v3  }
0x29b: {  	v16 =	vld [tilespmem:s16+$0xFFFFC070]  }
0x29c: {  	v22 =	vld [tilespmem:s16+$0xFFFFC060]  }
0x29d: {  	v24 =	vld [tilespmem:s16+$0xFFFFC050]  }
0x29e: {  	s14 =	simm.s32 $0xFF0;
	v25 =	vld [tilespmem:s16+$0xFFFFC040]  }
0x29f: {  	s14 =	sand.u32 $0xF80, s14;
	[tilespmem:s16+$0xFFFFC070] =	vst v0;
	v26 =	vld [tilespmem:s16+$0xFFFFC030]  }
0x2a0: {  	v17 =	vld [tilespmem:s14+$0x9870]  }
0x2a1: {  	v18 =	vld [tilespmem:s14+$0xA870]  }
0x2a2: {  	[tilespmem:s16+$0xFFFFC060] =	vst v0;
	v19 =	vld [tilespmem:s14+$0xB870]  }
0x2a3: {  	v15 =	vimm.s32 $0x0;
	[tilespmem:s16+$0xFFFFC050] =	vst v0;
	v20 =	vld [tilespmem:s14+$0xC870]  }
0x2a4: {  	[tilespmem:s16+$0xFFFFC040] =	vst v0;
	v21 =	vld [tilespmem:s14+$0xD870];
	v16 =	vadd.s32 v15, v16  }
0x2a5: {  	[tilespmem:s16+$0xFFFFC030] =	vst v0;
	v23 =	vld [tilespmem:s14+$0xE870];
	v16 =	vadd.s32 v17, v16  }
0x2a6: {  	s15 =	simm.s32 $0xFE0;
	[tilespmem:s14+$0x9870] =	vst v0;
	v17 =	vld [tilespmem:s14+$0xF870];
	v16 =	vadd.s32 v18, v16  }
0x2a7: {  	s15 =	sand.u32 $0xF80, s15;
	[tilespmem:s14+$0xA870] =	vst v0;
	v16 =	vadd.s32 v19, v16  }
0x2a8: {  	[tilespmem:s14+$0xB870] =	vst v0;
	v18 =	vld [tilespmem:s15+$0x9860];
	v16 =	vadd.s32 v20, v16  }
0x2a9: {  	[tilespmem:s15+$0x9860] =	vst v0;
	v19 =	vld [tilespmem:s15+$0xA860];
	v16 =	vadd.s32 v21, v16  }
0x2aa: {  	[tilespmem:s15+$0xA860] =	vst v0;
	v20 =	vld [tilespmem:s15+$0xB860];
	v16 =	vadd.s32 v23, v16  }
0x2ab: {  	[tilespmem:s15+$0xB860] =	vst v0;
	v21 =	vld [tilespmem:s15+$0xC860];
	v16 =	vadd.s32 v17, v16  }
0x2ac: {  	[tilespmem:s15+$0xC860] =	vst v0;
	v23 =	vld [tilespmem:s15+$0xD860];
	v22 =	vadd.s32 v22, v16  }
0x2ad: {  	s17 =	simm.s32 $0xFD0;
	[tilespmem:s15+$0xD860] =	vst v0;
	v17 =	vld [tilespmem:s15+$0xE860];
	v18 =	vadd.s32 v18, v22  }
0x2ae: {  	s17 =	sand.u32 $0xF80, s17;
	[tilespmem:s15+$0xE860] =	vst v0;
	v22 =	vld [tilespmem:s15+$0xF860];
	v18 =	vadd.s32 v19, v18  }
0x2af: {  	v19 =	vld [tilespmem:s17+$0x9850];
	[tilespmem:s17+$0x9850] =	vst v0;
	v18 =	vadd.s32 v20, v18  }
0x2b0: {  	v20 =	vld [tilespmem:s17+$0xA850];
	[tilespmem:s17+$0xA850] =	vst v0;
	v18 =	vadd.s32 v21, v18  }
0x2b1: {  	v21 =	vld [tilespmem:s17+$0xB850];
	[tilespmem:s17+$0xB850] =	vst v0;
	v18 =	vadd.s32 v23, v18  }
0x2b2: {  	v23 =	vld [tilespmem:s17+$0xC850];
	[tilespmem:s17+$0xC850] =	vst v0;
	v17 =	vadd.s32 v17, v18  }
0x2b3: {  	v18 =	vadd.s32 v22, v17;
	v17 =	vld [tilespmem:s17+$0xD850];
	[tilespmem:s17+$0xD850] =	vst v0  }
0x2b4: {  	s21 =	simm.s32 $0xFB0;
	v22 =	vadd.s32 v24, v18;
	v24 =	vld [tilespmem:s17+$0xE850];
	[tilespmem:s17+$0xE850] =	vst v0  }
0x2b5: {  	s20 =	simm.s32 $0xFC0;
	v19 =	vadd.s32 v19, v22;
	v22 =	vld [tilespmem:s17+$0xF850];
	[tilespmem:s17+$0xF850] =	vst v0;
	s17 =	sand.u32 $0xF80, s21  }
0x2b6: {  	[tilespmem:s15+$0xF860] =	vst v0;
	s15 =	sand.u32 $0xF80, s20;
	v19 =	vadd.s32 v20, v19;
	v27 =	vld [tilespmem:s17+$0xE830]  }
0x2b7: {  	[tilespmem:s14+$0xC870] =	vst v0;
	v19 =	vadd.s32 v21, v19;
	v21 =	vld [tilespmem:s15+$0x9840]  }
0x2b8: {  	[tilespmem:s15+$0x9840] =	vst v0;
	v19 =	vadd.s32 v23, v19;
	v23 =	vld [tilespmem:s15+$0xA840]  }
0x2b9: {  	[tilespmem:s15+$0xA840] =	vst v0;
	v17 =	vadd.s32 v17, v19;
	v19 =	vld [tilespmem:s15+$0xB840]  }
0x2ba: {  	[tilespmem:s15+$0xB840] =	vst v0;
	v17 =	vadd.s32 v24, v17;
	v24 =	vld [tilespmem:s15+$0xC840]  }
0x2bb: {  	[tilespmem:s15+$0xC840] =	vst v0;
	v20 =	vadd.s32 v22, v17;
	v17 =	vld [tilespmem:s15+$0xD840]  }
0x2bc: {  	[tilespmem:s15+$0xD840] =	vst v0;
	v22 =	vadd.s32 v25, v20;
	v25 =	vld [tilespmem:s15+$0xE840]  }
0x2bd: {  	v12 =	vsub.s32 v12, v14;
	[tilespmem:s15+$0xE840] =	vst v0;
	v21 =	vadd.s32 v21, v22;
	v22 =	vld [tilespmem:s15+$0xF840]  }
0x2be: {  	s22 =	simm.s32 $0xFA0;
	vm2 =	vge.s32 v16, v12;
	[tilespmem:s15+$0xF840] =	vst v0;
	v21 =	vadd.s32 v23, v21;
	v23 =	vld [tilespmem:s16+$0xFFFFC020]  }
0x2bf: {  	vm3 =	vmor vm8, vm2;
	s15 =	sand.u32 $0xF80, s22;
	[tilespmem:s16+$0xFFFFC020] =	vst v0;
	v19 =	vadd.s32 v19, v21;
	v21 =	vld [tilespmem:s17+$0x9830]  }
0x2c0: {  	[tilespmem:s14+$0xD870] =	vst v0;
	vm2 =	vmand vm2, vm1;
	vm0 =	vmneg vm3;
	v28 =	vld [tilespmem:s15+$0xE820];
	v19 =	vadd.s32 v24, v19  }
0x2c1: {  	v29 =	vsel vm2, v15, v15;
	vm4 =	vge.s32 v18, v12;
	[tilespmem:s17+$0xE830] =	vst v0;
	v24 =	vld [tilespmem:s17+$0xA830];
	v17 =	vadd.s32 v17, v19  }
0x2c2: {  	vm0 =	vmand vm4, vm0;
	vm3 =	vmor vm3, vm4;
	[tilespmem:s17+$0x9830] =	vst v0;
	v19 =	vld [tilespmem:s17+$0xB830];
	v17 =	vadd.s32 v25, v17  }
0x2c3: {  	vm4 =	vmneg vm3;
	vm5 =	vge.s32 v20, v12;
	[tilespmem:s15+$0xE820] =	vst v0;
	v25 =	vld [tilespmem:s17+$0xC830];
	v17 =	vadd.s32 v22, v17  }
0x2c4: {  	v16 =	vsel vm0, v16, v29;
	vm4 =	vmand vm5, vm4;
	[tilespmem:s17+$0xA830] =	vst v0;
	v22 =	vld [tilespmem:s17+$0xD830];
	v26 =	vadd.s32 v26, v17  }
0x2c5: {  	v16 =	vsel vm4, v18, v16;
	v18 =	vld [tilespmem:s16+$0xFFFFF000];
	[tilespmem:s17+$0xB830] =	vst v0;
	v21 =	vadd.s32 v21, v26  }
0x2c6: {  	[tilespmem:s17+$0xC830] =	vst v0;
	v26 =	vld [tilespmem:s17+$0xF830];
	v21 =	vadd.s32 v24, v21  }
0x2c7: {  	[tilespmem:s17+$0xD830] =	vst v0;
	v24 =	vld [tilespmem:s16+$0xFFFFC010];
	v19 =	vadd.s32 v19, v21  }
0x2c8: {  	[tilespmem:s17+$0xF830] =	vst v0;
	v21 =	vld [tilespmem:s15+$0x9820];
	v19 =	vadd.s32 v25, v19  }
0x2c9: {  	[tilespmem:s15+$0x9820] =	vst v0;
	v25 =	vld [tilespmem:s15+$0xA820];
	v19 =	vadd.s32 v22, v19  }
0x2ca: {  	[tilespmem:s15+$0xA820] =	vst v0;
	v22 =	vld [tilespmem:s15+$0xB820];
	v19 =	vadd.s32 v27, v19  }
0x2cb: {  	[tilespmem:s15+$0xB820] =	vst v0;
	v27 =	vld [tilespmem:s15+$0xC820];
	v19 =	vadd.s32 v26, v19  }
0x2cc: {  	[tilespmem:s15+$0xC820] =	vst v0;
	v26 =	vld [tilespmem:s15+$0xD820];
	v23 =	vadd.s32 v23, v19  }
0x2cd: {  	[tilespmem:s15+$0xD820] =	vst v0;
	v21 =	vadd.s32 v21, v23;
	v23 =	vld [tilespmem:s15+$0xF820]  }
0x2ce: {  	s23 =	simm.s32 $0xF90;
	[tilespmem:s15+$0xF820] =	vst v0;
	s15 =	simm.s32 $0xD700;
	v21 =	vadd.s32 v25, v21;
	v25 =	vld [tilespmem:s16+$0x3000]  }
0x2cf: {  	s17 =	sand.u32 $0xF80, s23;
	[tilespmem:s16+$0xFFFFC010] =	vst v0;
	v63 =	vld [tilespmem:s15+$0xFFFFC070];
	v21 =	vadd.s32 v22, v21  }
0x2d0: {  	[tilespmem:s14+$0xF870] =	vst v0;
	v22 =	vld [tilespmem:s17+$0x9810];
	v21 =	vadd.s32 v27, v21  }
0x2d1: {  	[tilespmem:s16+$0xFFFFF000] =	vst v0;
	v27 =	vld [tilespmem:s17+$0xA810];
	v14 =	vadd.s32 v26, v21  }
0x2d2: {  	[tilespmem:s16+$0x3000] =	vst v0;
	v21 =	vld [tilespmem:s17+$0xB810];
	v14 =	vadd.s32 v28, v14  }
0x2d3: {  	[tilespmem:s15+$0xFFFFC070] =	vst v0;
	v26 =	vld [tilespmem:s17+$0xC810];
	v28 =	vadd.s32 v23, v14  }
0x2d4: {  	[tilespmem:s17+$0x9810] =	vst v0;
	v14 =	vld [tilespmem:s17+$0xD810];
	v23 =	vadd.s32 v24, v28  }
0x2d5: {  	[tilespmem:s17+$0xA810] =	vst v0;
	v24 =	vld [tilespmem:s17+$0xE810];
	v22 =	vadd.s32 v22, v23  }
0x2d6: {  	[tilespmem:s17+$0xB810] =	vst v0;
	v23 =	vld [tilespmem:s17+$0xF810];
	v22 =	vadd.s32 v27, v22  }
0x2d7: {  	vm3 =	vmor vm3, vm5;
	[tilespmem:s17+$0xC810] =	vst v0;
	v27 =	vld [tilespmem:s16+$0xFFFFC000];
	v21 =	vadd.s32 v21, v22  }
0x2d8: {  	s24 =	simm.s32 $0xFF;
	vm5 =	vmneg vm3;
	vm6 =	vge.s32 v17, v12;
	[tilespmem:s17+$0xD810] =	vst v0;
	v22 =	vld [tilespmem:s16+$0xFFFFD000];
	v21 =	vadd.s32 v26, v21  }
0x2d9: {  	[tilespmem:s17+$0xE810] =	vst v0;
	v26 =	vld [tilespmem:s16+$0xFFFFE000];
	v14 =	vadd.s32 v14, v21;
	v21 =	vsel vm2, s24, v15;
	vm2 =	vmand vm6, vm5  }
0x2da: {  	s25 =	simm.s32 $0xFE;
	[tilespmem:s17+$0xF810] =	vst v0;
	v14 =	vadd.s32 v24, v14;
	v20 =	vsel vm2, v20, v16  }
0x2db: {  	s26 =	simm.s32 $0xFD;
	[tilespmem:s16+$0xFFFFC000] =	vst v0;
	v15 =	vadd.s32 v23, v14;
	v14 =	vsel vm0, s25, v21;
	vm0 =	vmor vm3, vm6  }
0x2dc: {  	[tilespmem:s16+$0xFFFFD000] =	vst v0;
	v24 =	vld [tilespmem:s16+$0x0];
	vm6 =	vge.s32 v28, v12;
	v21 =	vadd.s32 v27, v15;
	v14 =	vsel vm4, s26, v14  }
0x2dd: {  	s18 =	simm.s32 $0xF70;
	[tilespmem:s16+$0xFFFFE000] =	vst v0;
	v16 =	vld [tilespmem:s16+$0x1000];
	vm3 =	vmneg vm0;
	vm4 =	vge.s32 v19, v12;
	v21 =	vadd.s32 v22, v21  }
0x2de: {  	s28 =	simm.s32 $0xFC;
	s20 =	sand.u32 $0xF80, s18;
	[tilespmem:s16+$0x0] =	vst v0;
	vm5 =	vmor vm0, vm4;
	vm3 =	vmand vm4, vm3;
	v21 =	vadd.s32 v26, v21;
	v26 =	vld [tilespmem:s16+$0x2000]  }
0x2df: {  	[tilespmem:s16+$0x1000] =	vst v0;
	v23 =	vld [tilespmem:s20+$0xC870];
	v14 =	vsel vm2, s28, v14;
	vm4 =	vge.s32 v15, v12;
	vm2 =	vmor vm5, vm6  }
0x2e0: {  	[tilespmem:s20+$0xC870] =	vst v0;
	v27 =	vld [tilespmem:s20+$0x9870];
	v18 =	vadd.s32 v18, v21;
	vm0 =	vmneg vm2;
	vm2 =	vmor vm2, vm4  }
0x2e1: {  	s29 =	simm.s32 $0xFB;
	[tilespmem:s20+$0x9870] =	vst v0;
	v22 =	vld [tilespmem:s20+$0xB870];
	v18 =	vadd.s32 v24, v18;
	vm0 =	vmand vm4, vm0;
	vm4 =	vmneg vm5  }
0x2e2: {  	s30 =	simm.s32 $0xFA;
	[tilespmem:s20+$0xB870] =	vst v0;
	v14 =	vsel vm3, s29, v14;
	v21 =	vld [tilespmem:s20+$0xA870];
	vm4 =	vmand vm6, vm4;
	v16 =	vadd.s32 v16, v18  }
0x2e3: {  	s31 =	simm.s32 $0xF9;
	[tilespmem:s16+$0x2000] =	vst v0;
	v17 =	vsel vm3, v17, v20;
	v14 =	vsel vm4, s30, v14;
	v18 =	vadd.s32 v26, v16  }
0x2e4: {  	v20 =	vld [tilespmem:s15+$0xFFFFC060];
	[tilespmem:s15+$0xFFFFC060] =	vst v0;
	vm5 =	vmneg vm2;
	v16 =	vsel vm0, s31, v14;
	v14 =	vadd.s32 v25, v18  }
0x2e5: {  	s19 =	simm.s32 $0x8;
	s18 =	simm.s32 $0xF10;
	[tilespmem:s20+$0xA870] =	vst v0;
	v24 =	vld [tilespmem:s20+$0xD870];
	v17 =	vsel vm4, v19, v17;
	v25 =	vadd.s32 v14, v63;
	vm4 =	vge.s32 v14, v12  }
0x2e6: {  	s21 =	simm.s32 $0xF60;
	s17 =	simm.s32 $0xF8;
	s16 =	simm.s32 $0xD700;
	[tilespmem:s20+$0xD870] =	vst v0;
	v17 =	vsel vm0, v28, v17;
	v18 =	vld [tilespmem:s20+$0xE870];
	v19 =	vadd.s32 v27, v25;
	vm3 =	vmand vm4, vm5  }
.LBB2_19:
0x2e7: {  	s19 =	sadd.s32 $0x8, s19;
	v25 =	vld [tilespmem:s20+$0xF870];
	v19 =	vadd.s32 v21, v19;
	s21 =	sand.u32 $0xF80, s21;
	[tilespmem:s14+$0xE870] =	vst v0;
	v16 =	vsel vm3, s17, v16;
	v15 =	vsel vm3, v15, v17;
	s17 =	sadd.s32 $0xFFFFFFF8, s17  }
0x2e8: {  	vm2 =	vmor vm2, vm4;
	s14 =	smov.u32 s20;
	p1 =	slt.u32 s19, $0xF8;
	[tilespmem:s20+$0xF870] =	vst v0;
	v17 =	vadd.s32 v22, v19;
	v19 =	vld [tilespmem:s21+$0x9860]  }
0x2e9: {  	v17 =	vadd.s32 v23, v17;
	[tilespmem:s21+$0x9860] =	vst v0;
	v21 =	vld [tilespmem:s21+$0xA860]  }
0x2ea: {  	v17 =	vadd.s32 v24, v17;
	[tilespmem:s21+$0xA860] =	vst v0;
	v22 =	vld [tilespmem:s21+$0xB860]  }
0x2eb: {  	v17 =	vadd.s32 v18, v17;
	[tilespmem:s21+$0xB860] =	vst v0;
	v18 =	vld [tilespmem:s21+$0xC860]  }
0x2ec: {  	v17 =	vadd.s32 v25, v17;
	[tilespmem:s21+$0xC860] =	vst v0;
	v23 =	vld [tilespmem:s21+$0xD860]  }
0x2ed: {  	vm3 =	vge.s32 v17, v12;
	[tilespmem:s21+$0xD860] =	vst v0;
	v24 =	vld [tilespmem:s21+$0xE860];
	v20 =	vadd.s32 v20, v17  }
0x2ee: {  	s20 =	sadd.s32 $0x40, s18;
	[tilespmem:s21+$0xE860] =	vst v0;
	v19 =	vadd.s32 v19, v20;
	v20 =	vld [tilespmem:s15+$0xFFFFC050]  }
0x2ef: {  	s20 =	sand.u32 $0xF80, s20;
	v25 =	vld [tilespmem:s21+$0xF860];
	v19 =	vadd.s32 v21, v19;
	[tilespmem:s15+$0xFFFFC050] =	vst v0  }
0x2f0: {  	[tilespmem:s21+$0xF860] =	vst v0;
	v19 =	vadd.s32 v22, v19;
	v21 =	vld [tilespmem:s20+$0x9850]  }
0x2f1: {  	v18 =	vadd.s32 v18, v19;
	[tilespmem:s20+$0x9850] =	vst v0;
	v19 =	vld [tilespmem:s20+$0xA850]  }
0x2f2: {  	v18 =	vadd.s32 v23, v18;
	[tilespmem:s20+$0xA850] =	vst v0;
	v22 =	vld [tilespmem:s20+$0xB850]  }
0x2f3: {  	v18 =	vadd.s32 v24, v18;
	[tilespmem:s20+$0xB850] =	vst v0;
	v23 =	vld [tilespmem:s20+$0xC850]  }
0x2f4: {  	vm0 =	vmor vm2, vm3;
	v18 =	vadd.s32 v25, v18;
	[tilespmem:s20+$0xC850] =	vst v0;
	v24 =	vld [tilespmem:s15+$0xFFFFC040]  }
0x2f5: {  	vm4 =	vmneg vm0;
	vm5 =	vge.s32 v18, v12;
	v25 =	vld [tilespmem:s20+$0xD850];
	v20 =	vadd.s32 v20, v18;
	[tilespmem:s15+$0xFFFFC040] =	vst v0  }
0x2f6: {  	vm4 =	vmand vm5, vm4;
	vm6 =	vmor vm0, vm5;
	[tilespmem:s20+$0xD850] =	vst v0;
	v26 =	vld [tilespmem:s20+$0xE850];
	v20 =	vadd.s32 v21, v20  }
0x2f7: {  	s21 =	sadd.s32 $0x30, s18;
	[tilespmem:s20+$0xE850] =	vst v0;
	v21 =	vld [tilespmem:s20+$0xF850];
	v19 =	vadd.s32 v19, v20;
	vm5 =	vmneg vm6  }
0x2f8: {  	[tilespmem:s20+$0xF850] =	vst v0;
	v19 =	vadd.s32 v22, v19;
	s20 =	sand.u32 $0xF80, s21;
	v20 =	vld [tilespmem:s15+$0xFFFFC030]  }
0x2f9: {  	v19 =	vadd.s32 v23, v19;
	v22 =	vld [tilespmem:s20+$0x9840];
	[tilespmem:s15+$0xFFFFC030] =	vst v0  }
0x2fa: {  	v19 =	vadd.s32 v25, v19;
	[tilespmem:s20+$0x9840] =	vst v0;
	v23 =	vld [tilespmem:s20+$0xA840]  }
0x2fb: {  	vm0 =	vmneg vm2;
	v19 =	vadd.s32 v26, v19;
	[tilespmem:s20+$0xA840] =	vst v0;
	v25 =	vld [tilespmem:s20+$0xB840]  }
0x2fc: {  	vm0 =	vmand vm3, vm0;
	s21 =	sadd.s32 $0x7, s17;
	v19 =	vadd.s32 v21, v19;
	[tilespmem:s20+$0xB840] =	vst v0;
	v21 =	vld [tilespmem:s20+$0xC840]  }
0x2fd: {  	v16 =	vsel vm0, s21, v16;
	vm3 =	vge.s32 v19, v12;
	[tilespmem:s20+$0xC840] =	vst v0;
	v26 =	vld [tilespmem:s20+$0xD840];
	v24 =	vadd.s32 v24, v19  }
0x2fe: {  	v14 =	vsel vm0, v14, v15;
	s21 =	sadd.s32 $0x6, s17;
	vm2 =	vmor vm6, vm3;
	[tilespmem:s20+$0xD840] =	vst v0;
	v15 =	vld [tilespmem:s20+$0xE840];
	v22 =	vadd.s32 v22, v24  }
0x2ff: {  	v16 =	vsel vm4, s21, v16;
	s21 =	sadd.s32 $0x20, s18;
	[tilespmem:s20+$0xE840] =	vst v0;
	v24 =	vld [tilespmem:s20+$0xF840];
	v22 =	vadd.s32 v23, v22;
	vm0 =	vmneg vm2  }
0x300: {  	s22 =	sadd.s32 $0x5, s17;
	v14 =	vsel vm4, v17, v14;
	vm3 =	vmand vm3, vm5;
	[tilespmem:s20+$0xF840] =	vst v0;
	v17 =	vadd.s32 v25, v22;
	s20 =	sand.u32 $0xF80, s21;
	v22 =	vld [tilespmem:s15+$0xFFFFC020]  }
0x301: {  	v16 =	vsel vm3, s22, v16;
	v18 =	vsel vm3, v18, v14;
	v14 =	vadd.s32 v21, v17;
	v17 =	vld [tilespmem:s20+$0x9830];
	[tilespmem:s15+$0xFFFFC020] =	vst v0  }
0x302: {  	v14 =	vadd.s32 v26, v14;
	[tilespmem:s20+$0x9830] =	vst v0;
	v21 =	vld [tilespmem:s20+$0xA830]  }
0x303: {  	v14 =	vadd.s32 v15, v14;
	[tilespmem:s20+$0xA830] =	vst v0;
	v15 =	vld [tilespmem:s20+$0xB830]  }
0x304: {  	v14 =	vadd.s32 v24, v14;
	[tilespmem:s20+$0xB830] =	vst v0;
	v23 =	vld [tilespmem:s20+$0xC830]  }
0x305: {  	vm3 =	vge.s32 v14, v12;
	[tilespmem:s20+$0xC830] =	vst v0;
	v24 =	vld [tilespmem:s20+$0xD830];
	v20 =	vadd.s32 v20, v14  }
0x306: {  	vm4 =	vmand vm3, vm0;
	vm2 =	vmor vm2, vm3;
	[tilespmem:s20+$0xD830] =	vst v0;
	v25 =	vld [tilespmem:s20+$0xE830];
	v20 =	vadd.s32 v17, v20  }
0x307: {  	s21 =	sadd.s32 $0x10, s18;
	v17 =	vsel vm4, v19, v18;
	[tilespmem:s20+$0xE830] =	vst v0;
	v18 =	vld [tilespmem:s20+$0xF830];
	v19 =	vadd.s32 v21, v20;
	vm0 =	vmneg vm2  }
0x308: {  	[tilespmem:s20+$0xF830] =	vst v0;
	v15 =	vadd.s32 v15, v19;
	s20 =	sand.u32 $0xF80, s21;
	v19 =	vld [tilespmem:s15+$0xFFFFC010]  }
0x309: {  	v15 =	vadd.s32 v23, v15;
	v20 =	vld [tilespmem:s20+$0x9820];
	[tilespmem:s15+$0xFFFFC010] =	vst v0  }
0x30a: {  	v15 =	vadd.s32 v24, v15;
	[tilespmem:s20+$0x9820] =	vst v0;
	v21 =	vld [tilespmem:s20+$0xA820]  }
0x30b: {  	v15 =	vadd.s32 v25, v15;
	[tilespmem:s20+$0xA820] =	vst v0;
	v23 =	vld [tilespmem:s20+$0xB820]  }
0x30c: {  	v18 =	vadd.s32 v18, v15;
	[tilespmem:s20+$0xB820] =	vst v0;
	v15 =	vld [tilespmem:s20+$0xC820]  }
0x30d: {  	vm5 =	vge.s32 v18, v12;
	[tilespmem:s20+$0xC820] =	vst v0;
	v24 =	vld [tilespmem:s20+$0xD820];
	v22 =	vadd.s32 v22, v18  }
0x30e: {  	vm3 =	vmand vm5, vm0;
	[tilespmem:s20+$0xD820] =	vst v0;
	v25 =	vld [tilespmem:s20+$0xE820];
	v20 =	vadd.s32 v20, v22  }
0x30f: {  	[tilespmem:s20+$0xE820] =	vst v0;
	v22 =	vld [tilespmem:s20+$0xF820];
	v20 =	vadd.s32 v21, v20  }
0x310: {  	[tilespmem:s20+$0xF820] =	vst v0;
	v20 =	vadd.s32 v23, v20;
	s20 =	sand.u32 $0xF80, s18;
	v26 =	vld [tilespmem:s15+$0x3000]  }
0x311: {  	v15 =	vadd.s32 v15, v20;
	v20 =	vld [tilespmem:s20+$0x9810];
	[tilespmem:s15+$0x3000] =	vst v0  }
0x312: {  	v15 =	vadd.s32 v24, v15;
	[tilespmem:s20+$0x9810] =	vst v0;
	v21 =	vld [tilespmem:s20+$0xA810]  }
0x313: {  	v15 =	vadd.s32 v25, v15;
	[tilespmem:s20+$0xA810] =	vst v0;
	v23 =	vld [tilespmem:s20+$0xB810]  }
0x314: {  	v25 =	vadd.s32 v22, v15;
	[tilespmem:s20+$0xB810] =	vst v0;
	v15 =	vld [tilespmem:s20+$0xC810]  }
0x315: {  	[tilespmem:s20+$0xC810] =	vst v0;
	v22 =	vld [tilespmem:s20+$0xD810];
	v19 =	vadd.s32 v19, v25  }
0x316: {  	[tilespmem:s20+$0xD810] =	vst v0;
	v24 =	vld [tilespmem:s20+$0xE810];
	v19 =	vadd.s32 v20, v19  }
0x317: {  	[tilespmem:s20+$0xE810] =	vst v0;
	v20 =	vld [tilespmem:s20+$0xF810];
	v19 =	vadd.s32 v21, v19  }
0x318: {  	s21 =	sadd.s32 $0x4, s17;
	[tilespmem:s20+$0xF810] =	vst v0;
	v19 =	vadd.s32 v23, v19;
	v21 =	vld [tilespmem:s15+$0xFFFFC000]  }
0x319: {  	v16 =	vsel vm4, s21, v16;
	s20 =	sadd.s32 $0x3, s17;
	v15 =	vadd.s32 v15, v19;
	[tilespmem:s15+$0xFFFFC000] =	vst v0;
	v19 =	vld [tilespmem:s15+$0xFFFFD000]  }
0x31a: {  	v16 =	vsel vm3, s20, v16;
	v15 =	vadd.s32 v22, v15;
	[tilespmem:s15+$0xFFFFD000] =	vst v0;
	v22 =	vld [tilespmem:s15+$0xFFFFE000]  }
0x31b: {  	vm0 =	vmor vm2, vm5;
	vm4 =	vge.s32 v25, v12;
	v15 =	vadd.s32 v24, v15;
	[tilespmem:s15+$0xFFFFE000] =	vst v0;
	v23 =	vld [tilespmem:s15+$0xFFFFF000]  }
0x31c: {  	vm6 =	vmneg vm0;
	vm0 =	vmor vm0, vm4;
	v15 =	vadd.s32 v20, v15;
	[tilespmem:s15+$0xFFFFF000] =	vst v0;
	v24 =	vld [tilespmem:s15+$0x0]  }
0x31d: {  	vm2 =	vmneg vm0;
	vm7 =	vge.s32 v15, v12;
	[tilespmem:s15+$0x0] =	vst v0;
	v27 =	vld [tilespmem:s15+$0x1000];
	v20 =	vadd.s32 v21, v15  }
0x31e: {  	s18 =	sadd.s32 $0xFFFFFF80, s18;
	s15 =	sadd.s32 $0xFFFFFF80, s15;
	vm5 =	vmand vm7, vm2;
	vm2 =	vmor vm0, vm7;
	[tilespmem:s16+$0x1000] =	vst v0;
	v28 =	vld [tilespmem:s16+$0x2000];
	v19 =	vadd.s32 v19, v20  }
0x31f: {  	s21 =	sadd.s32 $0x2, s17;
	vm4 =	vmand vm4, vm6;
	s20 =	sadd.s32 $0x60, s18;
	v29 =	vld [tilespmem:s15+$0xFFFFC070];
	[tilespmem:s16+$0x2000] =	vst v0;
	v19 =	vadd.s32 v22, v19;
	vm0 =	vmneg vm2;
	s16 =	smov.u32 s15  }
0x320: {  	s20 =	sand.u32 $0xF80, s20;
	v16 =	vsel vm4, s21, v16;
	s21 =	sadd.s32 $0x1, s17;
	[tilespmem:s15+$0xFFFFC070] =	vst v0;
	v20 =	vld [tilespmem:s15+$0xFFFFC060];
	v19 =	vadd.s32 v23, v19  }
0x321: {  	v16 =	vsel vm5, s21, v16;
	v30 =	vld [tilespmem:s20+$0x9870];
	[tilespmem:s15+$0xFFFFC060] =	vst v0;
	v19 =	vadd.s32 v24, v19  }
.Ltmp11:
0x322: {  	[tilespmem:s20+$0x9870] =	vst v0;
	v21 =	vld [tilespmem:s20+$0xA870];
	v19 =	vadd.s32 v27, v19;
	(pc) =	sbr.rel @p1 .LBB2_19-.Ltmp11, $4  }
0x323: {  	[tilespmem:s20+$0xA870] =	vst v0;
	v22 =	vld [tilespmem:s20+$0xB870];
	v19 =	vadd.s32 v28, v19  }
0x324: {  	v17 =	vsel vm3, v14, v17;
	[tilespmem:s20+$0xB870] =	vst v0;
	v23 =	vld [tilespmem:s20+$0xC870];
	v14 =	vadd.s32 v26, v19  }
0x325: {  	v17 =	vsel vm4, v18, v17;
	[tilespmem:s20+$0xC870] =	vst v0;
	v24 =	vld [tilespmem:s20+$0xD870];
	v19 =	vadd.s32 v14, v29;
	vm4 =	vge.s32 v14, v12  }
0x326: {  	s21 =	sadd.s32 $0x50, s18;
	v17 =	vsel vm5, v25, v17;
	[tilespmem:s20+$0xD870] =	vst v0;
	v18 =	vld [tilespmem:s20+$0xE870];
	v19 =	vadd.s32 v30, v19;
	vm3 =	vmand vm4, vm0  }
0x327: {  	v25 =	vld [tilespmem:s20+$0xF870]  }
0x328: {  	v32 =	vld [tilespmem:s15+$0xFFFFC050]  }
0x329: {  	v34 =	vld [tilespmem:s15+$0xFFFFC040]  }
0x32a: {  	v36 =	vld [tilespmem:s15+$0xFFFFC030]  }
0x32b: {  	v40 =	vld [tilespmem:s15+$0xFFFFC020]  }
0x32c: {  	v45 =	vld [tilespmem:s15+$0xFFFFC010]  }
0x32d: {  	v51 =	vld [tilespmem:s15+$0x3000]  }
0x32e: {  	v56 =	vld [tilespmem:s15+$0xFFFFC000]  }
0x32f: {  	v57 =	vld [tilespmem:s15+$0xFFFFD000]  }
0x330: {  	s19 =	sand.u32 $0xF80, s21;
	v19 =	vadd.s32 v21, v19;
	v59 =	vld [tilespmem:s15+$0xFFFFE000]  }
0x331: {  	v26 =	vld [tilespmem:s19+$0x9860];
	v19 =	vadd.s32 v22, v19  }
0x332: {  	v21 =	vld [tilespmem:s19+$0xA860];
	v19 =	vadd.s32 v23, v19  }
0x333: {  	[tilespmem:s14+$0xE870] =	vst v0;
	v22 =	vld [tilespmem:s19+$0xB860];
	v19 =	vadd.s32 v24, v19  }
0x334: {  	[tilespmem:s20+$0xF870] =	vst v0;
	v31 =	vld [tilespmem:s19+$0xD860];
	v18 =	vadd.s32 v18, v19  }
0x335: {  	[tilespmem:s15+$0xFFFFC050] =	vst v0;
	v23 =	vld [tilespmem:s19+$0xC860];
	v18 =	vadd.s32 v25, v18  }
0x336: {  	[tilespmem:s15+$0xFFFFC040] =	vst v0;
	v27 =	vld [tilespmem:s19+$0xF860];
	v20 =	vadd.s32 v20, v18  }
0x337: {  	[tilespmem:s15+$0xFFFFC010] =	vst v0;
	s21 =	sand.u32 $0xF80, s18;
	v19 =	vld [tilespmem:s19+$0xE860];
	v20 =	vadd.s32 v26, v20  }
0x338: {  	s28 =	sadd.s32 $0x40, s18;
	[tilespmem:s15+$0xFFFFC030] =	vst v0;
	v52 =	vld [tilespmem:s21+$0x9810];
	v20 =	vadd.s32 v21, v20  }
0x339: {  	[tilespmem:s15+$0xFFFFC020] =	vst v0;
	s14 =	sand.u32 $0xF80, s28;
	v53 =	vld [tilespmem:s21+$0xA810];
	v20 =	vadd.s32 v22, v20  }
0x33a: {  	[tilespmem:s15+$0x3000] =	vst v0;
	v33 =	vld [tilespmem:s14+$0x9850];
	v20 =	vadd.s32 v23, v20  }
0x33b: {  	[tilespmem:s19+$0x9860] =	vst v0;
	v21 =	vld [tilespmem:s14+$0xA850];
	v20 =	vadd.s32 v31, v20  }
0x33c: {  	[tilespmem:s19+$0xA860] =	vst v0;
	v22 =	vld [tilespmem:s14+$0xB850];
	v19 =	vadd.s32 v19, v20  }
0x33d: {  	[tilespmem:s19+$0xB860] =	vst v0;
	v23 =	vld [tilespmem:s14+$0xC850];
	v20 =	vadd.s32 v27, v19  }
0x33e: {  	[tilespmem:s19+$0xD860] =	vst v0;
	v28 =	vld [tilespmem:s14+$0xD850];
	v25 =	vadd.s32 v32, v20  }
0x33f: {  	[tilespmem:s19+$0xF860] =	vst v0;
	v19 =	vld [tilespmem:s14+$0xE850];
	v25 =	vadd.s32 v33, v25  }
0x340: {  	s29 =	sadd.s32 $0x30, s18;
	[tilespmem:s19+$0xC860] =	vst v0;
	v35 =	vld [tilespmem:s14+$0xF850];
	v21 =	vadd.s32 v21, v25  }
0x341: {  	v54 =	vld [tilespmem:s21+$0xB810];
	[tilespmem:s19+$0xE860] =	vst v0;
	s19 =	sand.u32 $0xF80, s29;
	v21 =	vadd.s32 v22, v21  }
0x342: {  	[tilespmem:s15+$0xFFFFC000] =	vst v0;
	v37 =	vld [tilespmem:s19+$0x9840];
	v21 =	vadd.s32 v23, v21  }
0x343: {  	[tilespmem:s14+$0x9850] =	vst v0;
	v22 =	vld [tilespmem:s19+$0xA840];
	v21 =	vadd.s32 v28, v21  }
0x344: {  	[tilespmem:s14+$0xD850] =	vst v0;
	v23 =	vld [tilespmem:s19+$0xB840];
	v19 =	vadd.s32 v19, v21  }
0x345: {  	[tilespmem:s14+$0xF850] =	vst v0;
	v38 =	vld [tilespmem:s19+$0xC840];
	v21 =	vadd.s32 v35, v19  }
0x346: {  	v29 =	vld [tilespmem:s19+$0xD840];
	[tilespmem:s14+$0xA850] =	vst v0;
	v24 =	vadd.s32 v34, v21  }
0x347: {  	[tilespmem:s14+$0xB850] =	vst v0;
	v19 =	vld [tilespmem:s19+$0xE840];
	v24 =	vadd.s32 v37, v24  }
0x348: {  	s30 =	sadd.s32 $0x20, s18;
	v39 =	vld [tilespmem:s19+$0xF840];
	[tilespmem:s14+$0xC850] =	vst v0;
	v22 =	vadd.s32 v22, v24  }
0x349: {  	v55 =	vld [tilespmem:s21+$0xC810];
	[tilespmem:s14+$0xE850] =	vst v0;
	s14 =	sand.u32 $0xF80, s30;
	v22 =	vadd.s32 v23, v22  }
0x34a: {  	[tilespmem:s15+$0xFFFFD000] =	vst v0;
	v41 =	vld [tilespmem:s14+$0x9830];
	v22 =	vadd.s32 v38, v22  }
0x34b: {  	[tilespmem:s19+$0x9840] =	vst v0;
	v23 =	vld [tilespmem:s14+$0xA830];
	v22 =	vadd.s32 v29, v22  }
0x34c: {  	[tilespmem:s19+$0xC840] =	vst v0;
	v42 =	vld [tilespmem:s14+$0xB830];
	v19 =	vadd.s32 v19, v22  }
0x34d: {  	[tilespmem:s19+$0xD840] =	vst v0;
	v43 =	vld [tilespmem:s14+$0xC830];
	v19 =	vadd.s32 v39, v19  }
0x34e: {  	[tilespmem:s19+$0xF840] =	vst v0;
	v22 =	vld [tilespmem:s14+$0xD830];
	v26 =	vadd.s32 v36, v19  }
0x34f: {  	v44 =	vld [tilespmem:s14+$0xE830];
	[tilespmem:s19+$0xA840] =	vst v0;
	v24 =	vadd.s32 v41, v26  }
0x350: {  	s31 =	sadd.s32 $0x10, s18;
	v30 =	vld [tilespmem:s14+$0xF830];
	[tilespmem:s19+$0xB840] =	vst v0;
	v23 =	vadd.s32 v23, v24  }
0x351: {  	v58 =	vld [tilespmem:s21+$0xE810];
	[tilespmem:s19+$0xE840] =	vst v0;
	s19 =	sand.u32 $0xF80, s31;
	v23 =	vadd.s32 v42, v23  }
0x352: {  	[tilespmem:s15+$0xFFFFE000] =	vst v0;
	v46 =	vld [tilespmem:s19+$0x9820];
	v23 =	vadd.s32 v43, v23  }
0x353: {  	[tilespmem:s20+$0xE870] =	vst v0;
	v47 =	vld [tilespmem:s19+$0xA820];
	v22 =	vadd.s32 v22, v23  }
0x354: {  	[tilespmem:s21+$0x9810] =	vst v0;
	v48 =	vld [tilespmem:s19+$0xB820];
	v22 =	vadd.s32 v44, v22  }
0x355: {  	[tilespmem:s21+$0xA810] =	vst v0;
	v23 =	vld [tilespmem:s19+$0xC820];
	v22 =	vadd.s32 v30, v22  }
0x356: {  	[tilespmem:s21+$0xB810] =	vst v0;
	v49 =	vld [tilespmem:s19+$0xD820];
	v25 =	vadd.s32 v40, v22  }
0x357: {  	[tilespmem:s21+$0xC810] =	vst v0;
	v50 =	vld [tilespmem:s19+$0xE820];
	v24 =	vadd.s32 v46, v25  }
0x358: {  	[tilespmem:s21+$0xE810] =	vst v0;
	v31 =	vld [tilespmem:s19+$0xF820];
	v24 =	vadd.s32 v47, v24  }
0x359: {  	v60 =	vld [tilespmem:s21+$0xF810];
	[tilespmem:s21+$0xF810] =	vst v0;
	v24 =	vadd.s32 v48, v24  }
0x35a: {  	vm2 =	vmor vm2, vm4;
	v15 =	vsel vm3, v15, v17;
	[tilespmem:s14+$0x9830] =	vst v0;
	v23 =	vadd.s32 v23, v24  }
0x35b: {  	vm0 =	vmneg vm2;
	vm4 =	vge.s32 v18, v12;
	[tilespmem:s14+$0xB830] =	vst v0;
	v23 =	vadd.s32 v49, v23  }
0x35c: {  	vm0 =	vmand vm4, vm0;
	vm2 =	vmor vm2, vm4;
	[tilespmem:s14+$0xC830] =	vst v0;
	v23 =	vadd.s32 v50, v23  }
0x35d: {  	vm4 =	vmneg vm2;
	[tilespmem:s14+$0xE830] =	vst v0;
	vm5 =	vge.s32 v20, v12;
	v17 =	vadd.s32 v31, v23  }
0x35e: {  	v14 =	vsel vm0, v14, v15;
	[tilespmem:s14+$0xF830] =	vst v0;
	vm4 =	vmand vm5, vm4;
	v23 =	vld [tilespmem:s21+$0xD810];
	v15 =	vadd.s32 v45, v17  }
0x35f: {  	s22 =	sadd.s32 $0xFFFFFFF8, s17;
	v14 =	vsel vm4, v18, v14;
	v18 =	vld [tilespmem:s15+$0xFFFFF000];
	[tilespmem:s15+$0xFFFFF000] =	vst v0;
	v15 =	vadd.s32 v52, v15  }
0x360: {  	v16 =	vsel vm3, s17, v16;
	s23 =	sadd.s32 $0x7, s22;
	vm2 =	vmor vm2, vm5;
	[tilespmem:s19+$0x9820] =	vst v0;
	v15 =	vadd.s32 v53, v15  }
0x361: {  	s24 =	sadd.s32 $0x6, s22;
	v16 =	vsel vm0, s23, v16;
	vm5 =	vmneg vm2;
	[tilespmem:s19+$0xA820] =	vst v0;
	v15 =	vadd.s32 v54, v15  }
0x362: {  	v16 =	vsel vm4, s24, v16;
	[tilespmem:s19+$0xB820] =	vst v0;
	vm6 =	vge.s32 v21, v12;
	v15 =	vadd.s32 v55, v15  }
0x363: {  	[tilespmem:s19+$0xD820] =	vst v0;
	vm5 =	vmand vm6, vm5;
	vm0 =	vmor vm2, vm6;
	v15 =	vadd.s32 v23, v15  }
0x364: {  	[tilespmem:s19+$0xE820] =	vst v0;
	vm2 =	vmneg vm0;
	vm3 =	vge.s32 v19, v12;
	v15 =	vadd.s32 v58, v15  }
0x365: {  	[tilespmem:s19+$0xF820] =	vst v0;
	v14 =	vsel vm5, v20, v14;
	v20 =	vld [tilespmem:s15+$0x0];
	vm2 =	vmand vm3, vm2;
	v15 =	vadd.s32 v60, v15  }
0x366: {  	s25 =	sadd.s32 $0x5, s22;
	[tilespmem:s15+$0x0] =	vst v0;
	vm0 =	vmor vm0, vm3;
	v14 =	vsel vm2, v21, v14;
	v23 =	vld [tilespmem:s15+$0x1000];
	v21 =	vadd.s32 v56, v15  }
0x367: {  	s26 =	sadd.s32 $0x4, s22;
	v16 =	vsel vm5, s25, v16;
	[tilespmem:s14+$0xA830] =	vst v0;
	v61 =	vld [tilespmem:s16+$0x2000];
	vm3 =	vmneg vm0;
	v21 =	vadd.s32 v57, v21  }
0x368: {  	[tilespmem:s14+$0xD830] =	vst v0;
	v16 =	vsel vm2, s26, v16;
	vm4 =	vge.s32 v22, v12;
	v21 =	vadd.s32 v59, v21  }
0x369: {  	s28 =	sadd.s32 $0x3, s22;
	[tilespmem:s19+$0xC820] =	vst v0;
	vm3 =	vmand vm4, vm3;
	vm0 =	vmor vm0, vm4;
	v18 =	vadd.s32 v18, v21  }
0x36a: {  	v16 =	vsel vm3, s28, v16;
	[tilespmem:s21+$0xD810] =	vst v0;
	vm2 =	vge.s32 v17, v12;
	v18 =	vadd.s32 v20, v18  }
0x36b: {  	v14 =	vsel vm3, v19, v14;
	vm4 =	vmor vm0, vm2;
	[tilespmem:s16+$0x1000] =	vst v0;
	v18 =	vadd.s32 v23, v18  }
0x36c: {  	s29 =	simm.s32 $0x4840;
	vm0 =	vmneg vm0;
	[tilespmem:s16+$0x2000] =	vst v0;
	vm6 =	vge.s32 v15, v12;
	v18 =	vadd.s32 v61, v18  }
0x36d: {  	vm5 =	vmneg vm4;
	vm4 =	vmor vm4, vm6;
	v20 =	vld [tilespmem:s29+$0xFFFFFFC0];
	v18 =	vadd.s32 v51, v18  }
0x36e: {  	s30 =	sadd.s32 $0x2, s22;
	vm0 =	vmand vm2, vm0;
	vm2 =	vmneg vm4;
	vm4 =	vge.s32 v18, v12;
	v18 =	vld [tilespmem:s29+$0xFFFFFFF0]  }
0x36f: {  	s31 =	sadd.s32 $0x1, s22;
	v16 =	vsel vm0, s30, v16;
	v14 =	vsel vm0, v22, v14;
	v19 =	vld [tilespmem:s29+$0x30];
	vm5 =	vmand vm6, vm5  }
0x370: {  	v16 =	vsel vm5, s31, v16;
	v14 =	vsel vm5, v17, v14;
	vm2 =	vmand vm4, vm2  }
0x371: {  	v13 =	vshll.u32 v13, $0x8;
	v16 =	vsel vm2, s22, v16;
	v14 =	vsel vm2, v15, v14  }
0x372: {  	v22 =	vld [tilespmem:s29+$0x0];
	v13 =	vor.u32 v13, v16;
	v16 =	vshrl.u32 v20, $0x8;
	v20 =	vshll.u32 v20, $0x4  }
0x373: {  	vm0 =	veq.s32 v16, v13;
	v16 =	vor.u32 v2, v20;
	v15 =	vshll.u32 v18, $0x4  }
0x374: {  	v21 =	vld [tilespmem:s29+$0xFFFFFFE0];
	v23 =	vand.u32 $0xFFF, v16;
	v16 =	vshrl.u32 v18, $0x8;
	v18 =	vshll.u32 v19, $0x4  }
0x375: {  	v19 =	vshrl.u32 v19, $0x8;
	v17 =	vand.u32 $0xFF0, v15;
	v15 =	vld [tilespmem:s29+$0x20];
	vm3 =	veq.s32 v16, v13  }
0x376: {  	v62 =	vand.u32 $0xFF0, v18;
	v16 =	vld [tilespmem:s29+$0xFFFFFFD0];
	vm4 =	veq.s32 v19, v13;
	v18 =	vor.u32 v6, v17  }
0x377: {  	v63 =	vshrl.u32 v22, $0x8;
	v22 =	vshll.u32 v22, $0x4;
	v17 =	vor.u32 v10, v62  }
0x378: {  	v22 =	vand.u32 $0xFF0, v22;
	v19 =	vld [tilespmem:s29+$0x10]  }
0x379: {  	s14 =	simm.s32 $0x0;
	s15 =	simm.s32 $0x48C0;
	v20 =	vshll.u32 v21, $0x4;
	v21 =	vshrl.u32 v21, $0x8;
	vm2 =	veq.s32 v63, v13;
	[tilespmem:v23+s9+$0x0] =	vst.idx.add.s32.msk vm0, v3  }
.LBB2_21:
0x37a: {  	v23 =	vld [tilespmem:s15+$0xFFFFFFF0];
	s14 =	sadd.s32 $0x8, s14;
	vm0 =	veq.s32 v21, v13;
	v20 =	vand.u32 $0xFF0, v20;
	v21 =	vor.u32 v7, v22  }
0x37b: {  	v22 =	vshrl.u32 v16, $0x8;
	p1 =	slt.u32 s14, $0x3F8;
	v20 =	vor.u32 v5, v20;
	[tilespmem:v18+s9+$0x0] =	vst.idx.add.s32.msk vm3, v3;
	v18 =	vshrl.u32 v15, $0x8  }
0x37c: {  	vm6 =	veq.s32 v22, v13;
	v15 =	vshll.u32 v15, $0x4;
	vm5 =	veq.s32 v18, v13;
	[tilespmem:v17+s9+$0x0] =	vst.idx.add.s32.msk vm4, v3  }
0x37d: {  	v16 =	vshll.u32 v16, $0x4;
	v15 =	vand.u32 $0xFF0, v15;
	v17 =	vld [tilespmem:s15+$0xFFFFFFC0];
	v18 =	vshll.u32 v19, $0x4  }
0x37e: {  	v16 =	vand.u32 $0xFF0, v16;
	v19 =	vshrl.u32 v19, $0x8;
	v24 =	vor.u32 v9, v15;
	v22 =	vld [tilespmem:s15+$0x30]  }
0x37f: {  	vm7 =	veq.s32 v19, v13;
	v18 =	vand.u32 $0xFF0, v18;
	v25 =	vshll.u32 v23, $0x4;
	v15 =	vld [tilespmem:s15+$0x20]  }
0x380: {  	v26 =	vor.u32 v4, v16;
	v27 =	vor.u32 v8, v18;
	v19 =	vld [tilespmem:s15+$0xFFFFFFE0]  }
0x381: {  	[tilespmem:v20+s9+$0x0] =	vst.idx.add.s32.msk vm0, v3  }
0x382: {  	v16 =	vshrl.u32 v17, $0x8;
	v17 =	vshll.u32 v17, $0x4;
	[tilespmem:v21+s9+$0x0] =	vst.idx.add.s32.msk vm2, v3  }
0x383: {  	vm0 =	veq.s32 v16, v13;
	v16 =	vor.u32 v2, v17;
	v17 =	vshrl.u32 v23, $0x8;
	v23 =	vld [tilespmem:s15+$0x0]  }
0x384: {  	v18 =	vand.u32 $0xFF0, v25;
	v20 =	vshll.u32 v22, $0x4;
	v28 =	vand.u32 $0xFFF, v16;
	v16 =	vld [tilespmem:s15+$0xFFFFFFD0]  }
.Ltmp12:
0x385: {  	vm3 =	veq.s32 v17, v13;
	v17 =	vshrl.u32 v22, $0x8;
	v21 =	vand.u32 $0xFF0, v20;
	[tilespmem:v26+s9+$0x0] =	vst.idx.add.s32.msk vm6, v3;
	(pc) =	sbr.rel @p1 .LBB2_21-.Ltmp12, $4  }
0x386: {  	v18 =	vor.u32 v6, v18;
	vm4 =	veq.s32 v17, v13;
	[tilespmem:v24+s9+$0x0] =	vst.idx.add.s32.msk vm5, v3  }
0x387: {  	v20 =	vshll.u32 v19, $0x4;
	v17 =	vor.u32 v10, v21;
	[tilespmem:v27+s9+$0x0] =	vst.idx.add.s32.msk vm7, v3  }
0x388: {  	v21 =	vshrl.u32 v19, $0x8;
	v22 =	vshrl.u32 v23, $0x8;
	v23 =	vshll.u32 v23, $0x4;
	v19 =	vld [tilespmem:s15+$0x10]  }
0x389: {  	s15 =	sadd.s32 $0x80, s15;
	[tilespmem:v28+s9+$0x0] =	vst.idx.add.s32.msk vm0, v3;
	vm2 =	veq.s32 v22, v13;
	v22 =	vand.u32 $0xFF0, v23  }
0x38a: {  	vm0 =	veq.s32 v21, v13;
	v20 =	vand.u32 $0xFF0, v20;
	v21 =	vor.u32 v7, v22  }
0x38b: {  	v22 =	vshrl.u32 v16, $0x8;
	v23 =	vshrl.u32 v15, $0x8;
	v16 =	vshll.u32 v16, $0x4  }
0x38c: {  	v15 =	vshll.u32 v15, $0x4;
	v20 =	vor.u32 v5, v20;
	vm5 =	veq.s32 v22, v13  }
0x38d: {  	vm6 =	veq.s32 v23, v13;
	v16 =	vand.u32 $0xFF0, v16;
	v15 =	vand.u32 $0xFF0, v15  }
0x38e: {  	v16 =	vor.u32 v4, v16;
	v22 =	vshll.u32 v19, $0x4;
	v19 =	vshrl.u32 v19, $0x8  }
0x38f: {  	[tilespmem:v18+s9+$0x0] =	vst.idx.add.s32.msk vm3, v3;
	v15 =	vor.u32 v9, v15;
	vm3 =	veq.s32 v19, v13;
	v18 =	vand.u32 $0xFF0, v22  }
0x390: {  	[tilespmem:v17+s9+$0x0] =	vst.idx.add.s32.msk vm4, v3;
	v17 =	vor.u32 v8, v18  }
0x391: {  	[tilespmem:v21+s9+$0x0] =	vst.idx.add.s32.msk vm2, v3  }
0x392: {  	[tilespmem:v20+s9+$0x0] =	vst.idx.add.s32.msk vm0, v3  }
0x393: {  	[tilespmem:v16+s9+$0x0] =	vst.idx.add.s32.msk vm5, v3  }
0x394: {  	[tilespmem:v15+s9+$0x0] =	vst.idx.add.s32.msk vm6, v3  }
0x395: {  	s16 =	simm.s32 $0xD780;
	[tilespmem:v17+s9+$0x0] =	vst.idx.add.s32.msk vm3, v3  }
0x396: {  	v16 =	vld [tilespmem:s16+$0xFFFFC070]  }
0x397: {  	v22 =	vld [tilespmem:s16+$0xFFFFC060]  }
0x398: {  	v24 =	vld [tilespmem:s16+$0xFFFFC050]  }
0x399: {  	s14 =	simm.s32 $0xFF0;
	v25 =	vld [tilespmem:s16+$0xFFFFC040]  }
0x39a: {  	s14 =	sand.u32 $0xF80, s14;
	[tilespmem:s16+$0xFFFFC070] =	vst v0;
	v26 =	vld [tilespmem:s16+$0xFFFFC030]  }
0x39b: {  	v17 =	vld [tilespmem:s14+$0x9870]  }
0x39c: {  	v18 =	vld [tilespmem:s14+$0xA870]  }
0x39d: {  	[tilespmem:s16+$0xFFFFC060] =	vst v0;
	v19 =	vld [tilespmem:s14+$0xB870]  }
0x39e: {  	v15 =	vimm.s32 $0x0;
	[tilespmem:s16+$0xFFFFC050] =	vst v0;
	v20 =	vld [tilespmem:s14+$0xC870]  }
0x39f: {  	[tilespmem:s16+$0xFFFFC040] =	vst v0;
	v21 =	vld [tilespmem:s14+$0xD870];
	v16 =	vadd.s32 v15, v16  }
0x3a0: {  	[tilespmem:s16+$0xFFFFC030] =	vst v0;
	v23 =	vld [tilespmem:s14+$0xE870];
	v16 =	vadd.s32 v17, v16  }
0x3a1: {  	s15 =	simm.s32 $0xFE0;
	[tilespmem:s14+$0x9870] =	vst v0;
	v17 =	vld [tilespmem:s14+$0xF870];
	v16 =	vadd.s32 v18, v16  }
0x3a2: {  	s15 =	sand.u32 $0xF80, s15;
	[tilespmem:s14+$0xA870] =	vst v0;
	v16 =	vadd.s32 v19, v16  }
0x3a3: {  	[tilespmem:s14+$0xB870] =	vst v0;
	v18 =	vld [tilespmem:s15+$0x9860];
	v16 =	vadd.s32 v20, v16  }
0x3a4: {  	[tilespmem:s15+$0x9860] =	vst v0;
	v19 =	vld [tilespmem:s15+$0xA860];
	v16 =	vadd.s32 v21, v16  }
0x3a5: {  	[tilespmem:s15+$0xA860] =	vst v0;
	v20 =	vld [tilespmem:s15+$0xB860];
	v16 =	vadd.s32 v23, v16  }
0x3a6: {  	[tilespmem:s15+$0xB860] =	vst v0;
	v21 =	vld [tilespmem:s15+$0xC860];
	v16 =	vadd.s32 v17, v16  }
0x3a7: {  	[tilespmem:s15+$0xC860] =	vst v0;
	v23 =	vld [tilespmem:s15+$0xD860];
	v22 =	vadd.s32 v22, v16  }
0x3a8: {  	s17 =	simm.s32 $0xFD0;
	[tilespmem:s15+$0xD860] =	vst v0;
	v17 =	vld [tilespmem:s15+$0xE860];
	v18 =	vadd.s32 v18, v22  }
0x3a9: {  	s17 =	sand.u32 $0xF80, s17;
	[tilespmem:s15+$0xE860] =	vst v0;
	v22 =	vld [tilespmem:s15+$0xF860];
	v18 =	vadd.s32 v19, v18  }
0x3aa: {  	v19 =	vld [tilespmem:s17+$0x9850];
	[tilespmem:s17+$0x9850] =	vst v0;
	v18 =	vadd.s32 v20, v18  }
0x3ab: {  	v20 =	vld [tilespmem:s17+$0xA850];
	[tilespmem:s17+$0xA850] =	vst v0;
	v18 =	vadd.s32 v21, v18  }
0x3ac: {  	v21 =	vld [tilespmem:s17+$0xB850];
	[tilespmem:s17+$0xB850] =	vst v0;
	v18 =	vadd.s32 v23, v18  }
0x3ad: {  	v23 =	vld [tilespmem:s17+$0xC850];
	[tilespmem:s17+$0xC850] =	vst v0;
	v17 =	vadd.s32 v17, v18  }
0x3ae: {  	v18 =	vadd.s32 v22, v17;
	v17 =	vld [tilespmem:s17+$0xD850];
	[tilespmem:s17+$0xD850] =	vst v0  }
0x3af: {  	s21 =	simm.s32 $0xFB0;
	v22 =	vadd.s32 v24, v18;
	v24 =	vld [tilespmem:s17+$0xE850];
	[tilespmem:s17+$0xE850] =	vst v0  }
0x3b0: {  	s20 =	simm.s32 $0xFC0;
	v19 =	vadd.s32 v19, v22;
	v22 =	vld [tilespmem:s17+$0xF850];
	[tilespmem:s17+$0xF850] =	vst v0;
	s17 =	sand.u32 $0xF80, s21  }
0x3b1: {  	[tilespmem:s15+$0xF860] =	vst v0;
	s15 =	sand.u32 $0xF80, s20;
	v19 =	vadd.s32 v20, v19;
	v27 =	vld [tilespmem:s17+$0xE830]  }
0x3b2: {  	[tilespmem:s14+$0xC870] =	vst v0;
	v19 =	vadd.s32 v21, v19;
	v21 =	vld [tilespmem:s15+$0x9840]  }
0x3b3: {  	[tilespmem:s15+$0x9840] =	vst v0;
	v19 =	vadd.s32 v23, v19;
	v23 =	vld [tilespmem:s15+$0xA840]  }
0x3b4: {  	[tilespmem:s15+$0xA840] =	vst v0;
	v17 =	vadd.s32 v17, v19;
	v19 =	vld [tilespmem:s15+$0xB840]  }
0x3b5: {  	[tilespmem:s15+$0xB840] =	vst v0;
	v17 =	vadd.s32 v24, v17;
	v24 =	vld [tilespmem:s15+$0xC840]  }
0x3b6: {  	[tilespmem:s15+$0xC840] =	vst v0;
	v20 =	vadd.s32 v22, v17;
	v17 =	vld [tilespmem:s15+$0xD840]  }
0x3b7: {  	[tilespmem:s15+$0xD840] =	vst v0;
	v22 =	vadd.s32 v25, v20;
	v25 =	vld [tilespmem:s15+$0xE840]  }
0x3b8: {  	v12 =	vsub.s32 v12, v14;
	[tilespmem:s15+$0xE840] =	vst v0;
	v21 =	vadd.s32 v21, v22;
	v22 =	vld [tilespmem:s15+$0xF840]  }
0x3b9: {  	s22 =	simm.s32 $0xFA0;
	vm2 =	vge.s32 v16, v12;
	[tilespmem:s15+$0xF840] =	vst v0;
	v21 =	vadd.s32 v23, v21;
	v23 =	vld [tilespmem:s16+$0xFFFFC020]  }
0x3ba: {  	vm3 =	vmor vm8, vm2;
	s15 =	sand.u32 $0xF80, s22;
	[tilespmem:s16+$0xFFFFC020] =	vst v0;
	v19 =	vadd.s32 v19, v21;
	v21 =	vld [tilespmem:s17+$0x9830]  }
0x3bb: {  	[tilespmem:s14+$0xD870] =	vst v0;
	vm1 =	vmand vm2, vm1;
	vm0 =	vmneg vm3;
	v28 =	vld [tilespmem:s15+$0xE820];
	v19 =	vadd.s32 v24, v19  }
0x3bc: {  	v29 =	vsel vm1, v15, v15;
	vm4 =	vge.s32 v18, v12;
	[tilespmem:s17+$0xE830] =	vst v0;
	v24 =	vld [tilespmem:s17+$0xA830];
	v17 =	vadd.s32 v17, v19  }
0x3bd: {  	vm0 =	vmand vm4, vm0;
	vm3 =	vmor vm3, vm4;
	[tilespmem:s17+$0x9830] =	vst v0;
	v19 =	vld [tilespmem:s17+$0xB830];
	v17 =	vadd.s32 v25, v17  }
0x3be: {  	vm4 =	vmneg vm3;
	vm2 =	vge.s32 v20, v12;
	[tilespmem:s15+$0xE820] =	vst v0;
	v25 =	vld [tilespmem:s17+$0xC830];
	v17 =	vadd.s32 v22, v17  }
0x3bf: {  	v16 =	vsel vm0, v16, v29;
	vm4 =	vmand vm2, vm4;
	[tilespmem:s17+$0xA830] =	vst v0;
	v22 =	vld [tilespmem:s17+$0xD830];
	v26 =	vadd.s32 v26, v17  }
0x3c0: {  	v16 =	vsel vm4, v18, v16;
	v18 =	vld [tilespmem:s16+$0xFFFFF000];
	[tilespmem:s17+$0xB830] =	vst v0;
	v21 =	vadd.s32 v21, v26  }
0x3c1: {  	[tilespmem:s17+$0xC830] =	vst v0;
	v26 =	vld [tilespmem:s17+$0xF830];
	v21 =	vadd.s32 v24, v21  }
0x3c2: {  	[tilespmem:s17+$0xD830] =	vst v0;
	v24 =	vld [tilespmem:s16+$0xFFFFC010];
	v19 =	vadd.s32 v19, v21  }
0x3c3: {  	[tilespmem:s17+$0xF830] =	vst v0;
	v21 =	vld [tilespmem:s15+$0x9820];
	v19 =	vadd.s32 v25, v19  }
0x3c4: {  	[tilespmem:s15+$0x9820] =	vst v0;
	v25 =	vld [tilespmem:s15+$0xA820];
	v19 =	vadd.s32 v22, v19  }
0x3c5: {  	[tilespmem:s15+$0xA820] =	vst v0;
	v22 =	vld [tilespmem:s15+$0xB820];
	v19 =	vadd.s32 v27, v19  }
0x3c6: {  	[tilespmem:s15+$0xB820] =	vst v0;
	v27 =	vld [tilespmem:s15+$0xC820];
	v19 =	vadd.s32 v26, v19  }
0x3c7: {  	[tilespmem:s15+$0xC820] =	vst v0;
	v26 =	vld [tilespmem:s15+$0xD820];
	v23 =	vadd.s32 v23, v19  }
0x3c8: {  	[tilespmem:s15+$0xD820] =	vst v0;
	v21 =	vadd.s32 v21, v23;
	v23 =	vld [tilespmem:s15+$0xF820]  }
0x3c9: {  	s23 =	simm.s32 $0xF90;
	[tilespmem:s15+$0xF820] =	vst v0;
	s15 =	simm.s32 $0xD700;
	v21 =	vadd.s32 v25, v21;
	v25 =	vld [tilespmem:s16+$0x3000]  }
0x3ca: {  	s17 =	sand.u32 $0xF80, s23;
	[tilespmem:s16+$0xFFFFC010] =	vst v0;
	v63 =	vld [tilespmem:s15+$0xFFFFC070];
	v21 =	vadd.s32 v22, v21  }
0x3cb: {  	[tilespmem:s14+$0xF870] =	vst v0;
	v22 =	vld [tilespmem:s17+$0x9810];
	v21 =	vadd.s32 v27, v21  }
0x3cc: {  	[tilespmem:s16+$0xFFFFF000] =	vst v0;
	v27 =	vld [tilespmem:s17+$0xA810];
	v14 =	vadd.s32 v26, v21  }
0x3cd: {  	[tilespmem:s16+$0x3000] =	vst v0;
	v21 =	vld [tilespmem:s17+$0xB810];
	v14 =	vadd.s32 v28, v14  }
0x3ce: {  	[tilespmem:s15+$0xFFFFC070] =	vst v0;
	v26 =	vld [tilespmem:s17+$0xC810];
	v28 =	vadd.s32 v23, v14  }
0x3cf: {  	[tilespmem:s17+$0x9810] =	vst v0;
	v14 =	vld [tilespmem:s17+$0xD810];
	v23 =	vadd.s32 v24, v28  }
0x3d0: {  	[tilespmem:s17+$0xA810] =	vst v0;
	v24 =	vld [tilespmem:s17+$0xE810];
	v22 =	vadd.s32 v22, v23  }
0x3d1: {  	[tilespmem:s17+$0xB810] =	vst v0;
	v23 =	vld [tilespmem:s17+$0xF810];
	v22 =	vadd.s32 v27, v22  }
0x3d2: {  	vm2 =	vmor vm3, vm2;
	[tilespmem:s17+$0xC810] =	vst v0;
	v27 =	vld [tilespmem:s16+$0xFFFFC000];
	v21 =	vadd.s32 v21, v22  }
0x3d3: {  	s24 =	simm.s32 $0xFF;
	vm3 =	vmneg vm2;
	[tilespmem:s17+$0xD810] =	vst v0;
	v22 =	vld [tilespmem:s16+$0xFFFFD000];
	v21 =	vadd.s32 v26, v21  }
0x3d4: {  	vm5 =	vge.s32 v17, v12;
	[tilespmem:s17+$0xE810] =	vst v0;
	v26 =	vld [tilespmem:s16+$0xFFFFE000];
	v14 =	vadd.s32 v14, v21;
	v21 =	vsel vm1, s24, v15  }
0x3d5: {  	s25 =	simm.s32 $0xFE;
	[tilespmem:s17+$0xF810] =	vst v0;
	vm1 =	vmand vm5, vm3;
	vm3 =	vge.s32 v19, v12;
	v14 =	vadd.s32 v24, v14  }
0x3d6: {  	[tilespmem:s16+$0xFFFFC000] =	vst v0;
	v20 =	vsel vm1, v20, v16;
	v15 =	vadd.s32 v23, v14;
	v14 =	vsel vm0, s25, v21  }
0x3d7: {  	s26 =	simm.s32 $0xFD;
	[tilespmem:s16+$0xFFFFD000] =	vst v0;
	v24 =	vld [tilespmem:s16+$0x0];
	vm0 =	vmor vm2, vm5;
	vm5 =	vge.s32 v28, v12;
	v21 =	vadd.s32 v27, v15  }
0x3d8: {  	s18 =	simm.s32 $0xF70;
	[tilespmem:s16+$0xFFFFE000] =	vst v0;
	v16 =	vld [tilespmem:s16+$0x1000];
	v14 =	vsel vm4, s26, v14;
	vm2 =	vmneg vm0;
	v21 =	vadd.s32 v22, v21  }
0x3d9: {  	s28 =	simm.s32 $0xFC;
	s20 =	sand.u32 $0xF80, s18;
	[tilespmem:s16+$0x0] =	vst v0;
	vm4 =	vmor vm0, vm3;
	vm2 =	vmand vm3, vm2;
	v21 =	vadd.s32 v26, v21;
	v26 =	vld [tilespmem:s16+$0x2000]  }
0x3da: {  	[tilespmem:s16+$0x1000] =	vst v0;
	v23 =	vld [tilespmem:s20+$0xC870];
	v14 =	vsel vm1, s28, v14;
	vm1 =	vmor vm4, vm5;
	vm3 =	vge.s32 v15, v12  }
0x3db: {  	[tilespmem:s20+$0xC870] =	vst v0;
	v27 =	vld [tilespmem:s20+$0x9870];
	vm0 =	vmneg vm1;
	vm1 =	vmor vm1, vm3;
	v18 =	vadd.s32 v18, v21  }
0x3dc: {  	s29 =	simm.s32 $0xFB;
	[tilespmem:s20+$0x9870] =	vst v0;
	v22 =	vld [tilespmem:s20+$0xB870];
	vm0 =	vmand vm3, vm0;
	vm3 =	vmneg vm4;
	v18 =	vadd.s32 v24, v18  }
0x3dd: {  	s30 =	simm.s32 $0xFA;
	[tilespmem:s20+$0xB870] =	vst v0;
	v14 =	vsel vm2, s29, v14;
	v21 =	vld [tilespmem:s20+$0xA870];
	vm3 =	vmand vm5, vm3;
	v16 =	vadd.s32 v16, v18  }
0x3de: {  	s31 =	simm.s32 $0xF9;
	[tilespmem:s16+$0x2000] =	vst v0;
	v17 =	vsel vm2, v17, v20;
	v14 =	vsel vm3, s30, v14;
	v18 =	vadd.s32 v26, v16  }
0x3df: {  	v20 =	vld [tilespmem:s15+$0xFFFFC060];
	[tilespmem:s15+$0xFFFFC060] =	vst v0;
	vm4 =	vmneg vm1;
	v16 =	vsel vm0, s31, v14;
	v14 =	vadd.s32 v25, v18  }
0x3e0: {  	s19 =	simm.s32 $0x8;
	s18 =	simm.s32 $0xF10;
	[tilespmem:s20+$0xA870] =	vst v0;
	v24 =	vld [tilespmem:s20+$0xD870];
	v17 =	vsel vm3, v19, v17;
	v25 =	vadd.s32 v14, v63;
	vm2 =	vge.s32 v14, v12  }
0x3e1: {  	s21 =	simm.s32 $0xF60;
	s17 =	simm.s32 $0xF8;
	s16 =	simm.s32 $0xD700;
	[tilespmem:s20+$0xD870] =	vst v0;
	v17 =	vsel vm0, v28, v17;
	v18 =	vld [tilespmem:s20+$0xE870];
	v19 =	vadd.s32 v27, v25;
	vm3 =	vmand vm2, vm4  }
.LBB2_23:
0x3e2: {  	s19 =	sadd.s32 $0x8, s19;
	v25 =	vld [tilespmem:s20+$0xF870];
	v19 =	vadd.s32 v21, v19;
	s21 =	sand.u32 $0xF80, s21;
	[tilespmem:s14+$0xE870] =	vst v0;
	v16 =	vsel vm3, s17, v16;
	v15 =	vsel vm3, v15, v17;
	s17 =	sadd.s32 $0xFFFFFFF8, s17  }
0x3e3: {  	vm1 =	vmor vm1, vm2;
	s14 =	smov.u32 s20;
	p1 =	slt.u32 s19, $0xF8;
	[tilespmem:s20+$0xF870] =	vst v0;
	v17 =	vadd.s32 v22, v19;
	v19 =	vld [tilespmem:s21+$0x9860]  }
0x3e4: {  	v17 =	vadd.s32 v23, v17;
	[tilespmem:s21+$0x9860] =	vst v0;
	v21 =	vld [tilespmem:s21+$0xA860]  }
0x3e5: {  	v17 =	vadd.s32 v24, v17;
	[tilespmem:s21+$0xA860] =	vst v0;
	v22 =	vld [tilespmem:s21+$0xB860]  }
0x3e6: {  	v17 =	vadd.s32 v18, v17;
	[tilespmem:s21+$0xB860] =	vst v0;
	v18 =	vld [tilespmem:s21+$0xC860]  }
0x3e7: {  	v17 =	vadd.s32 v25, v17;
	[tilespmem:s21+$0xC860] =	vst v0;
	v23 =	vld [tilespmem:s21+$0xD860]  }
0x3e8: {  	vm2 =	vge.s32 v17, v12;
	[tilespmem:s21+$0xD860] =	vst v0;
	v24 =	vld [tilespmem:s21+$0xE860];
	v20 =	vadd.s32 v20, v17  }
0x3e9: {  	s20 =	sadd.s32 $0x40, s18;
	[tilespmem:s21+$0xE860] =	vst v0;
	v19 =	vadd.s32 v19, v20;
	v20 =	vld [tilespmem:s15+$0xFFFFC050]  }
0x3ea: {  	s20 =	sand.u32 $0xF80, s20;
	v25 =	vld [tilespmem:s21+$0xF860];
	v19 =	vadd.s32 v21, v19;
	[tilespmem:s15+$0xFFFFC050] =	vst v0  }
0x3eb: {  	[tilespmem:s21+$0xF860] =	vst v0;
	v19 =	vadd.s32 v22, v19;
	v21 =	vld [tilespmem:s20+$0x9850]  }
0x3ec: {  	v18 =	vadd.s32 v18, v19;
	[tilespmem:s20+$0x9850] =	vst v0;
	v19 =	vld [tilespmem:s20+$0xA850]  }
0x3ed: {  	v18 =	vadd.s32 v23, v18;
	[tilespmem:s20+$0xA850] =	vst v0;
	v22 =	vld [tilespmem:s20+$0xB850]  }
0x3ee: {  	v18 =	vadd.s32 v24, v18;
	[tilespmem:s20+$0xB850] =	vst v0;
	v23 =	vld [tilespmem:s20+$0xC850]  }
0x3ef: {  	vm0 =	vmor vm1, vm2;
	v18 =	vadd.s32 v25, v18;
	[tilespmem:s20+$0xC850] =	vst v0;
	v24 =	vld [tilespmem:s15+$0xFFFFC040]  }
0x3f0: {  	vm3 =	vmneg vm0;
	vm4 =	vge.s32 v18, v12;
	v25 =	vld [tilespmem:s20+$0xD850];
	v20 =	vadd.s32 v20, v18;
	[tilespmem:s15+$0xFFFFC040] =	vst v0  }
0x3f1: {  	vm3 =	vmand vm4, vm3;
	vm5 =	vmor vm0, vm4;
	[tilespmem:s20+$0xD850] =	vst v0;
	v26 =	vld [tilespmem:s20+$0xE850];
	v20 =	vadd.s32 v21, v20  }
0x3f2: {  	s21 =	sadd.s32 $0x30, s18;
	[tilespmem:s20+$0xE850] =	vst v0;
	v21 =	vld [tilespmem:s20+$0xF850];
	v19 =	vadd.s32 v19, v20;
	vm4 =	vmneg vm5  }
0x3f3: {  	[tilespmem:s20+$0xF850] =	vst v0;
	v19 =	vadd.s32 v22, v19;
	s20 =	sand.u32 $0xF80, s21;
	v20 =	vld [tilespmem:s15+$0xFFFFC030]  }
0x3f4: {  	v19 =	vadd.s32 v23, v19;
	v22 =	vld [tilespmem:s20+$0x9840];
	[tilespmem:s15+$0xFFFFC030] =	vst v0  }
0x3f5: {  	v19 =	vadd.s32 v25, v19;
	[tilespmem:s20+$0x9840] =	vst v0;
	v23 =	vld [tilespmem:s20+$0xA840]  }
0x3f6: {  	vm0 =	vmneg vm1;
	v19 =	vadd.s32 v26, v19;
	[tilespmem:s20+$0xA840] =	vst v0;
	v25 =	vld [tilespmem:s20+$0xB840]  }
0x3f7: {  	vm0 =	vmand vm2, vm0;
	s21 =	sadd.s32 $0x7, s17;
	v19 =	vadd.s32 v21, v19;
	[tilespmem:s20+$0xB840] =	vst v0;
	v21 =	vld [tilespmem:s20+$0xC840]  }
0x3f8: {  	v16 =	vsel vm0, s21, v16;
	vm2 =	vge.s32 v19, v12;
	[tilespmem:s20+$0xC840] =	vst v0;
	v26 =	vld [tilespmem:s20+$0xD840];
	v24 =	vadd.s32 v24, v19  }
0x3f9: {  	v14 =	vsel vm0, v14, v15;
	s21 =	sadd.s32 $0x6, s17;
	vm1 =	vmor vm5, vm2;
	[tilespmem:s20+$0xD840] =	vst v0;
	v15 =	vld [tilespmem:s20+$0xE840];
	v22 =	vadd.s32 v22, v24  }
0x3fa: {  	v16 =	vsel vm3, s21, v16;
	s21 =	sadd.s32 $0x20, s18;
	[tilespmem:s20+$0xE840] =	vst v0;
	v24 =	vld [tilespmem:s20+$0xF840];
	v22 =	vadd.s32 v23, v22;
	vm0 =	vmneg vm1  }
0x3fb: {  	s22 =	sadd.s32 $0x5, s17;
	v14 =	vsel vm3, v17, v14;
	vm2 =	vmand vm2, vm4;
	[tilespmem:s20+$0xF840] =	vst v0;
	v17 =	vadd.s32 v25, v22;
	s20 =	sand.u32 $0xF80, s21;
	v22 =	vld [tilespmem:s15+$0xFFFFC020]  }
0x3fc: {  	v16 =	vsel vm2, s22, v16;
	v18 =	vsel vm2, v18, v14;
	v14 =	vadd.s32 v21, v17;
	v17 =	vld [tilespmem:s20+$0x9830];
	[tilespmem:s15+$0xFFFFC020] =	vst v0  }
0x3fd: {  	v14 =	vadd.s32 v26, v14;
	[tilespmem:s20+$0x9830] =	vst v0;
	v21 =	vld [tilespmem:s20+$0xA830]  }
0x3fe: {  	v14 =	vadd.s32 v15, v14;
	[tilespmem:s20+$0xA830] =	vst v0;
	v15 =	vld [tilespmem:s20+$0xB830]  }
0x3ff: {  	v14 =	vadd.s32 v24, v14;
	[tilespmem:s20+$0xB830] =	vst v0;
	v23 =	vld [tilespmem:s20+$0xC830]  }
0x400: {  	vm2 =	vge.s32 v14, v12;
	[tilespmem:s20+$0xC830] =	vst v0;
	v24 =	vld [tilespmem:s20+$0xD830];
	v20 =	vadd.s32 v20, v14  }
0x401: {  	vm3 =	vmand vm2, vm0;
	vm1 =	vmor vm1, vm2;
	[tilespmem:s20+$0xD830] =	vst v0;
	v25 =	vld [tilespmem:s20+$0xE830];
	v20 =	vadd.s32 v17, v20  }
0x402: {  	s21 =	sadd.s32 $0x10, s18;
	v17 =	vsel vm3, v19, v18;
	[tilespmem:s20+$0xE830] =	vst v0;
	v18 =	vld [tilespmem:s20+$0xF830];
	v19 =	vadd.s32 v21, v20;
	vm0 =	vmneg vm1  }
0x403: {  	[tilespmem:s20+$0xF830] =	vst v0;
	v15 =	vadd.s32 v15, v19;
	s20 =	sand.u32 $0xF80, s21;
	v19 =	vld [tilespmem:s15+$0xFFFFC010]  }
0x404: {  	v15 =	vadd.s32 v23, v15;
	v20 =	vld [tilespmem:s20+$0x9820];
	[tilespmem:s15+$0xFFFFC010] =	vst v0  }
0x405: {  	v15 =	vadd.s32 v24, v15;
	[tilespmem:s20+$0x9820] =	vst v0;
	v21 =	vld [tilespmem:s20+$0xA820]  }
0x406: {  	v15 =	vadd.s32 v25, v15;
	[tilespmem:s20+$0xA820] =	vst v0;
	v23 =	vld [tilespmem:s20+$0xB820]  }
0x407: {  	v18 =	vadd.s32 v18, v15;
	[tilespmem:s20+$0xB820] =	vst v0;
	v15 =	vld [tilespmem:s20+$0xC820]  }
0x408: {  	vm4 =	vge.s32 v18, v12;
	[tilespmem:s20+$0xC820] =	vst v0;
	v24 =	vld [tilespmem:s20+$0xD820];
	v22 =	vadd.s32 v22, v18  }
0x409: {  	vm2 =	vmand vm4, vm0;
	[tilespmem:s20+$0xD820] =	vst v0;
	v25 =	vld [tilespmem:s20+$0xE820];
	v20 =	vadd.s32 v20, v22  }
0x40a: {  	[tilespmem:s20+$0xE820] =	vst v0;
	v22 =	vld [tilespmem:s20+$0xF820];
	v20 =	vadd.s32 v21, v20  }
0x40b: {  	[tilespmem:s20+$0xF820] =	vst v0;
	v20 =	vadd.s32 v23, v20;
	s20 =	sand.u32 $0xF80, s18;
	v26 =	vld [tilespmem:s15+$0x3000]  }
0x40c: {  	v15 =	vadd.s32 v15, v20;
	v20 =	vld [tilespmem:s20+$0x9810];
	[tilespmem:s15+$0x3000] =	vst v0  }
0x40d: {  	v15 =	vadd.s32 v24, v15;
	[tilespmem:s20+$0x9810] =	vst v0;
	v21 =	vld [tilespmem:s20+$0xA810]  }
0x40e: {  	v15 =	vadd.s32 v25, v15;
	[tilespmem:s20+$0xA810] =	vst v0;
	v23 =	vld [tilespmem:s20+$0xB810]  }
0x40f: {  	v25 =	vadd.s32 v22, v15;
	[tilespmem:s20+$0xB810] =	vst v0;
	v15 =	vld [tilespmem:s20+$0xC810]  }
0x410: {  	[tilespmem:s20+$0xC810] =	vst v0;
	v22 =	vld [tilespmem:s20+$0xD810];
	v19 =	vadd.s32 v19, v25  }
0x411: {  	[tilespmem:s20+$0xD810] =	vst v0;
	v24 =	vld [tilespmem:s20+$0xE810];
	v19 =	vadd.s32 v20, v19  }
0x412: {  	[tilespmem:s20+$0xE810] =	vst v0;
	v20 =	vld [tilespmem:s20+$0xF810];
	v19 =	vadd.s32 v21, v19  }
0x413: {  	s21 =	sadd.s32 $0x4, s17;
	[tilespmem:s20+$0xF810] =	vst v0;
	v19 =	vadd.s32 v23, v19;
	v21 =	vld [tilespmem:s15+$0xFFFFC000]  }
0x414: {  	v16 =	vsel vm3, s21, v16;
	s20 =	sadd.s32 $0x3, s17;
	v15 =	vadd.s32 v15, v19;
	[tilespmem:s15+$0xFFFFC000] =	vst v0;
	v19 =	vld [tilespmem:s15+$0xFFFFD000]  }
0x415: {  	v16 =	vsel vm2, s20, v16;
	v15 =	vadd.s32 v22, v15;
	[tilespmem:s15+$0xFFFFD000] =	vst v0;
	v22 =	vld [tilespmem:s15+$0xFFFFE000]  }
0x416: {  	vm0 =	vmor vm1, vm4;
	vm4 =	vge.s32 v25, v12;
	v15 =	vadd.s32 v24, v15;
	[tilespmem:s15+$0xFFFFE000] =	vst v0;
	v23 =	vld [tilespmem:s15+$0xFFFFF000]  }
0x417: {  	vm5 =	vmneg vm0;
	vm0 =	vmor vm0, vm4;
	v15 =	vadd.s32 v20, v15;
	[tilespmem:s15+$0xFFFFF000] =	vst v0;
	v24 =	vld [tilespmem:s15+$0x0]  }
0x418: {  	vm1 =	vmneg vm0;
	vm6 =	vge.s32 v15, v12;
	[tilespmem:s15+$0x0] =	vst v0;
	v27 =	vld [tilespmem:s15+$0x1000];
	v20 =	vadd.s32 v21, v15  }
0x419: {  	s18 =	sadd.s32 $0xFFFFFF80, s18;
	s15 =	sadd.s32 $0xFFFFFF80, s15;
	vm3 =	vmand vm6, vm1;
	vm1 =	vmor vm0, vm6;
	[tilespmem:s16+$0x1000] =	vst v0;
	v28 =	vld [tilespmem:s16+$0x2000];
	v19 =	vadd.s32 v19, v20  }
0x41a: {  	s21 =	sadd.s32 $0x2, s17;
	vm4 =	vmand vm4, vm5;
	s20 =	sadd.s32 $0x60, s18;
	v29 =	vld [tilespmem:s15+$0xFFFFC070];
	[tilespmem:s16+$0x2000] =	vst v0;
	v19 =	vadd.s32 v22, v19;
	vm0 =	vmneg vm1;
	s16 =	smov.u32 s15  }
0x41b: {  	s20 =	sand.u32 $0xF80, s20;
	v16 =	vsel vm4, s21, v16;
	s21 =	sadd.s32 $0x1, s17;
	[tilespmem:s15+$0xFFFFC070] =	vst v0;
	v20 =	vld [tilespmem:s15+$0xFFFFC060];
	v19 =	vadd.s32 v23, v19  }
0x41c: {  	v16 =	vsel vm3, s21, v16;
	v30 =	vld [tilespmem:s20+$0x9870];
	[tilespmem:s15+$0xFFFFC060] =	vst v0;
	v19 =	vadd.s32 v24, v19  }
.Ltmp13:
0x41d: {  	[tilespmem:s20+$0x9870] =	vst v0;
	v21 =	vld [tilespmem:s20+$0xA870];
	v19 =	vadd.s32 v27, v19;
	(pc) =	sbr.rel @p1 .LBB2_23-.Ltmp13, $4  }
0x41e: {  	[tilespmem:s20+$0xA870] =	vst v0;
	v22 =	vld [tilespmem:s20+$0xB870];
	v19 =	vadd.s32 v28, v19  }
0x41f: {  	v17 =	vsel vm2, v14, v17;
	[tilespmem:s20+$0xB870] =	vst v0;
	v23 =	vld [tilespmem:s20+$0xC870];
	v14 =	vadd.s32 v26, v19  }
0x420: {  	v17 =	vsel vm4, v18, v17;
	[tilespmem:s20+$0xC870] =	vst v0;
	v24 =	vld [tilespmem:s20+$0xD870];
	v19 =	vadd.s32 v14, v29;
	vm2 =	vge.s32 v14, v12  }
0x421: {  	s21 =	sadd.s32 $0x50, s18;
	v17 =	vsel vm3, v25, v17;
	[tilespmem:s20+$0xD870] =	vst v0;
	v18 =	vld [tilespmem:s20+$0xE870];
	v19 =	vadd.s32 v30, v19;
	vm3 =	vmand vm2, vm0  }
0x422: {  	v25 =	vld [tilespmem:s20+$0xF870]  }
0x423: {  	v28 =	vld [tilespmem:s15+$0xFFFFC050]  }
0x424: {  	v29 =	vld [tilespmem:s15+$0xFFFFC030]  }
0x425: {  	v30 =	vld [tilespmem:s15+$0xFFFFC020]  }
0x426: {  	v31 =	vld [tilespmem:s15+$0xFFFFC010]  }
0x427: {  	v32 =	vld [tilespmem:s15+$0x3000]  }
0x428: {  	s19 =	sand.u32 $0xF80, s21;
	v43 =	vld [tilespmem:s15+$0xFFFFC000]  }
0x429: {  	v26 =	vld [tilespmem:s19+$0x9860]  }
0x42a: {  	v27 =	vld [tilespmem:s19+$0xA860]  }
0x42b: {  	v19 =	vadd.s32 v21, v19;
	v21 =	vld [tilespmem:s19+$0xB860]  }
0x42c: {  	v19 =	vadd.s32 v22, v19;
	v22 =	vld [tilespmem:s19+$0xC860]  }
0x42d: {  	[tilespmem:s15+$0xFFFFC010] =	vst v0;
	s28 =	sand.u32 $0xF80, s18;
	v46 =	vld [tilespmem:s19+$0xE860]  }
0x42e: {  	[tilespmem:s14+$0xE870] =	vst v0;
	v39 =	vld [tilespmem:s28+$0x9810];
	v19 =	vadd.s32 v23, v19  }
0x42f: {  	[tilespmem:s20+$0xF870] =	vst v0;
	v40 =	vld [tilespmem:s28+$0xA810];
	v19 =	vadd.s32 v24, v19  }
0x430: {  	[tilespmem:s15+$0xFFFFC050] =	vst v0;
	v41 =	vld [tilespmem:s28+$0xB810];
	v18 =	vadd.s32 v18, v19  }
0x431: {  	[tilespmem:s15+$0xFFFFC030] =	vst v0;
	v42 =	vld [tilespmem:s28+$0xC810];
	v18 =	vadd.s32 v25, v18  }
0x432: {  	[tilespmem:s15+$0xFFFFC020] =	vst v0;
	v23 =	vld [tilespmem:s19+$0xD860];
	v20 =	vadd.s32 v20, v18  }
0x433: {  	[tilespmem:s15+$0x3000] =	vst v0;
	v44 =	vld [tilespmem:s28+$0xD810];
	v20 =	vadd.s32 v26, v20  }
0x434: {  	s23 =	sadd.s32 $0x40, s18;
	[tilespmem:s15+$0xFFFFC000] =	vst v0;
	v19 =	vld [tilespmem:s19+$0xF860];
	v20 =	vadd.s32 v27, v20  }
0x435: {  	[tilespmem:s20+$0xE870] =	vst v0;
	s14 =	sand.u32 $0xF80, s23;
	v45 =	vld [tilespmem:s28+$0xE810];
	v20 =	vadd.s32 v21, v20  }
0x436: {  	[tilespmem:s19+$0x9860] =	vst v0;
	v47 =	vld [tilespmem:s14+$0x9850];
	v20 =	vadd.s32 v22, v20  }
0x437: {  	[tilespmem:s19+$0xA860] =	vst v0;
	v48 =	vld [tilespmem:s14+$0xA850];
	v20 =	vadd.s32 v23, v20  }
0x438: {  	[tilespmem:s19+$0xB860] =	vst v0;
	v49 =	vld [tilespmem:s14+$0xB850];
	v20 =	vadd.s32 v46, v20  }
0x439: {  	[tilespmem:s19+$0xC860] =	vst v0;
	v21 =	vld [tilespmem:s14+$0xC850];
	v19 =	vadd.s32 v19, v20  }
0x43a: {  	[tilespmem:s19+$0xE860] =	vst v0;
	v23 =	vld [tilespmem:s14+$0xD850];
	v28 =	vadd.s32 v28, v19  }
0x43b: {  	[tilespmem:s19+$0xD860] =	vst v0;
	v50 =	vld [tilespmem:s14+$0xE850];
	v25 =	vadd.s32 v47, v28  }
0x43c: {  	s24 =	sadd.s32 $0x30, s18;
	[tilespmem:s19+$0xF860] =	vst v0;
	v20 =	vld [tilespmem:s14+$0xF850];
	v25 =	vadd.s32 v48, v25  }
0x43d: {  	s19 =	sand.u32 $0xF80, s24;
	v22 =	vld [tilespmem:s15+$0xFFFFC040];
	[tilespmem:s15+$0xFFFFC040] =	vst v0;
	v25 =	vadd.s32 v49, v25  }
0x43e: {  	[tilespmem:s28+$0x9810] =	vst v0;
	v51 =	vld [tilespmem:s19+$0x9840];
	v21 =	vadd.s32 v21, v25  }
0x43f: {  	[tilespmem:s14+$0x9850] =	vst v0;
	v52 =	vld [tilespmem:s19+$0xA840];
	v21 =	vadd.s32 v23, v21  }
0x440: {  	[tilespmem:s14+$0xA850] =	vst v0;
	v53 =	vld [tilespmem:s19+$0xB840];
	v21 =	vadd.s32 v50, v21  }
0x441: {  	[tilespmem:s14+$0xB850] =	vst v0;
	v54 =	vld [tilespmem:s19+$0xC840];
	v21 =	vadd.s32 v20, v21  }
0x442: {  	[tilespmem:s14+$0xE850] =	vst v0;
	v23 =	vld [tilespmem:s19+$0xD840];
	v22 =	vadd.s32 v22, v21  }
0x443: {  	[tilespmem:s14+$0xC850] =	vst v0;
	v55 =	vld [tilespmem:s19+$0xE840];
	v22 =	vadd.s32 v51, v22  }
0x444: {  	s25 =	sadd.s32 $0x20, s18;
	[tilespmem:s14+$0xD850] =	vst v0;
	v20 =	vld [tilespmem:s19+$0xF840];
	v22 =	vadd.s32 v52, v22  }
0x445: {  	v33 =	vld [tilespmem:s28+$0xF810];
	[tilespmem:s14+$0xF850] =	vst v0;
	s14 =	sand.u32 $0xF80, s25;
	v22 =	vadd.s32 v53, v22  }
0x446: {  	[tilespmem:s28+$0xA810] =	vst v0;
	v56 =	vld [tilespmem:s14+$0x9830];
	v22 =	vadd.s32 v54, v22  }
0x447: {  	[tilespmem:s19+$0x9840] =	vst v0;
	v57 =	vld [tilespmem:s14+$0xA830];
	v22 =	vadd.s32 v23, v22  }
0x448: {  	[tilespmem:s19+$0xA840] =	vst v0;
	v58 =	vld [tilespmem:s14+$0xB830];
	v22 =	vadd.s32 v55, v22  }
0x449: {  	[tilespmem:s19+$0xB840] =	vst v0;
	v59 =	vld [tilespmem:s14+$0xC830];
	v20 =	vadd.s32 v20, v22  }
0x44a: {  	[tilespmem:s19+$0xC840] =	vst v0;
	v23 =	vld [tilespmem:s14+$0xD830];
	v29 =	vadd.s32 v29, v20  }
0x44b: {  	[tilespmem:s19+$0xE840] =	vst v0;
	v60 =	vld [tilespmem:s14+$0xE830];
	v28 =	vadd.s32 v56, v29  }
0x44c: {  	s26 =	sadd.s32 $0x10, s18;
	[tilespmem:s19+$0xD840] =	vst v0;
	v22 =	vld [tilespmem:s14+$0xF830];
	v26 =	vadd.s32 v57, v28  }
0x44d: {  	v46 =	vld [tilespmem:s15+$0xFFFFE000];
	[tilespmem:s19+$0xF840] =	vst v0;
	s19 =	sand.u32 $0xF80, s26;
	v26 =	vadd.s32 v58, v26  }
0x44e: {  	[tilespmem:s28+$0xB810] =	vst v0;
	v61 =	vld [tilespmem:s19+$0x9820];
	v25 =	vadd.s32 v59, v26  }
0x44f: {  	[tilespmem:s28+$0xC810] =	vst v0;
	v62 =	vld [tilespmem:s19+$0xA820];
	v23 =	vadd.s32 v23, v25  }
0x450: {  	[tilespmem:s28+$0xD810] =	vst v0;
	v63 =	vld [tilespmem:s19+$0xB820];
	v23 =	vadd.s32 v60, v23  }
0x451: {  	[tilespmem:s28+$0xE810] =	vst v0;
	v36 =	vld [tilespmem:s19+$0xC820];
	v22 =	vadd.s32 v22, v23  }
0x452: {  	[tilespmem:s28+$0xF810] =	vst v0;
	v37 =	vld [tilespmem:s19+$0xD820];
	v30 =	vadd.s32 v30, v22  }
0x453: {  	[tilespmem:s15+$0xFFFFE000] =	vst v0;
	v38 =	vld [tilespmem:s19+$0xE820];
	v29 =	vadd.s32 v61, v30  }
0x454: {  	vm0 =	vmor vm1, vm2;
	v16 =	vsel vm3, s17, v16;
	[tilespmem:s14+$0x9830] =	vst v0;
	v23 =	vld [tilespmem:s19+$0xF820];
	v28 =	vadd.s32 v62, v29  }
0x455: {  	v15 =	vsel vm3, v15, v17;
	vm1 =	vge.s32 v18, v12;
	[tilespmem:s14+$0xA830] =	vst v0;
	v27 =	vadd.s32 v63, v28  }
0x456: {  	v13 =	vshll.u32 v13, $0x8;
	vm2 =	vmor vm0, vm1;
	[tilespmem:s14+$0xB830] =	vst v0;
	v26 =	vadd.s32 v36, v27  }
0x457: {  	vm0 =	vmneg vm0;
	vm4 =	vmneg vm2;
	[tilespmem:s14+$0xC830] =	vst v0;
	v25 =	vadd.s32 v37, v26  }
0x458: {  	vm0 =	vmand vm1, vm0;
	[tilespmem:s14+$0xE830] =	vst v0;
	vm5 =	vge.s32 v19, v12;
	v24 =	vadd.s32 v38, v25  }
0x459: {  	s29 =	sadd.s32 $0xFFFFFFF8, s17;
	v14 =	vsel vm0, v14, v15;
	vm3 =	vmand vm5, vm4;
	v47 =	vld [tilespmem:s15+$0xFFFFF000];
	[tilespmem:s15+$0xFFFFF000] =	vst v0;
	v17 =	vadd.s32 v23, v24  }
0x45a: {  	s17 =	sadd.s32 $0x7, s29;
	vm2 =	vmor vm2, vm5;
	v14 =	vsel vm3, v18, v14;
	v18 =	vld [tilespmem:s15+$0x0];
	[tilespmem:s15+$0x0] =	vst v0;
	v24 =	vadd.s32 v31, v17  }
0x45b: {  	s30 =	sadd.s32 $0x6, s29;
	v16 =	vsel vm0, s17, v16;
	vm10 =	vmneg vm2;
	[tilespmem:s19+$0x9820] =	vst v0;
	v24 =	vadd.s32 v39, v24  }
0x45c: {  	v16 =	vsel vm3, s30, v16;
	[tilespmem:s19+$0xA820] =	vst v0;
	vm1 =	vge.s32 v21, v12;
	v24 =	vadd.s32 v40, v24  }
0x45d: {  	s31 =	sadd.s32 $0x5, s29;
	[tilespmem:s19+$0xB820] =	vst v0;
	vm0 =	vmor vm2, vm1;
	vm1 =	vmand vm1, vm10;
	v15 =	vadd.s32 v41, v24  }
0x45e: {  	[tilespmem:s19+$0xC820] =	vst v0;
	vm2 =	vmneg vm0;
	v16 =	vsel vm1, s31, v16;
	v23 =	vld [tilespmem:s15+$0xFFFFD000];
	v15 =	vadd.s32 v42, v15  }
0x45f: {  	s25 =	simm.s32 $0x4;
	[tilespmem:s19+$0xD820] =	vst v0;
	v14 =	vsel vm1, v19, v14;
	vm3 =	vge.s32 v20, v12;
	v15 =	vadd.s32 v44, v15  }
0x460: {  	[tilespmem:s19+$0xE820] =	vst v0;
	v55 =	vmov s25;
	vm1 =	vmand vm3, vm2;
	v15 =	vadd.s32 v45, v15  }
0x461: {  	[tilespmem:s14+$0xD830] =	vst v0;
	vm2 =	vmor vm0, vm3;
	v14 =	vsel vm1, v21, v14;
	v15 =	vadd.s32 v33, v15  }
0x462: {  	s17 =	sadd.s32 $0x4, s29;
	v19 =	vld [tilespmem:s15+$0x1000];
	vm0 =	vmneg vm2;
	vm3 =	vge.s32 v22, v12;
	[tilespmem:s15+$0xFFFFD000] =	vst v0;
	v21 =	vadd.s32 v43, v15  }
0x463: {  	v16 =	vsel vm1, s17, v16;
	[tilespmem:s19+$0xF820] =	vst v0;
	s19 =	sadd.s32 $0x3, s29;
	vm0 =	vmand vm3, vm0;
	v48 =	vld [tilespmem:s16+$0x2000];
	v21 =	vadd.s32 v23, v21  }
0x464: {  	[tilespmem:s14+$0xF830] =	vst v0;
	vm1 =	vmor vm2, vm3;
	v16 =	vsel vm0, s19, v16;
	v21 =	vadd.s32 v46, v21  }
0x465: {  	v14 =	vsel vm0, v20, v14;
	[tilespmem:s16+$0x1000] =	vst v0;
	vm2 =	vge.s32 v17, v12;
	v21 =	vadd.s32 v47, v21  }
0x466: {  	s20 =	simm.s32 $0x4840;
	[tilespmem:s16+$0x2000] =	vst v0;
	vm3 =	vmor vm1, vm2;
	vm1 =	vmneg vm1;
	v18 =	vadd.s32 v18, v21  }
0x467: {  	v20 =	vld [tilespmem:s20+$0x10];
	vm11 =	vmneg vm3;
	vm1 =	vmand vm2, vm1;
	v18 =	vadd.s32 v19, v18  }
0x468: {  	s21 =	sadd.s32 $0x2, s29;
	v14 =	vsel vm1, v22, v14;
	v22 =	vld [tilespmem:s20+$0xFFFFFFC0];
	vm12 =	vge.s32 v15, v12;
	v18 =	vadd.s32 v48, v18  }
0x469: {  	v16 =	vsel vm1, s21, v16;
	vm3 =	vmor vm3, vm12;
	v19 =	vld [tilespmem:s20+$0xFFFFFFD0];
	v18 =	vadd.s32 v32, v18  }
0x46a: {  	s22 =	sadd.s32 $0x1, s29;
	vm4 =	vmand vm12, vm11;
	vm2 =	vmneg vm3;
	v21 =	vld [tilespmem:s20+$0xFFFFFFF0];
	vm3 =	vge.s32 v18, v12  }
0x46b: {  	s28 =	simm.s32 $0x5;
	v56 =	vshll.u32 v55, $0x3;
	v23 =	vld [tilespmem:s20+$0x30];
	v16 =	vsel vm4, s22, v16;
	vm0 =	vmand vm3, vm2  }
0x46c: {  	v58 =	vmov s28;
	v14 =	vsel vm4, v17, v14;
	v18 =	vld [tilespmem:s20+$0xFFFFFFE0];
	v16 =	vsel vm0, s29, v16  }
0x46d: {  	v59 =	vand.u32 $0x7D, v58;
	v14 =	vsel vm0, v15, v14;
	v13 =	vor.u32 v13, v16  }
0x46e: {  	v15 =	vld [tilespmem:s20+$0x0];
	v12 =	vsub.s32 v12, v14;
	v14 =	vimm.s32 $0x0;
	vm2 =	veq.s32 v19, v13  }
0x46f: {  	v16 =	vld [tilespmem:s20+$0x20];
	vm1 =	veq.s32 v21, v13;
	vm14 =	veq.s32 v20, v13;
	vm3 =	veq.s32 v22, v13  }
0x470: {  	vm6 =	vgt.u32 v21, v13;
	vm0 =	veq.s32 v23, v13;
	v17 =	vsel vm2, $0x1, v0  }
0x471: {  	vm13 =	veq.s32 v18, v13;
	v49 =	vsel vm1, $0x1, v0;
	v21 =	vsel vm3, $0x1, v0  }
0x472: {  	v50 =	vsel vm14, $0x1, v0;
	v14 =	vadd.s32 v21, v14;
	v21 =	vsel vm13, $0x1, v0  }
0x473: {  	vm8 =	veq.s32 v15, v13;
	v17 =	vadd.s32 v17, v14;
	vm9 =	vle.s32 v14, v12  }
0x474: {  	s24 =	simm.s32 $0x2;
	vm7 =	veq.s32 v16, v13;
	v52 =	vsel vm8, $0x1, v0;
	v14 =	vadd.s32 v21, v17  }
0x475: {  	vm3 =	vmand vm3, vm9;
	v21 =	vmov s24;
	v51 =	vsel vm7, $0x1, v0  }
0x476: {  	vm15 =	vle.s32 v14, v12;
	v14 =	vadd.s32 v49, v14;
	v54 =	vshll.u32 v21, $0x3  }
0x477: {  	v21 =	vand.u32 $0x7A, v21;
	vm4 =	vmand vm13, vm15;
	vm12 =	vle.s32 v14, v12  }
0x478: {  	s23 =	simm.s32 $0x1;
	v14 =	vadd.s32 v52, v14;
	vm13 =	vgt.u32 v18, v13;
	vm15 =	vgt.u32 v15, v13  }
0x479: {  	v15 =	vmov s23;
	v25 =	vand.u32 $0x1C00, v54;
	vm1 =	vmand vm1, vm12  }
0x47a: {  	v18 =	vadd.s32 v50, v14;
	vm4 =	vmor vm13, vm4;
	vm12 =	vle.s32 v14, v12  }
0x47b: {  	vm13 =	vgt.u32 v20, v13;
	v53 =	vshll.u32 v15, $0x3;
	v15 =	vand.u32 $0x79, v15  }
0x47c: {  	vm6 =	vmor vm6, vm1;
	vm1 =	vle.s32 v18, v12;
	v18 =	vadd.s32 v51, v18  }
0x47d: {  	vm8 =	vmand vm8, vm12;
	v24 =	vand.u32 $0x1C00, v53;
	v57 =	vsel vm4, $0x3F800000, v11  }
0x47e: {  	vm5 =	vmand vm14, vm1;
	vm1 =	vle.s32 v18, v12;
	vm14 =	vgt.u32 v16, v13  }
0x47f: {  	v16 =	vsel vm0, $0x1, v0;
	v15 =	vor.u32 v15, v24;
	vm1 =	vmand vm7, vm1  }
0x480: {  	v14 =	vadd.s32 v16, v18;
	vm5 =	vmor vm13, vm5;
	vm7 =	vmor vm15, vm8  }
0x481: {  	v18 =	vsel vm6, $0x3F800000, v11;
	vm15 =	vgt.u32 v19, v13;
	v15 =	vadd.s32 v1, v15  }
0x482: {  	s26 =	simm.s32 $0x3;
	vm1 =	vmor vm14, vm1;
	vm14 =	vle.s32 v14, v12;
	v16 =	vsel vm7, $0x3F800000, v11  }
0x483: {  	vm8 =	vmand vm0, vm14;
	vm0 =	vgt.u32 v22, v13;
	v22 =	vmov s26  }
0x484: {  	vm0 =	vmor vm0, vm3;
	vm3 =	vle.s32 v17, v12;
	v17 =	vand.u32 $0x1C00, v56  }
0x485: {  	v19 =	vshll.u32 v22, $0x3;
	v22 =	vand.u32 $0x7B, v22;
	vm3 =	vmand vm2, vm3  }
0x486: {  	vm2 =	vgt.u32 v23, v13;
	v23 =	vand.u32 $0x7C, v55;
	v19 =	vand.u32 $0x1C00, v19  }
0x487: {  	s29 =	simm.s32 $0x6;
	v23 =	vor.u32 v23, v17;
	v17 =	vor.u32 v21, v25;
	v21 =	vshll.u32 v58, $0x3  }
0x488: {  	v25 =	vadd.s32 v1, v17;
	v17 =	vmov s29;
	v21 =	vand.u32 $0x1C00, v21  }
0x489: {  	v19 =	vor.u32 v22, v19;
	v22 =	vshll.u32 v17, $0x3;
	v21 =	vor.u32 v59, v21  }
0x48a: {  	v60 =	vadd.s32 v1, v19;
	v19 =	vand.u32 $0x1C00, v22;
	v22 =	vadd.s32 v1, v21  }
0x48b: {  	s30 =	simm.s32 $0x0;
	s31 =	simm.s32 $0x7;
	v20 =	vsel vm5, $0x3F800000, v11;
	vm2 =	vmor vm2, vm8;
	v17 =	vand.u32 $0x7E, v17  }
0x48c: {  	v21 =	vor.u32 v17, v19;
	v17 =	vmov s31;
	v19 =	vmov s30  }
0x48d: {  	v61 =	vand.u32 $0x78, v19;
	v19 =	vshll.u32 v19, $0x3;
	v62 =	vshll.u32 v17, $0x3  }
0x48e: {  	v17 =	vand.u32 $0x7F, v17;
	v21 =	vadd.s32 v1, v21;
	v63 =	vand.u32 $0x1C00, v19  }
0x48f: {  	v27 =	vand.u32 $0x1C00, v62;
	v26 =	vor.u32 v61, v63;
	[tilespmem:v22+s10+$0x0] =	vst.idx.msk $0xffff, v20;
	v20 =	vadd.s32 v1, v23  }
0x490: {  	v19 =	vsel vm0, $0x3F800000, v11;
	[tilespmem:v60+s10+$0x0] =	vst.idx.msk $0xffff, v18;
	v27 =	vor.u32 v17, v27;
	v17 =	vadd.s32 v1, v26  }
0x491: {  	s14 =	simm.s32 $0x8;
	s15 =	simm.s32 $0x48C0;
	vm0 =	vmor vm15, vm3;
	[tilespmem:v25+s10+$0x0] =	vst.idx.msk $0xffff, v57;
	v22 =	vsel vm1, $0x3F800000, v11;
	v18 =	vadd.s32 v1, v27  }
.LBB2_25:
0x492: {  	_ = 	snop  }
0x493: {  	s17 =	sadd.s32 $0x1, s14;
	s18 =	sadd.s32 $0x2, s14;
	v24 =	vsel vm0, $0x3F800000, v11;
	[tilespmem:v21+s10+$0x0] =	vst.idx.msk $0xffff, v22  }
0x494: {  	v23 =	vld [tilespmem:s15+$0xFFFFFFD0];
	s19 =	sadd.s32 $0x4, s14;
	s16 =	smov.u32 s14;
	[tilespmem:v20+s10+$0x0] =	vst.idx.msk $0xffff, v16;
	v16 =	vsel vm2, $0x3F800000, v11;
	v21 =	vmov s17;
	v22 =	vmov s18  }
0x495: {  	v25 =	vld [tilespmem:s15+$0xFFFFFFF0];
	[tilespmem:v17+s10+$0x0] =	vst.idx.msk $0xffff, v19;
	v28 =	vmov s19;
	s29 =	sadd.s32 $0x3, s16;
	v20 =	vshll.u32 v21, $0x3;
	v27 =	vshll.u32 v22, $0x3  }
0x496: {  	v26 =	vld [tilespmem:s15+$0xFFFFFFE0];
	s30 =	sadd.s32 $0x5, s16;
	[tilespmem:v18+s10+$0x0] =	vst.idx.msk $0xffff, v16;
	s31 =	sadd.s32 $0x6, s16;
	v17 =	vand.u32 $0x79, v21;
	v19 =	vmov s29;
	v16 =	vand.u32 $0x7C, v28  }
0x497: {  	v57 =	vld [tilespmem:s15+$0x10];
	[tilespmem:v15+s10+$0x0] =	vst.idx.msk $0xffff, v24;
	v58 =	vmov s30;
	v61 =	vmov s31;
	v15 =	vand.u32 $0x1C00, v20  }
0x498: {  	v20 =	vand.u32 $0x7A, v22;
	v22 =	vshll.u32 v28, $0x3;
	v27 =	vand.u32 $0x1C00, v27  }
0x499: {  	v32 =	vshll.u32 v58, $0x3;
	v62 =	vshll.u32 v61, $0x3;
	v22 =	vand.u32 $0x1C00, v22  }
0x49a: {  	v18 =	vld [tilespmem:s15+$0xFFFFFFC0];
	v20 =	vor.u32 v20, v27;
	v15 =	vor.u32 v17, v15;
	vm2 =	veq.s32 v23, v13  }
0x49b: {  	v21 =	vld [tilespmem:s15+$0x0];
	vm0 =	vgt.u32 v23, v13;
	v23 =	vimm.s32 $0x0;
	v22 =	vor.u32 v16, v22  }
0x49c: {  	v30 =	vld [tilespmem:s15+$0x30];
	vm10 =	veq.s32 v25, v13;
	vm13 =	veq.s32 v26, v13;
	vm8 =	veq.s32 v57, v13  }
0x49d: {  	vm14 =	vgt.u32 v25, v13;
	v60 =	vadd.s32 v1, v20;
	vm15 =	vgt.u32 v26, v13  }
0x49e: {  	v15 =	vadd.s32 v1, v15;
	vm1 =	vgt.u32 v57, v13;
	v26 =	vand.u32 $0x7E, v61  }
0x49f: {  	v23 =	vsel vm0, $0xFFFFFFFF, v23;
	v29 =	vsel vm2, $0x1, v0;
	v59 =	vsel vm10, $0x1, v0  }
0x4a0: {  	v16 =	vld [tilespmem:s15+$0x20];
	v31 =	vsel vm8, $0x1, v0;
	vm5 =	veq.s32 v18, v13;
	[tilespmem:$0x1FFF0] =	vst v23;
	v23 =	vshll.u32 v19, $0x3  }
0x4a1: {  	v19 =	vand.u32 $0x7B, v19;
	vm7 =	veq.s32 v21, v13;
	vm11 =	veq.s32 v30, v13  }
0x4a2: {  	v33 =	vsel vm5, $0x1, v0;
	vm6 =	vgt.u32 v21, v13;
	v21 =	vsel vm13, $0x1, v0  }
0x4a3: {  	vm3 =	vgt.u32 v30, v13;
	v17 =	vsel vm11, $0x1, v0;
	v14 =	vadd.s32 v33, v14  }
0x4a4: {  	v20 =	vsel vm7, $0x1, v0;
	v29 =	vadd.s32 v29, v14;
	vm0 =	vle.s32 v14, v12  }
0x4a5: {  	vm9 =	vgt.u32 v16, v13;
	vm12 =	veq.s32 v16, v13;
	v14 =	vadd.s32 v21, v29  }
0x4a6: {  	vm5 =	vmand vm5, vm0;
	vm0 =	vle.s32 v14, v12;
	v14 =	vadd.s32 v59, v14  }
0x4a7: {  	vm0 =	vmand vm13, vm0;
	vm13 =	vle.s32 v14, v12;
	v14 =	vadd.s32 v20, v14  }
0x4a8: {  	vm10 =	vmand vm10, vm13;
	vm13 =	vle.s32 v14, v12;
	v14 =	vadd.s32 v31, v14  }
0x4a9: {  	v16 =	vsel vm12, $0x1, v0;
	vm14 =	vmor vm14, vm10;
	vm10 =	vle.s32 v14, v12  }
0x4aa: {  	vm4 =	vle.s32 v29, v12;
	v14 =	vadd.s32 v16, v14;
	vm8 =	vmand vm8, vm10  }
0x4ab: {  	vm10 =	vle.s32 v14, v12;
	v14 =	vadd.s32 v17, v14;
	v17 =	vand.u32 $0x1C00, v23  }
0x4ac: {  	v21 =	vand.u32 $0x1C00, v32;
	v20 =	vand.u32 $0x7D, v58;
	v17 =	vor.u32 v19, v17  }
0x4ad: {  	s28 =	sadd.s32 $0x7, s16;
	vm4 =	vmand vm2, vm4;
	v19 =	vor.u32 v20, v21;
	v23 =	vadd.s32 v1, v17  }
0x4ae: {  	vm15 =	vmor vm15, vm0;
	v20 =	vmov s28;
	v19 =	vadd.s32 v1, v19  }
0x4af: {  	v16 =	vand.u32 $0x1C00, v62;
	vm0 =	vmand vm12, vm10;
	v63 =	vshll.u32 v20, $0x3  }
0x4b0: {  	vm12 =	vmor vm9, vm0;
	v20 =	vand.u32 $0x7F, v20;
	v24 =	vand.u32 $0x1C00, v63  }
0x4b1: {  	vm9 =	vmor vm1, vm8;
	v24 =	vor.u32 v20, v24;
	v20 =	vsel vm14, $0x3F800000, v11  }
0x4b2: {  	v21 =	vmov s16;
	[tilespmem:v23+s10+$0x0] =	vst.idx.msk $0xffff, v20;
	v20 =	vadd.s32 v1, v22;
	v22 =	vsel vm9, $0x3F800000, v11  }
0x4b3: {  	v16 =	vor.u32 v26, v16;
	v17 =	vand.u32 $0x78, v21;
	v21 =	vshll.u32 v21, $0x3;
	[tilespmem:v19+s10+$0x0] =	vst.idx.msk $0xffff, v22;
	v22 =	vld [tilespmem:$0x1FFF0]  }
0x4b4: {  	p1 =	slt.u32 s14, $0x3F8;
	vm0 =	vle.s32 v14, v12;
	vm1 =	vmand vm7, vm13;
	v21 =	vand.u32 $0x1C00, v21  }
.Ltmp14:
0x4b5: {  	vm0 =	vmand vm11, vm0;
	vm1 =	vmor vm6, vm1;
	v17 =	vor.u32 v17, v21;
	(pc) =	sbr.rel @p1 .LBB2_25-.Ltmp14, $4  }
0x4b6: {  	v21 =	vadd.s32 v1, v16;
	v16 =	vsel vm1, $0x3F800000, v11;
	vm1 =	vgt.u32 v18, v13  }
0x4b7: {  	vm2 =	vmor vm3, vm0;
	v17 =	vadd.s32 v1, v17;
	v18 =	vadd.s32 v1, v24  }
0x4b8: {  	vm1 =	vmor vm1, vm5;
	v23 =	vsel vm15, $0x3F800000, v11;
	vm0 =	vnez.u8 v22  }
0x4b9: {  	s14 =	sadd.s32 $0x8, s14;
	s15 =	sadd.s32 $0x80, s15;
	v19 =	vsel vm1, $0x3F800000, v11;
	[tilespmem:v60+s10+$0x0] =	vst.idx.msk $0xffff, v23;
	v22 =	vsel vm12, $0x3F800000, v11;
	vm0 =	vmor vm0, vm4  }
0x4ba: {  	_ =	sdelay $0x3  }
0x4bb: {  	[tilespmem:v21+s10+$0x0] =	vst.idx.msk $0xffff, v22  }
0x4bc: {  	[tilespmem:v20+s10+$0x0] =	vst.idx.msk $0xffff, v16  }
0x4bd: {  	v12 =	vsel vm0, $0x3F800000, v11;
	[tilespmem:v17+s10+$0x0] =	vst.idx.msk $0xffff, v19  }
0x4be: {  	v63 =	vsel vm2, $0x3F800000, v11;
	[tilespmem:v15+s10+$0x0] =	vst.idx.msk $0xffff, v12  }
0x4bf: {  	s13 =	sadd.s32 s1, s13;
	[tilespmem:v18+s10+$0x0] =	vst.idx.msk $0xffff, v63  }
0x4c0: {  	[hbm4b:s13+s2] =	stream.linear.scatter [tilespmem:s10], [sflag:$0x1], $0x2000, $0x38;
	[tilespmem:$0x15000] =	vst v63  }
0x4c1: {  	s13 =	sadd.s32 $0x400, s13  }
0x4c2: {  	[hbm4b:s13+s2] =	stream.linear.scatter [tilespmem:s11], [sflag:$0x1], $0x2000, $0x38;
	[tilespmem:$0x15000] =	vst v63  }
.Ltmp15:
0x4c3: {  	_ = 	snop;
	(pc) =	sbr.rel @p0 .LBB2_2-.Ltmp15, $4  }
.Ltmp16:
0x4c4: {  	_ = 	snop;
	(pc) =	sbr.rel @!p0 .LBB2_27-.Ltmp16, $4  }
0x4c5: {  	_ =	swait.ge [sflag:s8], $0x4000  }
0x4c6: {  	[sflag:s8] =	ssyncset.done $0x0  }
0x4c7: {  	p1 =	por $0x0, $0x0;
	vm8 =	vmxor vm8, vm8;
	s13 =	simm.s32 $0x10000;
	[sflag:s8] =	ssyncadd.s32 $0xFFFFC000  }
0x4c8: {  	_ = 	snop  }
.LBB2_7:
.Ltmp17:
0x4c9: {  	(pc) =	sbr.rel .LBB2_12-.Ltmp17, $2  }
0x4ca: {  	_ =	sdelay $0x2  }
0x4cb: {  	s23 =	smov.u32 s17;
	s19 =	simm.s32 $0xF8;
	v14 =	vimm.s32 $0x0;
	s18 =	simm.s32 $0xD780  }
.LBB2_9:
.Ltmp18:
0x4cc: {  	(pc) =	sbr.rel .LBB2_12-.Ltmp18, $3  }
0x4cd: {  	_ =	sdelay $0x1  }
0x4ce: {  	s19 =	simm.s32 $0xF8  }
0x4cf: {  	s20 =	simm.s32 $0xF8;
	s21 =	simm.s32 $0xD700;
	s18 =	simm.s32 $0xD700  }
.LBB2_28:
0x4d0: {  	_ =	sfence.sel $0x180000  }
0x4d1: {  	[bflag:$0x0] =	sbarrier.arrive $0xFFFF  }
0x4d2: {  	p0 =	sne.s32 s3, $0x0;
	_ =	strace $0x90000047  }
0x4d3: {  	s0 =	sadd.s32 @!p0 $0x100000, s0;
	[bflag:$0x2] =	sbarrier.arrive $0xFFFF  }
0x4d4: {  	[sflag:s0] =	ssyncadd.tile.s32 @!p0 $0x1;
	_ =	shalt  }
.Lfunc_end2:
_tile_overlayer_lowered:
.L_overlay_start_2:
0x4d5: {  	(tag) =	ssettag $0x2  }
0x4d6: {  	s0 =	rddreg [dreg:$0x0];
	s2 =	stileid.u32  }
0x4d7: {  	s1 =	rddreg [dreg:$0x1];
	p0 =	sne.s32 s2, $0x0  }
0x4d8: {  	s3 =	rddreg [dreg:$0x2];
	[bflag:$0x3] =	sbarrier.arrive $0xFFFF;
	s2 =	simm.s32 @!p0 $0x1C01  }
0x4d9: {  	[timem:s3], [sflag:s2] =	dma.local @!p0 [hbm:s0], s1  }
0x4da: {  	s0 =	simm.s32 @!p0 $0x1  }
0x4db: {  	_ =	swait.ge @!p0 [sflag:s0], s1  }
0x4dc: {  	s1 =	ssub.s32 @!p0 $0x0, s1;
	[sflag:s0] =	ssyncset.done @!p0 $0x0  }
0x4dd: {  	[sflag:s0] =	ssyncadd.s32 @!p0 s1  }
0x4de: {  	[bflag:$0x3] =	sbarrier.arrive $0xFFFF  }
0x4df: {  	_ =	shalt  }

</sc_bundles>
